<compile_context>
chip_gen: v7x
topology: tpu7x:2x2x1
jax: 0.10.2.dev20260603
libtpu: 0.0.44.dev20260713+nightly
codegen_flags: <defaults>
</compile_context>

<pallas_src>
import functools

import jax
import jax.numpy as jnp
from jax import lax
from jax.experimental import pallas as pl
from jax.experimental.pallas import tpu as pltpu
from jax.experimental.pallas import tpu_sc as plsc

_B = 4096
_L = 200
_ND = 8
_F = 32
_VOCABS = (7, 24, 2, 100, 12, 31)
_NDEST = 1000000
_QS = 256000

_NC = 2
_NS = 16
_NW = _NC * _NS
_RPW = _B // _NW
_IPW = _RPW * _L
_NCH = _RPW
_GA = 128
_GB = _L - _GA
_NCC = (_L + 15) // 16
_TBLK = 4000


def _prep_body(users_ref, items_ref, dow_ref, time_ref, sex_ref, age_ref,
               month_ref, day_ref, w_ref, b_ref, u_ref, it_ref):
    tables = (dow_ref, time_ref, sex_ref, age_ref, month_ref, day_ref)
    u = jnp.broadcast_to(b_ref[...], (_B, _F))
    for k, (tbl, v) in enumerate(zip(tables, _VOCABS)):
        proj = jnp.dot(tbl[...], w_ref[k * _ND:(k + 1) * _ND, :],
                       preferred_element_type=jnp.float32)
        col = users_ref[:, k:k + 1]
        iota = lax.broadcasted_iota(jnp.int32, (_B, v), 1)
        onehot = (col == iota).astype(jnp.float32)
        u = u + jnp.dot(onehot, proj, preferred_element_type=jnp.float32)
    u_ref[:, : _F] = u
    u_ref[:, _F:] = jnp.zeros((_B, 128 - _F), jnp.float32)
    it = items_ref[...]
    q = it // _QS
    packed = (it - q * _QS) | lax.shift_left(q, 20)
    it_ref[0] = packed[:, : _GA]
    it_ref[1] = jnp.pad(packed[:, _GA:], ((0, 0), (0, 128 - _GB)))


def _prep(users, items, dow, time, sex, age, month, day, w, b):
    return pl.pallas_call(
        _prep_body,
        out_shape=(jax.ShapeDtypeStruct((_B, 128), jnp.float32),
                   jax.ShapeDtypeStruct((2, _B, 128), jnp.int32)),
    )(users, items, dow, time, sex, age, month, day, w, b.reshape(1, _F))


def _sc_repack(table):
    m = 1024
    nch = _QS // m
    nblk = _NDEST // m
    table_t = table.T

    def body(x0, x1, x2, x3, o_ref):
        o_ref[...] = jnp.concatenate(
            [x[...].T for x in (x0, x1, x2, x3)], axis=1)

    return pl.pallas_call(
        body,
        grid=(nch,),
        in_specs=[pl.BlockSpec(
            (_F, m), lambda i, kk=kk: (0, jnp.minimum(i + nch * kk, nblk)))
            for kk in range(4)],
        out_specs=pl.BlockSpec((m, 128), lambda i: (i, 0)),
        out_shape=jax.ShapeDtypeStruct((_QS, 128), jnp.float32),
    )(table_t, table_t, table_t, table_t)


def _sc_dot(u_pad, items3d, table4):
    mesh = plsc.VectorSubcoreMesh(core_axis_name="c", subcore_axis_name="s")

    @functools.partial(
        pl.kernel,
        out_type=jax.ShapeDtypeStruct((_B * _L,), jnp.float32),
        mesh=mesh,
        compiler_params=pltpu.CompilerParams(needs_layout_passes=False,
                                             use_tc_tiling_on_sc=False),
        scratch_types=[
            pltpu.VMEM((_RPW, _F), jnp.float32),
            pltpu.VMEM((_RPW, _GA), jnp.int32),
            pltpu.VMEM((_RPW + 1, _GB), jnp.int32),
            pltpu.VMEM((_L + 8,), jnp.int32),
            pltpu.VMEM((_L + 8,), jnp.int32),
            pltpu.VMEM((_L + 8,), jnp.int32),
            pltpu.VMEM((_L + 8,), jnp.int32),
            pltpu.VMEM((_L + 8, 128), jnp.float32),
            pltpu.VMEM((_L + 8, 128), jnp.float32),
            pltpu.VMEM((_L + 8,), jnp.float32),
            pltpu.VMEM((_L + 8,), jnp.float32),
            pltpu.SemaphoreType.DMA,
            pltpu.SemaphoreType.DMA,
            pltpu.SemaphoreType.DMA,
            pltpu.SemaphoreType.DMA,
        ],
    )
    def k(u_hbm, items_hbm, table_hbm, out_hbm,
          u_v, idx_a, idx_b, raw0, raw1, sh0, sh1, rows0, rows1, out0, out1,
          gs0, gs1, os0, os1):
        wid = lax.axis_index("s") * _NC + lax.axis_index("c")
        rbase = wid * _RPW
        lanes = lax.iota(jnp.int32, 16)

        pltpu.sync_copy(u_hbm.at[pl.ds(rbase, _RPW), pl.ds(0, _F)], u_v)
        pltpu.sync_copy(items_hbm.at[0, pl.ds(rbase, _RPW)], idx_a)
        pltpu.sync_copy(items_hbm.at[1, pl.ds(rbase, _RPW), pl.ds(0, _GB)],
                        idx_b.at[pl.ds(0, _RPW)])

        def transform_and_fire(c, raw, sh, rows, gs):
            rsplat = jnp.full((16,), c, jnp.int32)
            for cc in range(_NCC):
                if cc < 8:
                    itv = plsc.load_gather(idx_a, [rsplat, lanes + cc * 16])
                else:
                    itv = plsc.load_gather(idx_b,
                                           [rsplat, lanes + (cc - 8) * 16])
                raw[pl.ds(cc * 16, 16)] = itv
                sh[pl.ds(cc * 16, 16)] = itv & 0xFFFFF
            pltpu.async_copy(table_hbm.at[sh.at[pl.ds(0, _GA)]],
                             rows.at[pl.ds(0, _GA)], gs)
            pltpu.async_copy(table_hbm.at[sh.at[pl.ds(_GA, _GB)]],
                             rows.at[pl.ds(_GA, _GB)], gs)

        def wait_gathers(sh, rows, gs):
            pltpu.make_async_copy(table_hbm.at[sh.at[pl.ds(0, _GA)]],
                                  rows.at[pl.ds(0, _GA)], gs).wait()
            pltpu.make_async_copy(table_hbm.at[sh.at[pl.ds(_GA, _GB)]],
                                  rows.at[pl.ds(_GA, _GB)], gs).wait()

        def compute(c, raw, rows, out_v):
            rsplat = jnp.full((16,), c, jnp.int32)
            u_lo = plsc.load_gather(u_v, [rsplat, lanes])
            u_hi = plsc.load_gather(u_v, [rsplat, lanes + 16])

            @plsc.parallel_loop(0, _NCC, 1)
            def cch(cc):
                base = cc * 16
                ridx = base + lanes
                itv = raw[pl.ds(base, 16)]
                sub = lax.shift_right_logical(itv, 15) & 96
                accs = [jnp.zeros((16,), jnp.float32) for _ in range(4)]
                for f in range(_F):
                    src = u_lo if f < 16 else u_hi
                    ub = src.at[jnp.full((16,), f % 16, jnp.int32)].get(
                        mode="promise_in_bounds")
                    vals = plsc.load_gather(rows, [ridx, sub + f])
                    accs[f % 4] = accs[f % 4] + ub * vals
                out_v[pl.ds(base, 16)] = ((accs[0] + accs[1])
                                          + (accs[2] + accs[3]))

        def slot(c, raw, sh, rows, out_v, raw_n, sh_n, rows_n,
                 gs_mine, gs_next, os_mine):
            pl.when(c + 1 < _NCH)(
                lambda: transform_and_fire(c + 1, raw_n, sh_n, rows_n,
                                           gs_next))
            wait_gathers(sh, rows, gs_mine)
            pl.when(c >= 2)(lambda: pltpu.make_async_copy(
                out_v.at[pl.ds(0, _L)],
                out_hbm.at[pl.ds(wid * _IPW, _L)], os_mine).wait())
            compute(c, raw, rows, out_v)
            pltpu.async_copy(out_v.at[pl.ds(0, _L)],
                             out_hbm.at[pl.ds(wid * _IPW + c * _L, _L)],
                             os_mine)

        transform_and_fire(0, raw0, sh0, rows0, gs0)

        def pair(i, carry):
            c = 2 * i
            slot(c, raw0, sh0, rows0, out0, raw1, sh1, rows1, gs0, gs1, os0)
            slot(c + 1, raw1, sh1, rows1, out1, raw0, sh0, rows0,
                 gs1, gs0, os1)
            return carry

        lax.fori_loop(0, _NCH // 2, pair, 0)
        pltpu.make_async_copy(out0.at[pl.ds(0, _L)],
                              out_hbm.at[pl.ds(wid * _IPW, _L)], os0).wait()
        pltpu.make_async_copy(out1.at[pl.ds(0, _L)],
                              out_hbm.at[pl.ds(wid * _IPW, _L)], os1).wait()

    return k(u_pad, items3d, table4)


def kernel(users, items, dow_emb, time_emb, sex_emb, age_emb, month_emb,
           day_emb, W, b, item_table):
    users = users.astype(jnp.int32)
    items = items.astype(jnp.int32)
    u_pad, items3d = _prep(users, items, dow_emb, time_emb, sex_emb, age_emb,
                           month_emb, day_emb, W, b)
    table4 = _sc_repack(item_table)
    out = _sc_dot(u_pad, items3d, table4)
    return out.reshape(_B, _L)

# --- scband reference (transcript-rebuilt; emitter-appended) ---
"""Pipeline reference for scband-matrix-factorization-11020886081847 (READ-ONLY COPY).

The authoritative reference and input builder live on the scoring server;
editing this copy changes nothing except your own understanding.
"""

import jax, jax.numpy as jnp
import numpy as np

B = 4096
L = 200
NUM_DIM = 8
NUM_FACTOR = 32
VOCABS = [7, 24, 2, 100, 12, 31]  # dayofweek, time, sex, age, month, day
NUM_DEST = 1000000


def setup_inputs(seed: int = 0) -> dict:
    key = jax.random.key(seed)
    ks = jax.random.split(key, 12)
    # users: [B, 6] int columns = (dayofweek, time, sex, age, month, day)
    # fill_max=2 keeps every column in-range for the smallest vocab (sex=2)
    users = jax.random.randint(ks[0], (B, 6), 0, 2)
    items = jax.random.randint(ks[1], (B, L), 0, NUM_DEST)
    dow_emb = jax.random.normal(ks[2], (VOCABS[0], NUM_DIM), dtype=jnp.float32)
    time_emb = jax.random.normal(ks[3], (VOCABS[1], NUM_DIM), dtype=jnp.float32)
    sex_emb = jax.random.normal(ks[4], (VOCABS[2], NUM_DIM), dtype=jnp.float32)
    age_emb = jax.random.normal(ks[5], (VOCABS[3], NUM_DIM), dtype=jnp.float32)
    month_emb = jax.random.normal(ks[6], (VOCABS[4], NUM_DIM), dtype=jnp.float32)
    day_emb = jax.random.normal(ks[7], (VOCABS[5], NUM_DIM), dtype=jnp.float32)
    W = jax.random.normal(ks[8], (6 * NUM_DIM, NUM_FACTOR), dtype=jnp.float32) * 0.1
    b = jnp.zeros((NUM_FACTOR,), dtype=jnp.float32)
    item_table = jax.random.normal(ks[9], (NUM_DEST, NUM_FACTOR), dtype=jnp.float32)
    return {"users": users, "items": items, "dow_emb": dow_emb, "time_emb": time_emb,
            "sex_emb": sex_emb, "age_emb": age_emb, "month_emb": month_emb,
            "day_emb": day_emb, "W": W, "b": b, "item_table": item_table}


def reference(users, items, dow_emb, time_emb, sex_emb, age_emb, month_emb, day_emb, W, b, item_table):
    # CreatingUserId: per-field embedding lookup, concat, linear projection to num_factor
    feats = jnp.concatenate([
        jnp.take(dow_emb, users[:, 0], axis=0),
        jnp.take(time_emb, users[:, 1], axis=0),
        jnp.take(sex_emb, users[:, 2], axis=0),
        jnp.take(age_emb, users[:, 3], axis=0),
        jnp.take(month_emb, users[:, 4], axis=0),
        jnp.take(day_emb, users[:, 5], axis=0),
    ], axis=-1)                                   # [B, 6*num_dim]
    u = feats @ W + b                             # [B, num_factor]
    item_e = jnp.take(item_table, items, axis=0)  # [B, L, num_factor]
    # torch.mm(user_emb, item_emb.transpose(1,2)) -> batched user-item dot products
    out = jnp.einsum('bf,blf->bl', u, item_e)     # [B, L]
    return out

if __name__ == "__main__":
    import jax
    _d = setup_inputs()
    print(jax.jit(kernel)(*tuple(_d.values())))

</pallas_src>

<mosaic_0001>
#map = affine_map<(d0, d1) -> (0, 0)>
#map1 = affine_map<(d0, d1) -> (0, 0, 0)>
#map2 = affine_map<(d0, d1) -> (0)>
module attributes {stable_mosaic.version = 14 : i64} {
  func.func @k(%arg0: i32, %arg1: i32, %arg2: memref<4096x128xf32, #tpu.memory_space<hbm>>, %arg3: memref<2x4096x128xi32, #tpu.memory_space<hbm>>, %arg4: memref<256000x128xf32, #tpu.memory_space<hbm>>, %arg5: memref<819200xf32, #tpu.memory_space<hbm>>, %arg6: memref<128x32xf32, #tpu.memory_space<vmem>>, %arg7: memref<128x128xi32, #tpu.memory_space<vmem>>, %arg8: memref<129x72xi32, #tpu.memory_space<vmem>>, %arg9: memref<208xi32, #tpu.memory_space<vmem>>, %arg10: memref<208xi32, #tpu.memory_space<vmem>>, %arg11: memref<208xi32, #tpu.memory_space<vmem>>, %arg12: memref<208xi32, #tpu.memory_space<vmem>>, %arg13: memref<208x128xf32, #tpu.memory_space<vmem>>, %arg14: memref<208x128xf32, #tpu.memory_space<vmem>>, %arg15: memref<208xf32, #tpu.memory_space<vmem>>, %arg16: memref<208xf32, #tpu.memory_space<vmem>>, %arg17: memref<!tpu.dma_semaphore, #tpu.memory_space<semaphore_mem>>, %arg18: memref<!tpu.dma_semaphore, #tpu.memory_space<semaphore_mem>>, %arg19: memref<!tpu.dma_semaphore, #tpu.memory_space<semaphore_mem>>, %arg20: memref<!tpu.dma_semaphore, #tpu.memory_space<semaphore_mem>>) attributes {dimension_semantics = [#tpu.dimension_semantics<core_parallel>, #tpu.dimension_semantics<subcore_parallel>], iteration_bounds = array<i64: 2, 16>, scalar_prefetch = 0 : i64, scratch_operands = 15 : i64, tpu.core_type = #tpu.core_type<sc_vector_subcore>, window_params = [{transform_indices = #map}, {transform_indices = #map1}, {transform_indices = #map}, {transform_indices = #map2}]} {
    %mul3A = arith.constant 2 : i32
    %mul3A_0 = arith.muli %arg1, %mul3A : i32
    %add3A = arith.addi %mul3A_0, %arg0 : i32
    %mul3A_1 = arith.constant 128 : i32
    %mul3A_2 = arith.muli %add3A, %mul3A_1 : i32
    %iota3A = tpu.iota {dimensions = array<i32: 0>} : vector<16xi32>
    "tpu.region"() ({
      %run_scoped3A_180 = tpu.sem_alloc : memref<!tpu.dma_semaphore, #tpu.memory_space<semaphore_mem>>
      %dma_start3A_181 = arith.constant 0 : i32
      %dma_start3A_182 = tpu.memref_slice %arg2[%mul3A_2, %dma_start3A_181] : memref<4096x128xf32, #tpu.memory_space<hbm>> -> memref<128x32xf32, #tpu.memory_space<hbm>>
      %dma_start3A_183 = arith.constant 0 : i32
      %dma_start3A_184 = tpu.memref_slice %arg2[%mul3A_2, %dma_start3A_183] : memref<4096x128xf32, #tpu.memory_space<hbm>> -> memref<128x32xf32, #tpu.memory_space<hbm>>
      tpu.enqueue_dma source(%dma_start3A_184 : memref<128x32xf32, #tpu.memory_space<hbm>>) target(%arg6 : memref<128x32xf32, #tpu.memory_space<vmem>>) target_semaphore(%run_scoped3A_180 : memref<!tpu.dma_semaphore, #tpu.memory_space<semaphore_mem>>)
      %dma_wait3A_185 = arith.constant 0 : i32
      %dma_wait3A_186 = tpu.memref_slice %arg2[%mul3A_2, %dma_wait3A_185] : memref<4096x128xf32, #tpu.memory_space<hbm>> -> memref<128x32xf32, #tpu.memory_space<hbm>>
      %dma_wait3A_187 = arith.constant 0 : i32
      %dma_wait3A_188 = tpu.memref_slice %arg2[%mul3A_2, %dma_wait3A_187] : memref<4096x128xf32, #tpu.memory_space<hbm>> -> memref<128x32xf32, #tpu.memory_space<hbm>>
      tpu.wait_dma2 semaphore(%run_scoped3A_180 : memref<!tpu.dma_semaphore, #tpu.memory_space<semaphore_mem>>) src(%dma_wait3A_188 : memref<128x32xf32, #tpu.memory_space<hbm>>) dst(%arg6 : memref<128x32xf32, #tpu.memory_space<vmem>>)
      tpu.yield
    }) : () -> ()
    %run_scoped3A = arith.constant 0 : i32
    "tpu.region"() ({
      %run_scoped3A_180 = tpu.sem_alloc : memref<!tpu.dma_semaphore, #tpu.memory_space<semaphore_mem>>
      %dma_start3A_181 = arith.constant 0 : i32
      %dma_start3A_182 = tpu.memref_slice %arg3[%run_scoped3A, %mul3A_2, %dma_start3A_181] : memref<2x4096x128xi32, #tpu.memory_space<hbm>> -> memref<1x128x128xi32, #tpu.memory_space<hbm>>
      %dma_start3A_183 = tpu.memref_squeeze %dma_start3A_182 : memref<1x128x128xi32, #tpu.memory_space<hbm>> -> memref<128x128xi32, #tpu.memory_space<hbm>>
      %dma_start3A_184 = arith.constant 0 : i32
      %dma_start3A_185 = tpu.memref_slice %arg3[%run_scoped3A, %mul3A_2, %dma_start3A_184] : memref<2x4096x128xi32, #tpu.memory_space<hbm>> -> memref<1x128x128xi32, #tpu.memory_space<hbm>>
      %dma_start3A_186 = tpu.memref_squeeze %dma_start3A_185 : memref<1x128x128xi32, #tpu.memory_space<hbm>> -> memref<128x128xi32, #tpu.memory_space<hbm>>
      tpu.enqueue_dma source(%dma_start3A_186 : memref<128x128xi32, #tpu.memory_space<hbm>>) target(%arg7 : memref<128x128xi32, #tpu.memory_space<vmem>>) target_semaphore(%run_scoped3A_180 : memref<!tpu.dma_semaphore, #tpu.memory_space<semaphore_mem>>)
      %dma_wait3A_187 = arith.constant 0 : i32
      %dma_wait3A_188 = tpu.memref_slice %arg3[%run_scoped3A, %mul3A_2, %dma_wait3A_187] : memref<2x4096x128xi32, #tpu.memory_space<hbm>> -> memref<1x128x128xi32, #tpu.memory_space<hbm>>
      %dma_wait3A_189 = tpu.memref_squeeze %dma_wait3A_188 : memref<1x128x128xi32, #tpu.memory_space<hbm>> -> memref<128x128xi32, #tpu.memory_space<hbm>>
      %dma_wait3A_190 = arith.constant 0 : i32
      %dma_wait3A_191 = tpu.memref_slice %arg3[%run_scoped3A, %mul3A_2, %dma_wait3A_190] : memref<2x4096x128xi32, #tpu.memory_space<hbm>> -> memref<1x128x128xi32, #tpu.memory_space<hbm>>
      %dma_wait3A_192 = tpu.memref_squeeze %dma_wait3A_191 : memref<1x128x128xi32, #tpu.memory_space<hbm>> -> memref<128x128xi32, #tpu.memory_space<hbm>>
      tpu.wait_dma2 semaphore(%run_scoped3A_180 : memref<!tpu.dma_semaphore, #tpu.memory_space<semaphore_mem>>) src(%dma_wait3A_192 : memref<128x128xi32, #tpu.memory_space<hbm>>) dst(%arg7 : memref<128x128xi32, #tpu.memory_space<vmem>>)
      tpu.yield
    }) : () -> ()
    %run_scoped3A_3 = arith.constant 1 : i32
    "tpu.region"() ({
      %run_scoped3A_180 = tpu.sem_alloc : memref<!tpu.dma_semaphore, #tpu.memory_space<semaphore_mem>>
      %dma_start3A_181 = arith.constant 0 : i32
      %dma_start3A_182 = arith.constant 0 : i32
      %dma_start3A_183 = tpu.memref_slice %arg8[%dma_start3A_181, %dma_start3A_182] : memref<129x72xi32, #tpu.memory_space<vmem>> -> memref<128x72xi32, #tpu.memory_space<vmem>>
      %dma_start3A_184 = arith.constant 0 : i32
      %dma_start3A_185 = tpu.memref_slice %arg3[%run_scoped3A_3, %mul3A_2, %dma_start3A_184] : memref<2x4096x128xi32, #tpu.memory_space<hbm>> -> memref<1x128x72xi32, #tpu.memory_space<hbm>>
      %dma_start3A_186 = tpu.memref_squeeze %dma_start3A_185 : memref<1x128x72xi32, #tpu.memory_space<hbm>> -> memref<128x72xi32, #tpu.memory_space<hbm>>
      %dma_start3A_187 = arith.constant 0 : i32
      %dma_start3A_188 = arith.constant 0 : i32
      %dma_start3A_189 = tpu.memref_slice %arg8[%dma_start3A_187, %dma_start3A_188] : memref<129x72xi32, #tpu.memory_space<vmem>> -> memref<128x72xi32, #tpu.memory_space<vmem>>
      %dma_start3A_190 = arith.constant 0 : i32
      %dma_start3A_191 = tpu.memref_slice %arg3[%run_scoped3A_3, %mul3A_2, %dma_start3A_190] : memref<2x4096x128xi32, #tpu.memory_space<hbm>> -> memref<1x128x72xi32, #tpu.memory_space<hbm>>
      %dma_start3A_192 = tpu.memref_squeeze %dma_start3A_191 : memref<1x128x72xi32, #tpu.memory_space<hbm>> -> memref<128x72xi32, #tpu.memory_space<hbm>>
      tpu.enqueue_dma source(%dma_start3A_192 : memref<128x72xi32, #tpu.memory_space<hbm>>) target(%dma_start3A_189 : memref<128x72xi32, #tpu.memory_space<vmem>>) target_semaphore(%run_scoped3A_180 : memref<!tpu.dma_semaphore, #tpu.memory_space<semaphore_mem>>)
      %dma_wait3A_193 = arith.constant 0 : i32
      %dma_wait3A_194 = arith.constant 0 : i32
      %dma_wait3A_195 = tpu.memref_slice %arg8[%dma_wait3A_193, %dma_wait3A_194] : memref<129x72xi32, #tpu.memory_space<vmem>> -> memref<128x72xi32, #tpu.memory_space<vmem>>
      %dma_wait3A_196 = arith.constant 0 : i32
      %dma_wait3A_197 = tpu.memref_slice %arg3[%run_scoped3A_3, %mul3A_2, %dma_wait3A_196] : memref<2x4096x128xi32, #tpu.memory_space<hbm>> -> memref<1x128x72xi32, #tpu.memory_space<hbm>>
      %dma_wait3A_198 = tpu.memref_squeeze %dma_wait3A_197 : memref<1x128x72xi32, #tpu.memory_space<hbm>> -> memref<128x72xi32, #tpu.memory_space<hbm>>
      %dma_wait3A_199 = arith.constant 0 : i32
      %dma_wait3A_200 = arith.constant 0 : i32
      %dma_wait3A_201 = tpu.memref_slice %arg8[%dma_wait3A_199, %dma_wait3A_200] : memref<129x72xi32, #tpu.memory_space<vmem>> -> memref<128x72xi32, #tpu.memory_space<vmem>>
      %dma_wait3A_202 = arith.constant 0 : i32
      %dma_wait3A_203 = tpu.memref_slice %arg3[%run_scoped3A_3, %mul3A_2, %dma_wait3A_202] : memref<2x4096x128xi32, #tpu.memory_space<hbm>> -> memref<1x128x72xi32, #tpu.memory_space<hbm>>
      %dma_wait3A_204 = tpu.memref_squeeze %dma_wait3A_203 : memref<1x128x72xi32, #tpu.memory_space<hbm>> -> memref<128x72xi32, #tpu.memory_space<hbm>>
      tpu.wait_dma2 semaphore(%run_scoped3A_180 : memref<!tpu.dma_semaphore, #tpu.memory_space<semaphore_mem>>) src(%dma_wait3A_204 : memref<128x72xi32, #tpu.memory_space<hbm>>) dst(%dma_wait3A_201 : memref<128x72xi32, #tpu.memory_space<vmem>>)
      tpu.yield
    }) : () -> ()
    %broadcast_in_dim3A = arith.constant 0 : i32
    %broadcast_in_dim3A_4 = vector.broadcast %broadcast_in_dim3A : i32 to vector<16xi32>
    %add3A_5 = arith.constant 0 : i32
    %add3A_6 = vector.broadcast %add3A_5 : i32 to vector<16xi32>
    %add3A_7 = arith.addi %iota3A, %add3A_6 : vector<16xi32>
    %gather3A = tpu.vector_load_idx %arg7[%broadcast_in_dim3A_4, %add3A_7] : memref<128x128xi32, #tpu.memory_space<vmem>>[vector<16xi32>, vector<16xi32>], vector<16xi32>,
    %swap3A = arith.constant 0 : index
    %swap3A_8 = tpu.vector_load %arg9[%swap3A] {strides = array<i32>} : memref<208xi32, #tpu.memory_space<vmem>>, vector<16xi32>,
    tpu.vector_store %arg9[%swap3A], %gather3A {strides = array<i32>} : memref<208xi32, #tpu.memory_space<vmem>>, vector<16xi32>,
    %and3A = arith.constant 1048575 : i32
    %and3A_9 = vector.broadcast %and3A : i32 to vector<16xi32>
    %and3A_10 = arith.andi %gather3A, %and3A_9 : vector<16xi32>
    %swap3A_11 = arith.constant 0 : index
    %swap3A_12 = tpu.vector_load %arg11[%swap3A_11] {strides = array<i32>} : memref<208xi32, #tpu.memory_space<vmem>>, vector<16xi32>,
    tpu.vector_store %arg11[%swap3A_11], %and3A_10 {strides = array<i32>} : memref<208xi32, #tpu.memory_space<vmem>>, vector<16xi32>,
    %add3A_13 = arith.constant 16 : i32
    %add3A_14 = vector.broadcast %add3A_13 : i32 to vector<16xi32>
    %add3A_15 = arith.addi %iota3A, %add3A_14 : vector<16xi32>
    %gather3A_16 = tpu.vector_load_idx %arg7[%broadcast_in_dim3A_4, %add3A_15] : memref<128x128xi32, #tpu.memory_space<vmem>>[vector<16xi32>, vector<16xi32>], vector<16xi32>,
    %swap3A_17 = arith.constant 16 : index
    %swap3A_18 = tpu.vector_load %arg9[%swap3A_17] {strides = array<i32>} : memref<208xi32, #tpu.memory_space<vmem>>, vector<16xi32>,
    tpu.vector_store %arg9[%swap3A_17], %gather3A_16 {strides = array<i32>} : memref<208xi32, #tpu.memory_space<vmem>>, vector<16xi32>,
    %and3A_19 = arith.constant 1048575 : i32
    %and3A_20 = vector.broadcast %and3A_19 : i32 to vector<16xi32>
    %and3A_21 = arith.andi %gather3A_16, %and3A_20 : vector<16xi32>
    %swap3A_22 = arith.constant 16 : index
    %swap3A_23 = tpu.vector_load %arg11[%swap3A_22] {strides = array<i32>} : memref<208xi32, #tpu.memory_space<vmem>>, vector<16xi32>,
    tpu.vector_store %arg11[%swap3A_22], %and3A_21 {strides = array<i32>} : memref<208xi32, #tpu.memory_space<vmem>>, vector<16xi32>,
    %add3A_24 = arith.constant 32 : i32
    %add3A_25 = vector.broadcast %add3A_24 : i32 to vector<16xi32>
    %add3A_26 = arith.addi %iota3A, %add3A_25 : vector<16xi32>
    %gather3A_27 = tpu.vector_load_idx %arg7[%broadcast_in_dim3A_4, %add3A_26] : memref<128x128xi32, #tpu.memory_space<vmem>>[vector<16xi32>, vector<16xi32>], vector<16xi32>,
    %swap3A_28 = arith.constant 32 : index
    %swap3A_29 = tpu.vector_load %arg9[%swap3A_28] {strides = array<i32>} : memref<208xi32, #tpu.memory_space<vmem>>, vector<16xi32>,
    tpu.vector_store %arg9[%swap3A_28], %gather3A_27 {strides = array<i32>} : memref<208xi32, #tpu.memory_space<vmem>>, vector<16xi32>,
    %and3A_30 = arith.constant 1048575 : i32
    %and3A_31 = vector.broadcast %and3A_30 : i32 to vector<16xi32>
    %and3A_32 = arith.andi %gather3A_27, %and3A_31 : vector<16xi32>
    %swap3A_33 = arith.constant 32 : index
    %swap3A_34 = tpu.vector_load %arg11[%swap3A_33] {strides = array<i32>} : memref<208xi32, #tpu.memory_space<vmem>>, vector<16xi32>,
    tpu.vector_store %arg11[%swap3A_33], %and3A_32 {strides = array<i32>} : memref<208xi32, #tpu.memory_space<vmem>>, vector<16xi32>,
    %add3A_35 = arith.constant 48 : i32
    %add3A_36 = vector.broadcast %add3A_35 : i32 to vector<16xi32>
    %add3A_37 = arith.addi %iota3A, %add3A_36 : vector<16xi32>
    %gather3A_38 = tpu.vector_load_idx %arg7[%broadcast_in_dim3A_4, %add3A_37] : memref<128x128xi32, #tpu.memory_space<vmem>>[vector<16xi32>, vector<16xi32>], vector<16xi32>,
    %swap3A_39 = arith.constant 48 : index
    %swap3A_40 = tpu.vector_load %arg9[%swap3A_39] {strides = array<i32>} : memref<208xi32, #tpu.memory_space<vmem>>, vector<16xi32>,
    tpu.vector_store %arg9[%swap3A_39], %gather3A_38 {strides = array<i32>} : memref<208xi32, #tpu.memory_space<vmem>>, vector<16xi32>,
    %and3A_41 = arith.constant 1048575 : i32
    %and3A_42 = vector.broadcast %and3A_41 : i32 to vector<16xi32>
    %and3A_43 = arith.andi %gather3A_38, %and3A_42 : vector<16xi32>
    %swap3A_44 = arith.constant 48 : index
    %swap3A_45 = tpu.vector_load %arg11[%swap3A_44] {strides = array<i32>} : memref<208xi32, #tpu.memory_space<vmem>>, vector<16xi32>,
    tpu.vector_store %arg11[%swap3A_44], %and3A_43 {strides = array<i32>} : memref<208xi32, #tpu.memory_space<vmem>>, vector<16xi32>,
    %add3A_46 = arith.constant 64 : i32
    %add3A_47 = vector.broadcast %add3A_46 : i32 to vector<16xi32>
    %add3A_48 = arith.addi %iota3A, %add3A_47 : vector<16xi32>
    %gather3A_49 = tpu.vector_load_idx %arg7[%broadcast_in_dim3A_4, %add3A_48] : memref<128x128xi32, #tpu.memory_space<vmem>>[vector<16xi32>, vector<16xi32>], vector<16xi32>,
    %swap3A_50 = arith.constant 64 : index
    %swap3A_51 = tpu.vector_load %arg9[%swap3A_50] {strides = array<i32>} : memref<208xi32, #tpu.memory_space<vmem>>, vector<16xi32>,
    tpu.vector_store %arg9[%swap3A_50], %gather3A_49 {strides = array<i32>} : memref<208xi32, #tpu.memory_space<vmem>>, vector<16xi32>,
    %and3A_52 = arith.constant 1048575 : i32
    %and3A_53 = vector.broadcast %and3A_52 : i32 to vector<16xi32>
    %and3A_54 = arith.andi %gather3A_49, %and3A_53 : vector<16xi32>
    %swap3A_55 = arith.constant 64 : index
    %swap3A_56 = tpu.vector_load %arg11[%swap3A_55] {strides = array<i32>} : memref<208xi32, #tpu.memory_space<vmem>>, vector<16xi32>,
    tpu.vector_store %arg11[%swap3A_55], %and3A_54 {strides = array<i32>} : memref<208xi32, #tpu.memory_space<vmem>>, vector<16xi32>,
    %add3A_57 = arith.constant 80 : i32
    %add3A_58 = vector.broadcast %add3A_57 : i32 to vector<16xi32>
    %add3A_59 = arith.addi %iota3A, %add3A_58 : vector<16xi32>
    %gather3A_60 = tpu.vector_load_idx %arg7[%broadcast_in_dim3A_4, %add3A_59] : memref<128x128xi32, #tpu.memory_space<vmem>>[vector<16xi32>, vector<16xi32>], vector<16xi32>,
    %swap3A_61 = arith.constant 80 : index
    %swap3A_62 = tpu.vector_load %arg9[%swap3A_61] {strides = array<i32>} : memref<208xi32, #tpu.memory_space<vmem>>, vector<16xi32>,
    tpu.vector_store %arg9[%swap3A_61], %gather3A_60 {strides = array<i32>} : memref<208xi32, #tpu.memory_space<vmem>>, vector<16xi32>,
    %and3A_63 = arith.constant 1048575 : i32
    %and3A_64 = vector.broadcast %and3A_63 : i32 to vector<16xi32>
    %and3A_65 = arith.andi %gather3A_60, %and3A_64 : vector<16xi32>
    %swap3A_66 = arith.constant 80 : index
    %swap3A_67 = tpu.vector_load %arg11[%swap3A_66] {strides = array<i32>} : memref<208xi32, #tpu.memory_space<vmem>>, vector<16xi32>,
    tpu.vector_store %arg11[%swap3A_66], %and3A_65 {strides = array<i32>} : memref<208xi32, #tpu.memory_space<vmem>>, vector<16xi32>,
    %add3A_68 = arith.constant 96 : i32
    %add3A_69 = vector.broadcast %add3A_68 : i32 to vector<16xi32>
    %add3A_70 = arith.addi %iota3A, %add3A_69 : vector<16xi32>
    %gather3A_71 = tpu.vector_load_idx %arg7[%broadcast_in_dim3A_4, %add3A_70] : memref<128x128xi32, #tpu.memory_space<vmem>>[vector<16xi32>, vector<16xi32>], vector<16xi32>,
    %swap3A_72 = arith.constant 96 : index
    %swap3A_73 = tpu.vector_load %arg9[%swap3A_72] {strides = array<i32>} : memref<208xi32, #tpu.memory_space<vmem>>, vector<16xi32>,
    tpu.vector_store %arg9[%swap3A_72], %gather3A_71 {strides = array<i32>} : memref<208xi32, #tpu.memory_space<vmem>>, vector<16xi32>,
    %and3A_74 = arith.constant 1048575 : i32
    %and3A_75 = vector.broadcast %and3A_74 : i32 to vector<16xi32>
    %and3A_76 = arith.andi %gather3A_71, %and3A_75 : vector<16xi32>
    %swap3A_77 = arith.constant 96 : index
    %swap3A_78 = tpu.vector_load %arg11[%swap3A_77] {strides = array<i32>} : memref<208xi32, #tpu.memory_space<vmem>>, vector<16xi32>,
    tpu.vector_store %arg11[%swap3A_77], %and3A_76 {strides = array<i32>} : memref<208xi32, #tpu.memory_space<vmem>>, vector<16xi32>,
    %add3A_79 = arith.constant 112 : i32
    %add3A_80 = vector.broadcast %add3A_79 : i32 to vector<16xi32>
    %add3A_81 = arith.addi %iota3A, %add3A_80 : vector<16xi32>
    %gather3A_82 = tpu.vector_load_idx %arg7[%broadcast_in_dim3A_4, %add3A_81] : memref<128x128xi32, #tpu.memory_space<vmem>>[vector<16xi32>, vector<16xi32>], vector<16xi32>,
    %swap3A_83 = arith.constant 112 : index
    %swap3A_84 = tpu.vector_load %arg9[%swap3A_83] {strides = array<i32>} : memref<208xi32, #tpu.memory_space<vmem>>, vector<16xi32>,
    tpu.vector_store %arg9[%swap3A_83], %gather3A_82 {strides = array<i32>} : memref<208xi32, #tpu.memory_space<vmem>>, vector<16xi32>,
    %and3A_85 = arith.constant 1048575 : i32
    %and3A_86 = vector.broadcast %and3A_85 : i32 to vector<16xi32>
    %and3A_87 = arith.andi %gather3A_82, %and3A_86 : vector<16xi32>
    %swap3A_88 = arith.constant 112 : index
    %swap3A_89 = tpu.vector_load %arg11[%swap3A_88] {strides = array<i32>} : memref<208xi32, #tpu.memory_space<vmem>>, vector<16xi32>,
    tpu.vector_store %arg11[%swap3A_88], %and3A_87 {strides = array<i32>} : memref<208xi32, #tpu.memory_space<vmem>>, vector<16xi32>,
    %add3A_90 = arith.constant 0 : i32
    %add3A_91 = vector.broadcast %add3A_90 : i32 to vector<16xi32>
    %add3A_92 = arith.addi %iota3A, %add3A_91 : vector<16xi32>
    %gather3A_93 = tpu.vector_load_idx %arg8[%broadcast_in_dim3A_4, %add3A_92] : memref<129x72xi32, #tpu.memory_space<vmem>>[vector<16xi32>, vector<16xi32>], vector<16xi32>,
    %swap3A_94 = arith.constant 128 : index
    %swap3A_95 = tpu.vector_load %arg9[%swap3A_94] {strides = array<i32>} : memref<208xi32, #tpu.memory_space<vmem>>, vector<16xi32>,
    tpu.vector_store %arg9[%swap3A_94], %gather3A_93 {strides = array<i32>} : memref<208xi32, #tpu.memory_space<vmem>>, vector<16xi32>,
    %and3A_96 = arith.constant 1048575 : i32
    %and3A_97 = vector.broadcast %and3A_96 : i32 to vector<16xi32>
    %and3A_98 = arith.andi %gather3A_93, %and3A_97 : vector<16xi32>
    %swap3A_99 = arith.constant 128 : index
    %swap3A_100 = tpu.vector_load %arg11[%swap3A_99] {strides = array<i32>} : memref<208xi32, #tpu.memory_space<vmem>>, vector<16xi32>,
    tpu.vector_store %arg11[%swap3A_99], %and3A_98 {strides = array<i32>} : memref<208xi32, #tpu.memory_space<vmem>>, vector<16xi32>,
    %add3A_101 = arith.constant 16 : i32
    %add3A_102 = vector.broadcast %add3A_101 : i32 to vector<16xi32>
    %add3A_103 = arith.addi %iota3A, %add3A_102 : vector<16xi32>
    %gather3A_104 = tpu.vector_load_idx %arg8[%broadcast_in_dim3A_4, %add3A_103] : memref<129x72xi32, #tpu.memory_space<vmem>>[vector<16xi32>, vector<16xi32>], vector<16xi32>,
    %swap3A_105 = arith.constant 144 : index
    %swap3A_106 = tpu.vector_load %arg9[%swap3A_105] {strides = array<i32>} : memref<208xi32, #tpu.memory_space<vmem>>, vector<16xi32>,
    tpu.vector_store %arg9[%swap3A_105], %gather3A_104 {strides = array<i32>} : memref<208xi32, #tpu.memory_space<vmem>>, vector<16xi32>,
    %and3A_107 = arith.constant 1048575 : i32
    %and3A_108 = vector.broadcast %and3A_107 : i32 to vector<16xi32>
    %and3A_109 = arith.andi %gather3A_104, %and3A_108 : vector<16xi32>
    %swap3A_110 = arith.constant 144 : index
    %swap3A_111 = tpu.vector_load %arg11[%swap3A_110] {strides = array<i32>} : memref<208xi32, #tpu.memory_space<vmem>>, vector<16xi32>,
    tpu.vector_store %arg11[%swap3A_110], %and3A_109 {strides = array<i32>} : memref<208xi32, #tpu.memory_space<vmem>>, vector<16xi32>,
    %add3A_112 = arith.constant 32 : i32
    %add3A_113 = vector.broadcast %add3A_112 : i32 to vector<16xi32>
    %add3A_114 = arith.addi %iota3A, %add3A_113 : vector<16xi32>
    %gather3A_115 = tpu.vector_load_idx %arg8[%broadcast_in_dim3A_4, %add3A_114] : memref<129x72xi32, #tpu.memory_space<vmem>>[vector<16xi32>, vector<16xi32>], vector<16xi32>,
    %swap3A_116 = arith.constant 160 : index
    %swap3A_117 = tpu.vector_load %arg9[%swap3A_116] {strides = array<i32>} : memref<208xi32, #tpu.memory_space<vmem>>, vector<16xi32>,
    tpu.vector_store %arg9[%swap3A_116], %gather3A_115 {strides = array<i32>} : memref<208xi32, #tpu.memory_space<vmem>>, vector<16xi32>,
    %and3A_118 = arith.constant 1048575 : i32
    %and3A_119 = vector.broadcast %and3A_118 : i32 to vector<16xi32>
    %and3A_120 = arith.andi %gather3A_115, %and3A_119 : vector<16xi32>
    %swap3A_121 = arith.constant 160 : index
    %swap3A_122 = tpu.vector_load %arg11[%swap3A_121] {strides = array<i32>} : memref<208xi32, #tpu.memory_space<vmem>>, vector<16xi32>,
    tpu.vector_store %arg11[%swap3A_121], %and3A_120 {strides = array<i32>} : memref<208xi32, #tpu.memory_space<vmem>>, vector<16xi32>,
    %add3A_123 = arith.constant 48 : i32
    %add3A_124 = vector.broadcast %add3A_123 : i32 to vector<16xi32>
    %add3A_125 = arith.addi %iota3A, %add3A_124 : vector<16xi32>
    %gather3A_126 = tpu.vector_load_idx %arg8[%broadcast_in_dim3A_4, %add3A_125] : memref<129x72xi32, #tpu.memory_space<vmem>>[vector<16xi32>, vector<16xi32>], vector<16xi32>,
    %swap3A_127 = arith.constant 176 : index
    %swap3A_128 = tpu.vector_load %arg9[%swap3A_127] {strides = array<i32>} : memref<208xi32, #tpu.memory_space<vmem>>, vector<16xi32>,
    tpu.vector_store %arg9[%swap3A_127], %gather3A_126 {strides = array<i32>} : memref<208xi32, #tpu.memory_space<vmem>>, vector<16xi32>,
    %and3A_129 = arith.constant 1048575 : i32
    %and3A_130 = vector.broadcast %and3A_129 : i32 to vector<16xi32>
    %and3A_131 = arith.andi %gather3A_126, %and3A_130 : vector<16xi32>
    %swap3A_132 = arith.constant 176 : index
    %swap3A_133 = tpu.vector_load %arg11[%swap3A_132] {strides = array<i32>} : memref<208xi32, #tpu.memory_space<vmem>>, vector<16xi32>,
    tpu.vector_store %arg11[%swap3A_132], %and3A_131 {strides = array<i32>} : memref<208xi32, #tpu.memory_space<vmem>>, vector<16xi32>,
    %add3A_134 = arith.constant 64 : i32
    %add3A_135 = vector.broadcast %add3A_134 : i32 to vector<16xi32>
    %add3A_136 = arith.addi %iota3A, %add3A_135 : vector<16xi32>
    %gather3A_137 = tpu.vector_load_idx %arg8[%broadcast_in_dim3A_4, %add3A_136] : memref<129x72xi32, #tpu.memory_space<vmem>>[vector<16xi32>, vector<16xi32>], vector<16xi32>,
    %swap3A_138 = arith.constant 192 : index
    %swap3A_139 = tpu.vector_load %arg9[%swap3A_138] {strides = array<i32>} : memref<208xi32, #tpu.memory_space<vmem>>, vector<16xi32>,
    tpu.vector_store %arg9[%swap3A_138], %gather3A_137 {strides = array<i32>} : memref<208xi32, #tpu.memory_space<vmem>>, vector<16xi32>,
    %and3A_140 = arith.constant 1048575 : i32
    %and3A_141 = vector.broadcast %and3A_140 : i32 to vector<16xi32>
    %and3A_142 = arith.andi %gather3A_137, %and3A_141 : vector<16xi32>
    %swap3A_143 = arith.constant 192 : index
    %swap3A_144 = tpu.vector_load %arg11[%swap3A_143] {strides = array<i32>} : memref<208xi32, #tpu.memory_space<vmem>>, vector<16xi32>,
    tpu.vector_store %arg11[%swap3A_143], %and3A_142 {strides = array<i32>} : memref<208xi32, #tpu.memory_space<vmem>>, vector<16xi32>,
    %dma_start3A = arith.constant 0 : i32
    %dma_start3A_145 = arith.constant 0 : i32
    %dma_start3A_146 = tpu.memref_slice %arg13[%dma_start3A, %dma_start3A_145] : memref<208x128xf32, #tpu.memory_space<vmem>> -> memref<128x128xf32, #tpu.memory_space<vmem>>
    %dma_start3A_147 = arith.constant 0 : i32
    %dma_start3A_148 = tpu.memref_slice %arg11[%dma_start3A_147] : memref<208xi32, #tpu.memory_space<vmem>> -> memref<128xi32, #tpu.memory_space<vmem>>
    %dma_start3A_149 = arith.constant 0 : i32
    %dma_start3A_150 = arith.constant 0 : i32
    %dma_start3A_151 = tpu.memref_slice %arg4[%dma_start3A_149, %dma_start3A_150] : memref<256000x128xf32, #tpu.memory_space<hbm>> -> memref<256000x128xf32, #tpu.memory_space<hbm>>
    tpu.enqueue_indirect_dma source(%dma_start3A_151 : memref<256000x128xf32, #tpu.memory_space<hbm>>) target(%dma_start3A_146 : memref<128x128xf32, #tpu.memory_space<vmem>>) offsets(%dma_start3A_148 : memref<128xi32, #tpu.memory_space<vmem>>) semaphore(%arg17 : memref<!tpu.dma_semaphore, #tpu.memory_space<semaphore_mem>>)
    %dma_start3A_152 = arith.constant 128 : i32
    %dma_start3A_153 = arith.constant 0 : i32
    %dma_start3A_154 = tpu.memref_slice %arg13[%dma_start3A_152, %dma_start3A_153] : memref<208x128xf32, #tpu.memory_space<vmem>> -> memref<72x128xf32, #tpu.memory_space<vmem>>
    %dma_start3A_155 = arith.constant 128 : i32
    %dma_start3A_156 = tpu.memref_slice %arg11[%dma_start3A_155] : memref<208xi32, #tpu.memory_space<vmem>> -> memref<72xi32, #tpu.memory_space<vmem>>
    %dma_start3A_157 = arith.constant 0 : i32
    %dma_start3A_158 = arith.constant 0 : i32
    %dma_start3A_159 = tpu.memref_slice %arg4[%dma_start3A_157, %dma_start3A_158] : memref<256000x128xf32, #tpu.memory_space<hbm>> -> memref<256000x128xf32, #tpu.memory_space<hbm>>
    tpu.enqueue_indirect_dma source(%dma_start3A_159 : memref<256000x128xf32, #tpu.memory_space<hbm>>) target(%dma_start3A_154 : memref<72x128xf32, #tpu.memory_space<vmem>>) offsets(%dma_start3A_156 : memref<72xi32, #tpu.memory_space<vmem>>) semaphore(%arg17 : memref<!tpu.dma_semaphore, #tpu.memory_space<semaphore_mem>>)
    %scan3A = arith.constant 0 : i32
    %scan3A_160 = arith.constant 0 : i32
    %scan3A_161 = arith.constant 64 : i32
    %scan3A_162 = arith.addi %scan3A_160, %scan3A_161 : i32
    %scan3A_163 = arith.constant 1 : i32
    scf.for %scan3A_180 = %scan3A_160 to %scan3A_162 step %scan3A_163  : i32 {
      %mul3A_181 = arith.constant 2 : i32
      %mul3A_182 = arith.muli %mul3A_181, %scan3A_180 : i32
      %add3A_183 = arith.constant 1 : i32
      %add3A_184 = arith.addi %mul3A_182, %add3A_183 : i32
      %lt3A = arith.constant 128 : i32
      %lt3A_185 = arith.cmpi slt, %add3A_184, %lt3A : i32
      %convert_element_type3A = arith.extui %lt3A_185 : i1 to i32
      %cond3A = arith.constant 0 : i32
      %cond3A_186 = arith.cmpi ne, %convert_element_type3A, %cond3A : i32
      scf.if %cond3A_186 {
        %add3A_276 = arith.constant 1 : i32
        %add3A_277 = arith.addi %mul3A_182, %add3A_276 : i32
        %broadcast_in_dim3A_278 = vector.broadcast %add3A_277 : i32 to vector<16xi32>
        %add3A_279 = arith.constant 0 : i32
        %add3A_280 = vector.broadcast %add3A_279 : i32 to vector<16xi32>
        %add3A_281 = arith.addi %iota3A, %add3A_280 : vector<16xi32>
        %gather3A_282 = tpu.vector_load_idx %arg7[%broadcast_in_dim3A_278, %add3A_281] : memref<128x128xi32, #tpu.memory_space<vmem>>[vector<16xi32>, vector<16xi32>], vector<16xi32>,
        %swap3A_283 = arith.constant 0 : index
        %swap3A_284 = tpu.vector_load %arg10[%swap3A_283] {strides = array<i32>} : memref<208xi32, #tpu.memory_space<vmem>>, vector<16xi32>,
        tpu.vector_store %arg10[%swap3A_283], %gather3A_282 {strides = array<i32>} : memref<208xi32, #tpu.memory_space<vmem>>, vector<16xi32>,
        %and3A_285 = arith.constant 1048575 : i32
        %and3A_286 = vector.broadcast %and3A_285 : i32 to vector<16xi32>
        %and3A_287 = arith.andi %gather3A_282, %and3A_286 : vector<16xi32>
        %swap3A_288 = arith.constant 0 : index
        %swap3A_289 = tpu.vector_load %arg12[%swap3A_288] {strides = array<i32>} : memref<208xi32, #tpu.memory_space<vmem>>, vector<16xi32>,
        tpu.vector_store %arg12[%swap3A_288], %and3A_287 {strides = array<i32>} : memref<208xi32, #tpu.memory_space<vmem>>, vector<16xi32>,
        %add3A_290 = arith.constant 16 : i32
        %add3A_291 = vector.broadcast %add3A_290 : i32 to vector<16xi32>
        %add3A_292 = arith.addi %iota3A, %add3A_291 : vector<16xi32>
        %gather3A_293 = tpu.vector_load_idx %arg7[%broadcast_in_dim3A_278, %add3A_292] : memref<128x128xi32, #tpu.memory_space<vmem>>[vector<16xi32>, vector<16xi32>], vector<16xi32>,
        %swap3A_294 = arith.constant 16 : index
        %swap3A_295 = tpu.vector_load %arg10[%swap3A_294] {strides = array<i32>} : memref<208xi32, #tpu.memory_space<vmem>>, vector<16xi32>,
        tpu.vector_store %arg10[%swap3A_294], %gather3A_293 {strides = array<i32>} : memref<208xi32, #tpu.memory_space<vmem>>, vector<16xi32>,
        %and3A_296 = arith.constant 1048575 : i32
        %and3A_297 = vector.broadcast %and3A_296 : i32 to vector<16xi32>
        %and3A_298 = arith.andi %gather3A_293, %and3A_297 : vector<16xi32>
        %swap3A_299 = arith.constant 16 : index
        %swap3A_300 = tpu.vector_load %arg12[%swap3A_299] {strides = array<i32>} : memref<208xi32, #tpu.memory_space<vmem>>, vector<16xi32>,
        tpu.vector_store %arg12[%swap3A_299], %and3A_298 {strides = array<i32>} : memref<208xi32, #tpu.memory_space<vmem>>, vector<16xi32>,
        %add3A_301 = arith.constant 32 : i32
        %add3A_302 = vector.broadcast %add3A_301 : i32 to vector<16xi32>
        %add3A_303 = arith.addi %iota3A, %add3A_302 : vector<16xi32>
        %gather3A_304 = tpu.vector_load_idx %arg7[%broadcast_in_dim3A_278, %add3A_303] : memref<128x128xi32, #tpu.memory_space<vmem>>[vector<16xi32>, vector<16xi32>], vector<16xi32>,
        %swap3A_305 = arith.constant 32 : index
        %swap3A_306 = tpu.vector_load %arg10[%swap3A_305] {strides = array<i32>} : memref<208xi32, #tpu.memory_space<vmem>>, vector<16xi32>,
        tpu.vector_store %arg10[%swap3A_305], %gather3A_304 {strides = array<i32>} : memref<208xi32, #tpu.memory_space<vmem>>, vector<16xi32>,
        %and3A_307 = arith.constant 1048575 : i32
        %and3A_308 = vector.broadcast %and3A_307 : i32 to vector<16xi32>
        %and3A_309 = arith.andi %gather3A_304, %and3A_308 : vector<16xi32>
        %swap3A_310 = arith.constant 32 : index
        %swap3A_311 = tpu.vector_load %arg12[%swap3A_310] {strides = array<i32>} : memref<208xi32, #tpu.memory_space<vmem>>, vector<16xi32>,
        tpu.vector_store %arg12[%swap3A_310], %and3A_309 {strides = array<i32>} : memref<208xi32, #tpu.memory_space<vmem>>, vector<16xi32>,
        %add3A_312 = arith.constant 48 : i32
        %add3A_313 = vector.broadcast %add3A_312 : i32 to vector<16xi32>
        %add3A_314 = arith.addi %iota3A, %add3A_313 : vector<16xi32>
        %gather3A_315 = tpu.vector_load_idx %arg7[%broadcast_in_dim3A_278, %add3A_314] : memref<128x128xi32, #tpu.memory_space<vmem>>[vector<16xi32>, vector<16xi32>], vector<16xi32>,
        %swap3A_316 = arith.constant 48 : index
        %swap3A_317 = tpu.vector_load %arg10[%swap3A_316] {strides = array<i32>} : memref<208xi32, #tpu.memory_space<vmem>>, vector<16xi32>,
        tpu.vector_store %arg10[%swap3A_316], %gather3A_315 {strides = array<i32>} : memref<208xi32, #tpu.memory_space<vmem>>, vector<16xi32>,
        %and3A_318 = arith.constant 1048575 : i32
        %and3A_319 = vector.broadcast %and3A_318 : i32 to vector<16xi32>
        %and3A_320 = arith.andi %gather3A_315, %and3A_319 : vector<16xi32>
        %swap3A_321 = arith.constant 48 : index
        %swap3A_322 = tpu.vector_load %arg12[%swap3A_321] {strides = array<i32>} : memref<208xi32, #tpu.memory_space<vmem>>, vector<16xi32>,
        tpu.vector_store %arg12[%swap3A_321], %and3A_320 {strides = array<i32>} : memref<208xi32, #tpu.memory_space<vmem>>, vector<16xi32>,
        %add3A_323 = arith.constant 64 : i32
        %add3A_324 = vector.broadcast %add3A_323 : i32 to vector<16xi32>
        %add3A_325 = arith.addi %iota3A, %add3A_324 : vector<16xi32>
        %gather3A_326 = tpu.vector_load_idx %arg7[%broadcast_in_dim3A_278, %add3A_325] : memref<128x128xi32, #tpu.memory_space<vmem>>[vector<16xi32>, vector<16xi32>], vector<16xi32>,
        %swap3A_327 = arith.constant 64 : index
        %swap3A_328 = tpu.vector_load %arg10[%swap3A_327] {strides = array<i32>} : memref<208xi32, #tpu.memory_space<vmem>>, vector<16xi32>,
        tpu.vector_store %arg10[%swap3A_327], %gather3A_326 {strides = array<i32>} : memref<208xi32, #tpu.memory_space<vmem>>, vector<16xi32>,
        %and3A_329 = arith.constant 1048575 : i32
        %and3A_330 = vector.broadcast %and3A_329 : i32 to vector<16xi32>
        %and3A_331 = arith.andi %gather3A_326, %and3A_330 : vector<16xi32>
        %swap3A_332 = arith.constant 64 : index
        %swap3A_333 = tpu.vector_load %arg12[%swap3A_332] {strides = array<i32>} : memref<208xi32, #tpu.memory_space<vmem>>, vector<16xi32>,
        tpu.vector_store %arg12[%swap3A_332], %and3A_331 {strides = array<i32>} : memref<208xi32, #tpu.memory_space<vmem>>, vector<16xi32>,
        %add3A_334 = arith.constant 80 : i32
        %add3A_335 = vector.broadcast %add3A_334 : i32 to vector<16xi32>
        %add3A_336 = arith.addi %iota3A, %add3A_335 : vector<16xi32>
        %gather3A_337 = tpu.vector_load_idx %arg7[%broadcast_in_dim3A_278, %add3A_336] : memref<128x128xi32, #tpu.memory_space<vmem>>[vector<16xi32>, vector<16xi32>], vector<16xi32>,
        %swap3A_338 = arith.constant 80 : index
        %swap3A_339 = tpu.vector_load %arg10[%swap3A_338] {strides = array<i32>} : memref<208xi32, #tpu.memory_space<vmem>>, vector<16xi32>,
        tpu.vector_store %arg10[%swap3A_338], %gather3A_337 {strides = array<i32>} : memref<208xi32, #tpu.memory_space<vmem>>, vector<16xi32>,
        %and3A_340 = arith.constant 1048575 : i32
        %and3A_341 = vector.broadcast %and3A_340 : i32 to vector<16xi32>
        %and3A_342 = arith.andi %gather3A_337, %and3A_341 : vector<16xi32>
        %swap3A_343 = arith.constant 80 : index
        %swap3A_344 = tpu.vector_load %arg12[%swap3A_343] {strides = array<i32>} : memref<208xi32, #tpu.memory_space<vmem>>, vector<16xi32>,
        tpu.vector_store %arg12[%swap3A_343], %and3A_342 {strides = array<i32>} : memref<208xi32, #tpu.memory_space<vmem>>, vector<16xi32>,
        %add3A_345 = arith.constant 96 : i32
        %add3A_346 = vector.broadcast %add3A_345 : i32 to vector<16xi32>
        %add3A_347 = arith.addi %iota3A, %add3A_346 : vector<16xi32>
        %gather3A_348 = tpu.vector_load_idx %arg7[%broadcast_in_dim3A_278, %add3A_347] : memref<128x128xi32, #tpu.memory_space<vmem>>[vector<16xi32>, vector<16xi32>], vector<16xi32>,
        %swap3A_349 = arith.constant 96 : index
        %swap3A_350 = tpu.vector_load %arg10[%swap3A_349] {strides = array<i32>} : memref<208xi32, #tpu.memory_space<vmem>>, vector<16xi32>,
        tpu.vector_store %arg10[%swap3A_349], %gather3A_348 {strides = array<i32>} : memref<208xi32, #tpu.memory_space<vmem>>, vector<16xi32>,
        %and3A_351 = arith.constant 1048575 : i32
        %and3A_352 = vector.broadcast %and3A_351 : i32 to vector<16xi32>
        %and3A_353 = arith.andi %gather3A_348, %and3A_352 : vector<16xi32>
        %swap3A_354 = arith.constant 96 : index
        %swap3A_355 = tpu.vector_load %arg12[%swap3A_354] {strides = array<i32>} : memref<208xi32, #tpu.memory_space<vmem>>, vector<16xi32>,
        tpu.vector_store %arg12[%swap3A_354], %and3A_353 {strides = array<i32>} : memref<208xi32, #tpu.memory_space<vmem>>, vector<16xi32>,
        %add3A_356 = arith.constant 112 : i32
        %add3A_357 = vector.broadcast %add3A_356 : i32 to vector<16xi32>
        %add3A_358 = arith.addi %iota3A, %add3A_357 : vector<16xi32>
        %gather3A_359 = tpu.vector_load_idx %arg7[%broadcast_in_dim3A_278, %add3A_358] : memref<128x128xi32, #tpu.memory_space<vmem>>[vector<16xi32>, vector<16xi32>], vector<16xi32>,
        %swap3A_360 = arith.constant 112 : index
        %swap3A_361 = tpu.vector_load %arg10[%swap3A_360] {strides = array<i32>} : memref<208xi32, #tpu.memory_space<vmem>>, vector<16xi32>,
        tpu.vector_store %arg10[%swap3A_360], %gather3A_359 {strides = array<i32>} : memref<208xi32, #tpu.memory_space<vmem>>, vector<16xi32>,
        %and3A_362 = arith.constant 1048575 : i32
        %and3A_363 = vector.broadcast %and3A_362 : i32 to vector<16xi32>
        %and3A_364 = arith.andi %gather3A_359, %and3A_363 : vector<16xi32>
        %swap3A_365 = arith.constant 112 : index
        %swap3A_366 = tpu.vector_load %arg12[%swap3A_365] {strides = array<i32>} : memref<208xi32, #tpu.memory_space<vmem>>, vector<16xi32>,
        tpu.vector_store %arg12[%swap3A_365], %and3A_364 {strides = array<i32>} : memref<208xi32, #tpu.memory_space<vmem>>, vector<16xi32>,
        %add3A_367 = arith.constant 0 : i32
        %add3A_368 = vector.broadcast %add3A_367 : i32 to vector<16xi32>
        %add3A_369 = arith.addi %iota3A, %add3A_368 : vector<16xi32>
        %gather3A_370 = tpu.vector_load_idx %arg8[%broadcast_in_dim3A_278, %add3A_369] : memref<129x72xi32, #tpu.memory_space<vmem>>[vector<16xi32>, vector<16xi32>], vector<16xi32>,
        %swap3A_371 = arith.constant 128 : index
        %swap3A_372 = tpu.vector_load %arg10[%swap3A_371] {strides = array<i32>} : memref<208xi32, #tpu.memory_space<vmem>>, vector<16xi32>,
        tpu.vector_store %arg10[%swap3A_371], %gather3A_370 {strides = array<i32>} : memref<208xi32, #tpu.memory_space<vmem>>, vector<16xi32>,
        %and3A_373 = arith.constant 1048575 : i32
        %and3A_374 = vector.broadcast %and3A_373 : i32 to vector<16xi32>
        %and3A_375 = arith.andi %gather3A_370, %and3A_374 : vector<16xi32>
        %swap3A_376 = arith.constant 128 : index
        %swap3A_377 = tpu.vector_load %arg12[%swap3A_376] {strides = array<i32>} : memref<208xi32, #tpu.memory_space<vmem>>, vector<16xi32>,
        tpu.vector_store %arg12[%swap3A_376], %and3A_375 {strides = array<i32>} : memref<208xi32, #tpu.memory_space<vmem>>, vector<16xi32>,
        %add3A_378 = arith.constant 16 : i32
        %add3A_379 = vector.broadcast %add3A_378 : i32 to vector<16xi32>
        %add3A_380 = arith.addi %iota3A, %add3A_379 : vector<16xi32>
        %gather3A_381 = tpu.vector_load_idx %arg8[%broadcast_in_dim3A_278, %add3A_380] : memref<129x72xi32, #tpu.memory_space<vmem>>[vector<16xi32>, vector<16xi32>], vector<16xi32>,
        %swap3A_382 = arith.constant 144 : index
        %swap3A_383 = tpu.vector_load %arg10[%swap3A_382] {strides = array<i32>} : memref<208xi32, #tpu.memory_space<vmem>>, vector<16xi32>,
        tpu.vector_store %arg10[%swap3A_382], %gather3A_381 {strides = array<i32>} : memref<208xi32, #tpu.memory_space<vmem>>, vector<16xi32>,
        %and3A_384 = arith.constant 1048575 : i32
        %and3A_385 = vector.broadcast %and3A_384 : i32 to vector<16xi32>
        %and3A_386 = arith.andi %gather3A_381, %and3A_385 : vector<16xi32>
        %swap3A_387 = arith.constant 144 : index
        %swap3A_388 = tpu.vector_load %arg12[%swap3A_387] {strides = array<i32>} : memref<208xi32, #tpu.memory_space<vmem>>, vector<16xi32>,
        tpu.vector_store %arg12[%swap3A_387], %and3A_386 {strides = array<i32>} : memref<208xi32, #tpu.memory_space<vmem>>, vector<16xi32>,
        %add3A_389 = arith.constant 32 : i32
        %add3A_390 = vector.broadcast %add3A_389 : i32 to vector<16xi32>
        %add3A_391 = arith.addi %iota3A, %add3A_390 : vector<16xi32>
        %gather3A_392 = tpu.vector_load_idx %arg8[%broadcast_in_dim3A_278, %add3A_391] : memref<129x72xi32, #tpu.memory_space<vmem>>[vector<16xi32>, vector<16xi32>], vector<16xi32>,
        %swap3A_393 = arith.constant 160 : index
        %swap3A_394 = tpu.vector_load %arg10[%swap3A_393] {strides = array<i32>} : memref<208xi32, #tpu.memory_space<vmem>>, vector<16xi32>,
        tpu.vector_store %arg10[%swap3A_393], %gather3A_392 {strides = array<i32>} : memref<208xi32, #tpu.memory_space<vmem>>, vector<16xi32>,
        %and3A_395 = arith.constant 1048575 : i32
        %and3A_396 = vector.broadcast %and3A_395 : i32 to vector<16xi32>
        %and3A_397 = arith.andi %gather3A_392, %and3A_396 : vector<16xi32>
        %swap3A_398 = arith.constant 160 : index
        %swap3A_399 = tpu.vector_load %arg12[%swap3A_398] {strides = array<i32>} : memref<208xi32, #tpu.memory_space<vmem>>, vector<16xi32>,
        tpu.vector_store %arg12[%swap3A_398], %and3A_397 {strides = array<i32>} : memref<208xi32, #tpu.memory_space<vmem>>, vector<16xi32>,
        %add3A_400 = arith.constant 48 : i32
        %add3A_401 = vector.broadcast %add3A_400 : i32 to vector<16xi32>
        %add3A_402 = arith.addi %iota3A, %add3A_401 : vector<16xi32>
        %gather3A_403 = tpu.vector_load_idx %arg8[%broadcast_in_dim3A_278, %add3A_402] : memref<129x72xi32, #tpu.memory_space<vmem>>[vector<16xi32>, vector<16xi32>], vector<16xi32>,
        %swap3A_404 = arith.constant 176 : index
        %swap3A_405 = tpu.vector_load %arg10[%swap3A_404] {strides = array<i32>} : memref<208xi32, #tpu.memory_space<vmem>>, vector<16xi32>,
        tpu.vector_store %arg10[%swap3A_404], %gather3A_403 {strides = array<i32>} : memref<208xi32, #tpu.memory_space<vmem>>, vector<16xi32>,
        %and3A_406 = arith.constant 1048575 : i32
        %and3A_407 = vector.broadcast %and3A_406 : i32 to vector<16xi32>
        %and3A_408 = arith.andi %gather3A_403, %and3A_407 : vector<16xi32>
        %swap3A_409 = arith.constant 176 : index
        %swap3A_410 = tpu.vector_load %arg12[%swap3A_409] {strides = array<i32>} : memref<208xi32, #tpu.memory_space<vmem>>, vector<16xi32>,
        tpu.vector_store %arg12[%swap3A_409], %and3A_408 {strides = array<i32>} : memref<208xi32, #tpu.memory_space<vmem>>, vector<16xi32>,
        %add3A_411 = arith.constant 64 : i32
        %add3A_412 = vector.broadcast %add3A_411 : i32 to vector<16xi32>
        %add3A_413 = arith.addi %iota3A, %add3A_412 : vector<16xi32>
        %gather3A_414 = tpu.vector_load_idx %arg8[%broadcast_in_dim3A_278, %add3A_413] : memref<129x72xi32, #tpu.memory_space<vmem>>[vector<16xi32>, vector<16xi32>], vector<16xi32>,
        %swap3A_415 = arith.constant 192 : index
        %swap3A_416 = tpu.vector_load %arg10[%swap3A_415] {strides = array<i32>} : memref<208xi32, #tpu.memory_space<vmem>>, vector<16xi32>,
        tpu.vector_store %arg10[%swap3A_415], %gather3A_414 {strides = array<i32>} : memref<208xi32, #tpu.memory_space<vmem>>, vector<16xi32>,
        %and3A_417 = arith.constant 1048575 : i32
        %and3A_418 = vector.broadcast %and3A_417 : i32 to vector<16xi32>
        %and3A_419 = arith.andi %gather3A_414, %and3A_418 : vector<16xi32>
        %swap3A_420 = arith.constant 192 : index
        %swap3A_421 = tpu.vector_load %arg12[%swap3A_420] {strides = array<i32>} : memref<208xi32, #tpu.memory_space<vmem>>, vector<16xi32>,
        tpu.vector_store %arg12[%swap3A_420], %and3A_419 {strides = array<i32>} : memref<208xi32, #tpu.memory_space<vmem>>, vector<16xi32>,
        %dma_start3A_422 = arith.constant 0 : i32
        %dma_start3A_423 = arith.constant 0 : i32
        %dma_start3A_424 = tpu.memref_slice %arg14[%dma_start3A_422, %dma_start3A_423] : memref<208x128xf32, #tpu.memory_space<vmem>> -> memref<128x128xf32, #tpu.memory_space<vmem>>
        %dma_start3A_425 = arith.constant 0 : i32
        %dma_start3A_426 = tpu.memref_slice %arg12[%dma_start3A_425] : memref<208xi32, #tpu.memory_space<vmem>> -> memref<128xi32, #tpu.memory_space<vmem>>
        %dma_start3A_427 = arith.constant 0 : i32
        %dma_start3A_428 = arith.constant 0 : i32
        %dma_start3A_429 = tpu.memref_slice %arg4[%dma_start3A_427, %dma_start3A_428] : memref<256000x128xf32, #tpu.memory_space<hbm>> -> memref<256000x128xf32, #tpu.memory_space<hbm>>
        tpu.enqueue_indirect_dma source(%dma_start3A_429 : memref<256000x128xf32, #tpu.memory_space<hbm>>) target(%dma_start3A_424 : memref<128x128xf32, #tpu.memory_space<vmem>>) offsets(%dma_start3A_426 : memref<128xi32, #tpu.memory_space<vmem>>) semaphore(%arg18 : memref<!tpu.dma_semaphore, #tpu.memory_space<semaphore_mem>>)
        %dma_start3A_430 = arith.constant 128 : i32
        %dma_start3A_431 = arith.constant 0 : i32
        %dma_start3A_432 = tpu.memref_slice %arg14[%dma_start3A_430, %dma_start3A_431] : memref<208x128xf32, #tpu.memory_space<vmem>> -> memref<72x128xf32, #tpu.memory_space<vmem>>
        %dma_start3A_433 = arith.constant 128 : i32
        %dma_start3A_434 = tpu.memref_slice %arg12[%dma_start3A_433] : memref<208xi32, #tpu.memory_space<vmem>> -> memref<72xi32, #tpu.memory_space<vmem>>
        %dma_start3A_435 = arith.constant 0 : i32
        %dma_start3A_436 = arith.constant 0 : i32
        %dma_start3A_437 = tpu.memref_slice %arg4[%dma_start3A_435, %dma_start3A_436] : memref<256000x128xf32, #tpu.memory_space<hbm>> -> memref<256000x128xf32, #tpu.memory_space<hbm>>
        tpu.enqueue_indirect_dma source(%dma_start3A_437 : memref<256000x128xf32, #tpu.memory_space<hbm>>) target(%dma_start3A_432 : memref<72x128xf32, #tpu.memory_space<vmem>>) offsets(%dma_start3A_434 : memref<72xi32, #tpu.memory_space<vmem>>) semaphore(%arg18 : memref<!tpu.dma_semaphore, #tpu.memory_space<semaphore_mem>>)
      } else {
      }
      %dma_wait3A_187 = arith.constant 0 : i32
      %dma_wait3A_188 = arith.constant 0 : i32
      %dma_wait3A_189 = tpu.memref_slice %arg13[%dma_wait3A_187, %dma_wait3A_188] : memref<208x128xf32, #tpu.memory_space<vmem>> -> memref<128x128xf32, #tpu.memory_space<vmem>>
      %dma_wait3A_190 = arith.constant 0 : i32
      %dma_wait3A_191 = tpu.memref_slice %arg11[%dma_wait3A_190] : memref<208xi32, #tpu.memory_space<vmem>> -> memref<128xi32, #tpu.memory_space<vmem>>
      %dma_wait3A_192 = arith.constant 0 : i32
      %dma_wait3A_193 = arith.constant 0 : i32
      %dma_wait3A_194 = tpu.memref_slice %arg4[%dma_wait3A_192, %dma_wait3A_193] : memref<256000x128xf32, #tpu.memory_space<hbm>> -> memref<256000x128xf32, #tpu.memory_space<hbm>>
      tpu.wait_indirect_dma semaphore(%arg17 : memref<!tpu.dma_semaphore, #tpu.memory_space<semaphore_mem>>) src(%dma_wait3A_194 : memref<256000x128xf32, #tpu.memory_space<hbm>>) dst(%dma_wait3A_189 : memref<128x128xf32, #tpu.memory_space<vmem>>)
      %dma_wait3A_195 = arith.constant 128 : i32
      %dma_wait3A_196 = arith.constant 0 : i32
      %dma_wait3A_197 = tpu.memref_slice %arg13[%dma_wait3A_195, %dma_wait3A_196] : memref<208x128xf32, #tpu.memory_space<vmem>> -> memref<72x128xf32, #tpu.memory_space<vmem>>
      %dma_wait3A_198 = arith.constant 128 : i32
      %dma_wait3A_199 = tpu.memref_slice %arg11[%dma_wait3A_198] : memref<208xi32, #tpu.memory_space<vmem>> -> memref<72xi32, #tpu.memory_space<vmem>>
      %dma_wait3A_200 = arith.constant 0 : i32
      %dma_wait3A_201 = arith.constant 0 : i32
      %dma_wait3A_202 = tpu.memref_slice %arg4[%dma_wait3A_200, %dma_wait3A_201] : memref<256000x128xf32, #tpu.memory_space<hbm>> -> memref<256000x128xf32, #tpu.memory_space<hbm>>
      tpu.wait_indirect_dma semaphore(%arg17 : memref<!tpu.dma_semaphore, #tpu.memory_space<semaphore_mem>>) src(%dma_wait3A_202 : memref<256000x128xf32, #tpu.memory_space<hbm>>) dst(%dma_wait3A_197 : memref<72x128xf32, #tpu.memory_space<vmem>>)
      %ge3A = arith.constant 2 : i32
      %ge3A_203 = arith.cmpi sge, %mul3A_182, %ge3A : i32
      %convert_element_type3A_204 = arith.extui %ge3A_203 : i1 to i32
      %cond3A_205 = arith.constant 0 : i32
      %cond3A_206 = arith.cmpi ne, %convert_element_type3A_204, %cond3A_205 : i32
      scf.if %cond3A_206 {
        %mul3A_276 = arith.constant 25600 : i32
        %mul3A_277 = arith.muli %add3A, %mul3A_276 : i32
        %dma_wait3A_278 = arith.constant 0 : i32
        %dma_wait3A_279 = tpu.memref_slice %arg15[%dma_wait3A_278] : memref<208xf32, #tpu.memory_space<vmem>> -> memref<200xf32, #tpu.memory_space<vmem>>
        %dma_wait3A_280 = tpu.memref_slice %arg5[%mul3A_277] : memref<819200xf32, #tpu.memory_space<hbm>> -> memref<200xf32, #tpu.memory_space<hbm>>
        %dma_wait3A_281 = tpu.memref_slice %arg5[%mul3A_277] : memref<819200xf32, #tpu.memory_space<hbm>> -> memref<200xf32, #tpu.memory_space<hbm>>
        %dma_wait3A_282 = arith.constant 0 : i32
        %dma_wait3A_283 = tpu.memref_slice %arg15[%dma_wait3A_282] : memref<208xf32, #tpu.memory_space<vmem>> -> memref<200xf32, #tpu.memory_space<vmem>>
        tpu.wait_dma2 semaphore(%arg19 : memref<!tpu.dma_semaphore, #tpu.memory_space<semaphore_mem>>) src(%dma_wait3A_283 : memref<200xf32, #tpu.memory_space<vmem>>) dst(%dma_wait3A_281 : memref<200xf32, #tpu.memory_space<hbm>>)
      } else {
      }
      %broadcast_in_dim3A_207 = vector.broadcast %mul3A_182 : i32 to vector<16xi32>
      %gather3A_208 = tpu.vector_load_idx %arg6[%broadcast_in_dim3A_207, %iota3A] : memref<128x32xf32, #tpu.memory_space<vmem>>[vector<16xi32>, vector<16xi32>], vector<16xf32>,
      %add3A_209 = arith.constant 16 : i32
      %add3A_210 = vector.broadcast %add3A_209 : i32 to vector<16xi32>
      %add3A_211 = arith.addi %iota3A, %add3A_210 : vector<16xi32>
      %gather3A_212 = tpu.vector_load_idx %arg6[%broadcast_in_dim3A_207, %add3A_211] : memref<128x32xf32, #tpu.memory_space<vmem>>[vector<16xi32>, vector<16xi32>], vector<16xf32>,
      %parallel_loop3A = arith.constant 0 : i32
      %parallel_loop3A_213 = arith.constant 13 : i32
      %parallel_loop3A_214 = arith.constant 1 : i32
      scf.for %parallel_loop3A_276 = %parallel_loop3A to %parallel_loop3A_213 step %parallel_loop3A_214  : i32 {
        %parallel_loop3A_277 = arith.constant 16 : i32
        %parallel_loop3A_278 = arith.muli %parallel_loop3A_276, %parallel_loop3A_277 : i32
        %parallel_loop3A_279 = vector.broadcast %parallel_loop3A_278 : i32 to vector<16xi32>
        %parallel_loop3A_280 = arith.addi %parallel_loop3A_279, %iota3A : vector<16xi32>
        %parallel_loop3A_281 = arith.index_cast %parallel_loop3A_278 : i32 to index
        %parallel_loop3A_282 = tpu.vector_load %arg9[%parallel_loop3A_281] {strides = array<i32>} : memref<208xi32, #tpu.memory_space<vmem>>, vector<16xi32>,
        %parallel_loop3A_283 = arith.constant 15 : i32
        %parallel_loop3A_284 = vector.broadcast %parallel_loop3A_283 : i32 to vector<16xi32>
        %parallel_loop3A_285 = arith.shrui %parallel_loop3A_282, %parallel_loop3A_284 : vector<16xi32>
        %parallel_loop3A_286 = arith.constant 96 : i32
        %parallel_loop3A_287 = vector.broadcast %parallel_loop3A_286 : i32 to vector<16xi32>
        %parallel_loop3A_288 = arith.andi %parallel_loop3A_285, %parallel_loop3A_287 : vector<16xi32>
        %parallel_loop3A_289 = arith.constant 0.000000e+00 : f32
        %parallel_loop3A_290 = vector.broadcast %parallel_loop3A_289 : f32 to vector<16xf32>
        %parallel_loop3A_291 = arith.constant 0.000000e+00 : f32
        %parallel_loop3A_292 = vector.broadcast %parallel_loop3A_291 : f32 to vector<16xf32>
        %parallel_loop3A_293 = arith.constant 0.000000e+00 : f32
        %parallel_loop3A_294 = vector.broadcast %parallel_loop3A_293 : f32 to vector<16xf32>
        %parallel_loop3A_295 = arith.constant 0.000000e+00 : f32
        %parallel_loop3A_296 = vector.broadcast %parallel_loop3A_295 : f32 to vector<16xf32>
        %parallel_loop3A_297 = arith.constant 0 : i32
        %parallel_loop3A_298 = vector.broadcast %parallel_loop3A_297 : i32 to vector<16xi32>
        %parallel_loop3A_299 = arith.constant 0 : i32
        %parallel_loop3A_300 = vector.broadcast %parallel_loop3A_299 : i32 to vector<16xi32>
        %parallel_loop3A_301 = arith.cmpi slt, %parallel_loop3A_298, %parallel_loop3A_300 : vector<16xi32>
        %parallel_loop3A_302 = arith.constant 16 : i32
        %parallel_loop3A_303 = vector.broadcast %parallel_loop3A_302 : i32 to vector<16xi32>
        %parallel_loop3A_304 = arith.addi %parallel_loop3A_298, %parallel_loop3A_303 : vector<16xi32>
        %parallel_loop3A_305 = arith.select %parallel_loop3A_301, %parallel_loop3A_304, %parallel_loop3A_298 : vector<16xi1>, vector<16xi32>
        %parallel_loop3A_306 = vector.shape_cast %parallel_loop3A_305 : vector<16xi32> to vector<16x1xi32>
        %parallel_loop3A_307 = vector.shape_cast %parallel_loop3A_306 : vector<16x1xi32> to vector<16xi32>
        %parallel_loop3A_308 = tpu.dynamic_gather %gather3A_208[%parallel_loop3A_307] in [0] : vector<16xf32>, vector<16xi32> -> vector<16xf32>
        %parallel_loop3A_309 = arith.constant 0 : i32
        %parallel_loop3A_310 = vector.broadcast %parallel_loop3A_309 : i32 to vector<16xi32>
        %parallel_loop3A_311 = arith.addi %parallel_loop3A_288, %parallel_loop3A_310 : vector<16xi32>
        %parallel_loop3A_312 = tpu.vector_load_idx %arg13[%parallel_loop3A_280, %parallel_loop3A_311] : memref<208x128xf32, #tpu.memory_space<vmem>>[vector<16xi32>, vector<16xi32>], vector<16xf32>,
        %parallel_loop3A_313 = arith.mulf %parallel_loop3A_308, %parallel_loop3A_312 : vector<16xf32>
        %parallel_loop3A_314 = arith.addf %parallel_loop3A_290, %parallel_loop3A_313 : vector<16xf32>
        %parallel_loop3A_315 = arith.constant 1 : i32
        %parallel_loop3A_316 = vector.broadcast %parallel_loop3A_315 : i32 to vector<16xi32>
        %parallel_loop3A_317 = arith.constant 0 : i32
        %parallel_loop3A_318 = vector.broadcast %parallel_loop3A_317 : i32 to vector<16xi32>
        %parallel_loop3A_319 = arith.cmpi slt, %parallel_loop3A_316, %parallel_loop3A_318 : vector<16xi32>
        %parallel_loop3A_320 = arith.constant 16 : i32
        %parallel_loop3A_321 = vector.broadcast %parallel_loop3A_320 : i32 to vector<16xi32>
        %parallel_loop3A_322 = arith.addi %parallel_loop3A_316, %parallel_loop3A_321 : vector<16xi32>
        %parallel_loop3A_323 = arith.select %parallel_loop3A_319, %parallel_loop3A_322, %parallel_loop3A_316 : vector<16xi1>, vector<16xi32>
        %parallel_loop3A_324 = vector.shape_cast %parallel_loop3A_323 : vector<16xi32> to vector<16x1xi32>
        %parallel_loop3A_325 = vector.shape_cast %parallel_loop3A_324 : vector<16x1xi32> to vector<16xi32>
        %parallel_loop3A_326 = tpu.dynamic_gather %gather3A_208[%parallel_loop3A_325] in [0] : vector<16xf32>, vector<16xi32> -> vector<16xf32>
        %parallel_loop3A_327 = arith.constant 1 : i32
        %parallel_loop3A_328 = vector.broadcast %parallel_loop3A_327 : i32 to vector<16xi32>
        %parallel_loop3A_329 = arith.addi %parallel_loop3A_288, %parallel_loop3A_328 : vector<16xi32>
        %parallel_loop3A_330 = tpu.vector_load_idx %arg13[%parallel_loop3A_280, %parallel_loop3A_329] : memref<208x128xf32, #tpu.memory_space<vmem>>[vector<16xi32>, vector<16xi32>], vector<16xf32>,
        %parallel_loop3A_331 = arith.mulf %parallel_loop3A_326, %parallel_loop3A_330 : vector<16xf32>
        %parallel_loop3A_332 = arith.addf %parallel_loop3A_292, %parallel_loop3A_331 : vector<16xf32>
        %parallel_loop3A_333 = arith.constant 2 : i32
        %parallel_loop3A_334 = vector.broadcast %parallel_loop3A_333 : i32 to vector<16xi32>
        %parallel_loop3A_335 = arith.constant 0 : i32
        %parallel_loop3A_336 = vector.broadcast %parallel_loop3A_335 : i32 to vector<16xi32>
        %parallel_loop3A_337 = arith.cmpi slt, %parallel_loop3A_334, %parallel_loop3A_336 : vector<16xi32>
        %parallel_loop3A_338 = arith.constant 16 : i32
        %parallel_loop3A_339 = vector.broadcast %parallel_loop3A_338 : i32 to vector<16xi32>
        %parallel_loop3A_340 = arith.addi %parallel_loop3A_334, %parallel_loop3A_339 : vector<16xi32>
        %parallel_loop3A_341 = arith.select %parallel_loop3A_337, %parallel_loop3A_340, %parallel_loop3A_334 : vector<16xi1>, vector<16xi32>
        %parallel_loop3A_342 = vector.shape_cast %parallel_loop3A_341 : vector<16xi32> to vector<16x1xi32>
        %parallel_loop3A_343 = vector.shape_cast %parallel_loop3A_342 : vector<16x1xi32> to vector<16xi32>
        %parallel_loop3A_344 = tpu.dynamic_gather %gather3A_208[%parallel_loop3A_343] in [0] : vector<16xf32>, vector<16xi32> -> vector<16xf32>
        %parallel_loop3A_345 = arith.constant 2 : i32
        %parallel_loop3A_346 = vector.broadcast %parallel_loop3A_345 : i32 to vector<16xi32>
        %parallel_loop3A_347 = arith.addi %parallel_loop3A_288, %parallel_loop3A_346 : vector<16xi32>
        %parallel_loop3A_348 = tpu.vector_load_idx %arg13[%parallel_loop3A_280, %parallel_loop3A_347] : memref<208x128xf32, #tpu.memory_space<vmem>>[vector<16xi32>, vector<16xi32>], vector<16xf32>,
        %parallel_loop3A_349 = arith.mulf %parallel_loop3A_344, %parallel_loop3A_348 : vector<16xf32>
        %parallel_loop3A_350 = arith.addf %parallel_loop3A_294, %parallel_loop3A_349 : vector<16xf32>
        %parallel_loop3A_351 = arith.constant 3 : i32
        %parallel_loop3A_352 = vector.broadcast %parallel_loop3A_351 : i32 to vector<16xi32>
        %parallel_loop3A_353 = arith.constant 0 : i32
        %parallel_loop3A_354 = vector.broadcast %parallel_loop3A_353 : i32 to vector<16xi32>
        %parallel_loop3A_355 = arith.cmpi slt, %parallel_loop3A_352, %parallel_loop3A_354 : vector<16xi32>
        %parallel_loop3A_356 = arith.constant 16 : i32
        %parallel_loop3A_357 = vector.broadcast %parallel_loop3A_356 : i32 to vector<16xi32>
        %parallel_loop3A_358 = arith.addi %parallel_loop3A_352, %parallel_loop3A_357 : vector<16xi32>
        %parallel_loop3A_359 = arith.select %parallel_loop3A_355, %parallel_loop3A_358, %parallel_loop3A_352 : vector<16xi1>, vector<16xi32>
        %parallel_loop3A_360 = vector.shape_cast %parallel_loop3A_359 : vector<16xi32> to vector<16x1xi32>
        %parallel_loop3A_361 = vector.shape_cast %parallel_loop3A_360 : vector<16x1xi32> to vector<16xi32>
        %parallel_loop3A_362 = tpu.dynamic_gather %gather3A_208[%parallel_loop3A_361] in [0] : vector<16xf32>, vector<16xi32> -> vector<16xf32>
        %parallel_loop3A_363 = arith.constant 3 : i32
        %parallel_loop3A_364 = vector.broadcast %parallel_loop3A_363 : i32 to vector<16xi32>
        %parallel_loop3A_365 = arith.addi %parallel_loop3A_288, %parallel_loop3A_364 : vector<16xi32>
        %parallel_loop3A_366 = tpu.vector_load_idx %arg13[%parallel_loop3A_280, %parallel_loop3A_365] : memref<208x128xf32, #tpu.memory_space<vmem>>[vector<16xi32>, vector<16xi32>], vector<16xf32>,
        %parallel_loop3A_367 = arith.mulf %parallel_loop3A_362, %parallel_loop3A_366 : vector<16xf32>
        %parallel_loop3A_368 = arith.addf %parallel_loop3A_296, %parallel_loop3A_367 : vector<16xf32>
        %parallel_loop3A_369 = arith.constant 4 : i32
        %parallel_loop3A_370 = vector.broadcast %parallel_loop3A_369 : i32 to vector<16xi32>
        %parallel_loop3A_371 = arith.constant 0 : i32
        %parallel_loop3A_372 = vector.broadcast %parallel_loop3A_371 : i32 to vector<16xi32>
        %parallel_loop3A_373 = arith.cmpi slt, %parallel_loop3A_370, %parallel_loop3A_372 : vector<16xi32>
        %parallel_loop3A_374 = arith.constant 16 : i32
        %parallel_loop3A_375 = vector.broadcast %parallel_loop3A_374 : i32 to vector<16xi32>
        %parallel_loop3A_376 = arith.addi %parallel_loop3A_370, %parallel_loop3A_375 : vector<16xi32>
        %parallel_loop3A_377 = arith.select %parallel_loop3A_373, %parallel_loop3A_376, %parallel_loop3A_370 : vector<16xi1>, vector<16xi32>
        %parallel_loop3A_378 = vector.shape_cast %parallel_loop3A_377 : vector<16xi32> to vector<16x1xi32>
        %parallel_loop3A_379 = vector.shape_cast %parallel_loop3A_378 : vector<16x1xi32> to vector<16xi32>
        %parallel_loop3A_380 = tpu.dynamic_gather %gather3A_208[%parallel_loop3A_379] in [0] : vector<16xf32>, vector<16xi32> -> vector<16xf32>
        %parallel_loop3A_381 = arith.constant 4 : i32
        %parallel_loop3A_382 = vector.broadcast %parallel_loop3A_381 : i32 to vector<16xi32>
        %parallel_loop3A_383 = arith.addi %parallel_loop3A_288, %parallel_loop3A_382 : vector<16xi32>
        %parallel_loop3A_384 = tpu.vector_load_idx %arg13[%parallel_loop3A_280, %parallel_loop3A_383] : memref<208x128xf32, #tpu.memory_space<vmem>>[vector<16xi32>, vector<16xi32>], vector<16xf32>,
        %parallel_loop3A_385 = arith.mulf %parallel_loop3A_380, %parallel_loop3A_384 : vector<16xf32>
        %parallel_loop3A_386 = arith.addf %parallel_loop3A_314, %parallel_loop3A_385 : vector<16xf32>
        %parallel_loop3A_387 = arith.constant 5 : i32
        %parallel_loop3A_388 = vector.broadcast %parallel_loop3A_387 : i32 to vector<16xi32>
        %parallel_loop3A_389 = arith.constant 0 : i32
        %parallel_loop3A_390 = vector.broadcast %parallel_loop3A_389 : i32 to vector<16xi32>
        %parallel_loop3A_391 = arith.cmpi slt, %parallel_loop3A_388, %parallel_loop3A_390 : vector<16xi32>
        %parallel_loop3A_392 = arith.constant 16 : i32
        %parallel_loop3A_393 = vector.broadcast %parallel_loop3A_392 : i32 to vector<16xi32>
        %parallel_loop3A_394 = arith.addi %parallel_loop3A_388, %parallel_loop3A_393 : vector<16xi32>
        %parallel_loop3A_395 = arith.select %parallel_loop3A_391, %parallel_loop3A_394, %parallel_loop3A_388 : vector<16xi1>, vector<16xi32>
        %parallel_loop3A_396 = vector.shape_cast %parallel_loop3A_395 : vector<16xi32> to vector<16x1xi32>
        %parallel_loop3A_397 = vector.shape_cast %parallel_loop3A_396 : vector<16x1xi32> to vector<16xi32>
        %parallel_loop3A_398 = tpu.dynamic_gather %gather3A_208[%parallel_loop3A_397] in [0] : vector<16xf32>, vector<16xi32> -> vector<16xf32>
        %parallel_loop3A_399 = arith.constant 5 : i32
        %parallel_loop3A_400 = vector.broadcast %parallel_loop3A_399 : i32 to vector<16xi32>
        %parallel_loop3A_401 = arith.addi %parallel_loop3A_288, %parallel_loop3A_400 : vector<16xi32>
        %parallel_loop3A_402 = tpu.vector_load_idx %arg13[%parallel_loop3A_280, %parallel_loop3A_401] : memref<208x128xf32, #tpu.memory_space<vmem>>[vector<16xi32>, vector<16xi32>], vector<16xf32>,
        %parallel_loop3A_403 = arith.mulf %parallel_loop3A_398, %parallel_loop3A_402 : vector<16xf32>
        %parallel_loop3A_404 = arith.addf %parallel_loop3A_332, %parallel_loop3A_403 : vector<16xf32>
        %parallel_loop3A_405 = arith.constant 6 : i32
        %parallel_loop3A_406 = vector.broadcast %parallel_loop3A_405 : i32 to vector<16xi32>
        %parallel_loop3A_407 = arith.constant 0 : i32
        %parallel_loop3A_408 = vector.broadcast %parallel_loop3A_407 : i32 to vector<16xi32>
        %parallel_loop3A_409 = arith.cmpi slt, %parallel_loop3A_406, %parallel_loop3A_408 : vector<16xi32>
        %parallel_loop3A_410 = arith.constant 16 : i32
        %parallel_loop3A_411 = vector.broadcast %parallel_loop3A_410 : i32 to vector<16xi32>
        %parallel_loop3A_412 = arith.addi %parallel_loop3A_406, %parallel_loop3A_411 : vector<16xi32>
        %parallel_loop3A_413 = arith.select %parallel_loop3A_409, %parallel_loop3A_412, %parallel_loop3A_406 : vector<16xi1>, vector<16xi32>
        %parallel_loop3A_414 = vector.shape_cast %parallel_loop3A_413 : vector<16xi32> to vector<16x1xi32>
        %parallel_loop3A_415 = vector.shape_cast %parallel_loop3A_414 : vector<16x1xi32> to vector<16xi32>
        %parallel_loop3A_416 = tpu.dynamic_gather %gather3A_208[%parallel_loop3A_415] in [0] : vector<16xf32>, vector<16xi32> -> vector<16xf32>
        %parallel_loop3A_417 = arith.constant 6 : i32
        %parallel_loop3A_418 = vector.broadcast %parallel_loop3A_417 : i32 to vector<16xi32>
        %parallel_loop3A_419 = arith.addi %parallel_loop3A_288, %parallel_loop3A_418 : vector<16xi32>
        %parallel_loop3A_420 = tpu.vector_load_idx %arg13[%parallel_loop3A_280, %parallel_loop3A_419] : memref<208x128xf32, #tpu.memory_space<vmem>>[vector<16xi32>, vector<16xi32>], vector<16xf32>,
        %parallel_loop3A_421 = arith.mulf %parallel_loop3A_416, %parallel_loop3A_420 : vector<16xf32>
        %parallel_loop3A_422 = arith.addf %parallel_loop3A_350, %parallel_loop3A_421 : vector<16xf32>
        %parallel_loop3A_423 = arith.constant 7 : i32
        %parallel_loop3A_424 = vector.broadcast %parallel_loop3A_423 : i32 to vector<16xi32>
        %parallel_loop3A_425 = arith.constant 0 : i32
        %parallel_loop3A_426 = vector.broadcast %parallel_loop3A_425 : i32 to vector<16xi32>
        %parallel_loop3A_427 = arith.cmpi slt, %parallel_loop3A_424, %parallel_loop3A_426 : vector<16xi32>
        %parallel_loop3A_428 = arith.constant 16 : i32
        %parallel_loop3A_429 = vector.broadcast %parallel_loop3A_428 : i32 to vector<16xi32>
        %parallel_loop3A_430 = arith.addi %parallel_loop3A_424, %parallel_loop3A_429 : vector<16xi32>
        %parallel_loop3A_431 = arith.select %parallel_loop3A_427, %parallel_loop3A_430, %parallel_loop3A_424 : vector<16xi1>, vector<16xi32>
        %parallel_loop3A_432 = vector.shape_cast %parallel_loop3A_431 : vector<16xi32> to vector<16x1xi32>
        %parallel_loop3A_433 = vector.shape_cast %parallel_loop3A_432 : vector<16x1xi32> to vector<16xi32>
        %parallel_loop3A_434 = tpu.dynamic_gather %gather3A_208[%parallel_loop3A_433] in [0] : vector<16xf32>, vector<16xi32> -> vector<16xf32>
        %parallel_loop3A_435 = arith.constant 7 : i32
        %parallel_loop3A_436 = vector.broadcast %parallel_loop3A_435 : i32 to vector<16xi32>
        %parallel_loop3A_437 = arith.addi %parallel_loop3A_288, %parallel_loop3A_436 : vector<16xi32>
        %parallel_loop3A_438 = tpu.vector_load_idx %arg13[%parallel_loop3A_280, %parallel_loop3A_437] : memref<208x128xf32, #tpu.memory_space<vmem>>[vector<16xi32>, vector<16xi32>], vector<16xf32>,
        %parallel_loop3A_439 = arith.mulf %parallel_loop3A_434, %parallel_loop3A_438 : vector<16xf32>
        %parallel_loop3A_440 = arith.addf %parallel_loop3A_368, %parallel_loop3A_439 : vector<16xf32>
        %parallel_loop3A_441 = arith.constant 8 : i32
        %parallel_loop3A_442 = vector.broadcast %parallel_loop3A_441 : i32 to vector<16xi32>
        %parallel_loop3A_443 = arith.constant 0 : i32
        %parallel_loop3A_444 = vector.broadcast %parallel_loop3A_443 : i32 to vector<16xi32>
        %parallel_loop3A_445 = arith.cmpi slt, %parallel_loop3A_442, %parallel_loop3A_444 : vector<16xi32>
        %parallel_loop3A_446 = arith.constant 16 : i32
        %parallel_loop3A_447 = vector.broadcast %parallel_loop3A_446 : i32 to vector<16xi32>
        %parallel_loop3A_448 = arith.addi %parallel_loop3A_442, %parallel_loop3A_447 : vector<16xi32>
        %parallel_loop3A_449 = arith.select %parallel_loop3A_445, %parallel_loop3A_448, %parallel_loop3A_442 : vector<16xi1>, vector<16xi32>
        %parallel_loop3A_450 = vector.shape_cast %parallel_loop3A_449 : vector<16xi32> to vector<16x1xi32>
        %parallel_loop3A_451 = vector.shape_cast %parallel_loop3A_450 : vector<16x1xi32> to vector<16xi32>
        %parallel_loop3A_452 = tpu.dynamic_gather %gather3A_208[%parallel_loop3A_451] in [0] : vector<16xf32>, vector<16xi32> -> vector<16xf32>
        %parallel_loop3A_453 = arith.constant 8 : i32
        %parallel_loop3A_454 = vector.broadcast %parallel_loop3A_453 : i32 to vector<16xi32>
        %parallel_loop3A_455 = arith.addi %parallel_loop3A_288, %parallel_loop3A_454 : vector<16xi32>
        %parallel_loop3A_456 = tpu.vector_load_idx %arg13[%parallel_loop3A_280, %parallel_loop3A_455] : memref<208x128xf32, #tpu.memory_space<vmem>>[vector<16xi32>, vector<16xi32>], vector<16xf32>,
        %parallel_loop3A_457 = arith.mulf %parallel_loop3A_452, %parallel_loop3A_456 : vector<16xf32>
        %parallel_loop3A_458 = arith.addf %parallel_loop3A_386, %parallel_loop3A_457 : vector<16xf32>
        %parallel_loop3A_459 = arith.constant 9 : i32
        %parallel_loop3A_460 = vector.broadcast %parallel_loop3A_459 : i32 to vector<16xi32>
        %parallel_loop3A_461 = arith.constant 0 : i32
        %parallel_loop3A_462 = vector.broadcast %parallel_loop3A_461 : i32 to vector<16xi32>
        %parallel_loop3A_463 = arith.cmpi slt, %parallel_loop3A_460, %parallel_loop3A_462 : vector<16xi32>
        %parallel_loop3A_464 = arith.constant 16 : i32
        %parallel_loop3A_465 = vector.broadcast %parallel_loop3A_464 : i32 to vector<16xi32>
        %parallel_loop3A_466 = arith.addi %parallel_loop3A_460, %parallel_loop3A_465 : vector<16xi32>
        %parallel_loop3A_467 = arith.select %parallel_loop3A_463, %parallel_loop3A_466, %parallel_loop3A_460 : vector<16xi1>, vector<16xi32>
        %parallel_loop3A_468 = vector.shape_cast %parallel_loop3A_467 : vector<16xi32> to vector<16x1xi32>
        %parallel_loop3A_469 = vector.shape_cast %parallel_loop3A_468 : vector<16x1xi32> to vector<16xi32>
        %parallel_loop3A_470 = tpu.dynamic_gather %gather3A_208[%parallel_loop3A_469] in [0] : vector<16xf32>, vector<16xi32> -> vector<16xf32>
        %parallel_loop3A_471 = arith.constant 9 : i32
        %parallel_loop3A_472 = vector.broadcast %parallel_loop3A_471 : i32 to vector<16xi32>
        %parallel_loop3A_473 = arith.addi %parallel_loop3A_288, %parallel_loop3A_472 : vector<16xi32>
        %parallel_loop3A_474 = tpu.vector_load_idx %arg13[%parallel_loop3A_280, %parallel_loop3A_473] : memref<208x128xf32, #tpu.memory_space<vmem>>[vector<16xi32>, vector<16xi32>], vector<16xf32>,
        %parallel_loop3A_475 = arith.mulf %parallel_loop3A_470, %parallel_loop3A_474 : vector<16xf32>
        %parallel_loop3A_476 = arith.addf %parallel_loop3A_404, %parallel_loop3A_475 : vector<16xf32>
        %parallel_loop3A_477 = arith.constant 10 : i32
        %parallel_loop3A_478 = vector.broadcast %parallel_loop3A_477 : i32 to vector<16xi32>
        %parallel_loop3A_479 = arith.constant 0 : i32
        %parallel_loop3A_480 = vector.broadcast %parallel_loop3A_479 : i32 to vector<16xi32>
        %parallel_loop3A_481 = arith.cmpi slt, %parallel_loop3A_478, %parallel_loop3A_480 : vector<16xi32>
        %parallel_loop3A_482 = arith.constant 16 : i32
        %parallel_loop3A_483 = vector.broadcast %parallel_loop3A_482 : i32 to vector<16xi32>
        %parallel_loop3A_484 = arith.addi %parallel_loop3A_478, %parallel_loop3A_483 : vector<16xi32>
        %parallel_loop3A_485 = arith.select %parallel_loop3A_481, %parallel_loop3A_484, %parallel_loop3A_478 : vector<16xi1>, vector<16xi32>
        %parallel_loop3A_486 = vector.shape_cast %parallel_loop3A_485 : vector<16xi32> to vector<16x1xi32>
        %parallel_loop3A_487 = vector.shape_cast %parallel_loop3A_486 : vector<16x1xi32> to vector<16xi32>
        %parallel_loop3A_488 = tpu.dynamic_gather %gather3A_208[%parallel_loop3A_487] in [0] : vector<16xf32>, vector<16xi32> -> vector<16xf32>
        %parallel_loop3A_489 = arith.constant 10 : i32
        %parallel_loop3A_490 = vector.broadcast %parallel_loop3A_489 : i32 to vector<16xi32>
        %parallel_loop3A_491 = arith.addi %parallel_loop3A_288, %parallel_loop3A_490 : vector<16xi32>
        %parallel_loop3A_492 = tpu.vector_load_idx %arg13[%parallel_loop3A_280, %parallel_loop3A_491] : memref<208x128xf32, #tpu.memory_space<vmem>>[vector<16xi32>, vector<16xi32>], vector<16xf32>,
        %parallel_loop3A_493 = arith.mulf %parallel_loop3A_488, %parallel_loop3A_492 : vector<16xf32>
        %parallel_loop3A_494 = arith.addf %parallel_loop3A_422, %parallel_loop3A_493 : vector<16xf32>
        %parallel_loop3A_495 = arith.constant 11 : i32
        %parallel_loop3A_496 = vector.broadcast %parallel_loop3A_495 : i32 to vector<16xi32>
        %parallel_loop3A_497 = arith.constant 0 : i32
        %parallel_loop3A_498 = vector.broadcast %parallel_loop3A_497 : i32 to vector<16xi32>
        %parallel_loop3A_499 = arith.cmpi slt, %parallel_loop3A_496, %parallel_loop3A_498 : vector<16xi32>
        %parallel_loop3A_500 = arith.constant 16 : i32
        %parallel_loop3A_501 = vector.broadcast %parallel_loop3A_500 : i32 to vector<16xi32>
        %parallel_loop3A_502 = arith.addi %parallel_loop3A_496, %parallel_loop3A_501 : vector<16xi32>
        %parallel_loop3A_503 = arith.select %parallel_loop3A_499, %parallel_loop3A_502, %parallel_loop3A_496 : vector<16xi1>, vector<16xi32>
        %parallel_loop3A_504 = vector.shape_cast %parallel_loop3A_503 : vector<16xi32> to vector<16x1xi32>
        %parallel_loop3A_505 = vector.shape_cast %parallel_loop3A_504 : vector<16x1xi32> to vector<16xi32>
        %parallel_loop3A_506 = tpu.dynamic_gather %gather3A_208[%parallel_loop3A_505] in [0] : vector<16xf32>, vector<16xi32> -> vector<16xf32>
        %parallel_loop3A_507 = arith.constant 11 : i32
        %parallel_loop3A_508 = vector.broadcast %parallel_loop3A_507 : i32 to vector<16xi32>
        %parallel_loop3A_509 = arith.addi %parallel_loop3A_288, %parallel_loop3A_508 : vector<16xi32>
        %parallel_loop3A_510 = tpu.vector_load_idx %arg13[%parallel_loop3A_280, %parallel_loop3A_509] : memref<208x128xf32, #tpu.memory_space<vmem>>[vector<16xi32>, vector<16xi32>], vector<16xf32>,
        %parallel_loop3A_511 = arith.mulf %parallel_loop3A_506, %parallel_loop3A_510 : vector<16xf32>
        %parallel_loop3A_512 = arith.addf %parallel_loop3A_440, %parallel_loop3A_511 : vector<16xf32>
        %parallel_loop3A_513 = arith.constant 12 : i32
        %parallel_loop3A_514 = vector.broadcast %parallel_loop3A_513 : i32 to vector<16xi32>
        %parallel_loop3A_515 = arith.constant 0 : i32
        %parallel_loop3A_516 = vector.broadcast %parallel_loop3A_515 : i32 to vector<16xi32>
        %parallel_loop3A_517 = arith.cmpi slt, %parallel_loop3A_514, %parallel_loop3A_516 : vector<16xi32>
        %parallel_loop3A_518 = arith.constant 16 : i32
        %parallel_loop3A_519 = vector.broadcast %parallel_loop3A_518 : i32 to vector<16xi32>
        %parallel_loop3A_520 = arith.addi %parallel_loop3A_514, %parallel_loop3A_519 : vector<16xi32>
        %parallel_loop3A_521 = arith.select %parallel_loop3A_517, %parallel_loop3A_520, %parallel_loop3A_514 : vector<16xi1>, vector<16xi32>
        %parallel_loop3A_522 = vector.shape_cast %parallel_loop3A_521 : vector<16xi32> to vector<16x1xi32>
        %parallel_loop3A_523 = vector.shape_cast %parallel_loop3A_522 : vector<16x1xi32> to vector<16xi32>
        %parallel_loop3A_524 = tpu.dynamic_gather %gather3A_208[%parallel_loop3A_523] in [0] : vector<16xf32>, vector<16xi32> -> vector<16xf32>
        %parallel_loop3A_525 = arith.constant 12 : i32
        %parallel_loop3A_526 = vector.broadcast %parallel_loop3A_525 : i32 to vector<16xi32>
        %parallel_loop3A_527 = arith.addi %parallel_loop3A_288, %parallel_loop3A_526 : vector<16xi32>
        %parallel_loop3A_528 = tpu.vector_load_idx %arg13[%parallel_loop3A_280, %parallel_loop3A_527] : memref<208x128xf32, #tpu.memory_space<vmem>>[vector<16xi32>, vector<16xi32>], vector<16xf32>,
        %parallel_loop3A_529 = arith.mulf %parallel_loop3A_524, %parallel_loop3A_528 : vector<16xf32>
        %parallel_loop3A_530 = arith.addf %parallel_loop3A_458, %parallel_loop3A_529 : vector<16xf32>
        %parallel_loop3A_531 = arith.constant 13 : i32
        %parallel_loop3A_532 = vector.broadcast %parallel_loop3A_531 : i32 to vector<16xi32>
        %parallel_loop3A_533 = arith.constant 0 : i32
        %parallel_loop3A_534 = vector.broadcast %parallel_loop3A_533 : i32 to vector<16xi32>
        %parallel_loop3A_535 = arith.cmpi slt, %parallel_loop3A_532, %parallel_loop3A_534 : vector<16xi32>
        %parallel_loop3A_536 = arith.constant 16 : i32
        %parallel_loop3A_537 = vector.broadcast %parallel_loop3A_536 : i32 to vector<16xi32>
        %parallel_loop3A_538 = arith.addi %parallel_loop3A_532, %parallel_loop3A_537 : vector<16xi32>
        %parallel_loop3A_539 = arith.select %parallel_loop3A_535, %parallel_loop3A_538, %parallel_loop3A_532 : vector<16xi1>, vector<16xi32>
        %parallel_loop3A_540 = vector.shape_cast %parallel_loop3A_539 : vector<16xi32> to vector<16x1xi32>
        %parallel_loop3A_541 = vector.shape_cast %parallel_loop3A_540 : vector<16x1xi32> to vector<16xi32>
        %parallel_loop3A_542 = tpu.dynamic_gather %gather3A_208[%parallel_loop3A_541] in [0] : vector<16xf32>, vector<16xi32> -> vector<16xf32>
        %parallel_loop3A_543 = arith.constant 13 : i32
        %parallel_loop3A_544 = vector.broadcast %parallel_loop3A_543 : i32 to vector<16xi32>
        %parallel_loop3A_545 = arith.addi %parallel_loop3A_288, %parallel_loop3A_544 : vector<16xi32>
        %parallel_loop3A_546 = tpu.vector_load_idx %arg13[%parallel_loop3A_280, %parallel_loop3A_545] : memref<208x128xf32, #tpu.memory_space<vmem>>[vector<16xi32>, vector<16xi32>], vector<16xf32>,
        %parallel_loop3A_547 = arith.mulf %parallel_loop3A_542, %parallel_loop3A_546 : vector<16xf32>
        %parallel_loop3A_548 = arith.addf %parallel_loop3A_476, %parallel_loop3A_547 : vector<16xf32>
        %parallel_loop3A_549 = arith.constant 14 : i32
        %parallel_loop3A_550 = vector.broadcast %parallel_loop3A_549 : i32 to vector<16xi32>
        %parallel_loop3A_551 = arith.constant 0 : i32
        %parallel_loop3A_552 = vector.broadcast %parallel_loop3A_551 : i32 to vector<16xi32>
        %parallel_loop3A_553 = arith.cmpi slt, %parallel_loop3A_550, %parallel_loop3A_552 : vector<16xi32>
        %parallel_loop3A_554 = arith.constant 16 : i32
        %parallel_loop3A_555 = vector.broadcast %parallel_loop3A_554 : i32 to vector<16xi32>
        %parallel_loop3A_556 = arith.addi %parallel_loop3A_550, %parallel_loop3A_555 : vector<16xi32>
        %parallel_loop3A_557 = arith.select %parallel_loop3A_553, %parallel_loop3A_556, %parallel_loop3A_550 : vector<16xi1>, vector<16xi32>
        %parallel_loop3A_558 = vector.shape_cast %parallel_loop3A_557 : vector<16xi32> to vector<16x1xi32>
        %parallel_loop3A_559 = vector.shape_cast %parallel_loop3A_558 : vector<16x1xi32> to vector<16xi32>
        %parallel_loop3A_560 = tpu.dynamic_gather %gather3A_208[%parallel_loop3A_559] in [0] : vector<16xf32>, vector<16xi32> -> vector<16xf32>
        %parallel_loop3A_561 = arith.constant 14 : i32
        %parallel_loop3A_562 = vector.broadcast %parallel_loop3A_561 : i32 to vector<16xi32>
        %parallel_loop3A_563 = arith.addi %parallel_loop3A_288, %parallel_loop3A_562 : vector<16xi32>
        %parallel_loop3A_564 = tpu.vector_load_idx %arg13[%parallel_loop3A_280, %parallel_loop3A_563] : memref<208x128xf32, #tpu.memory_space<vmem>>[vector<16xi32>, vector<16xi32>], vector<16xf32>,
        %parallel_loop3A_565 = arith.mulf %parallel_loop3A_560, %parallel_loop3A_564 : vector<16xf32>
        %parallel_loop3A_566 = arith.addf %parallel_loop3A_494, %parallel_loop3A_565 : vector<16xf32>
        %parallel_loop3A_567 = arith.constant 15 : i32
        %parallel_loop3A_568 = vector.broadcast %parallel_loop3A_567 : i32 to vector<16xi32>
        %parallel_loop3A_569 = arith.constant 0 : i32
        %parallel_loop3A_570 = vector.broadcast %parallel_loop3A_569 : i32 to vector<16xi32>
        %parallel_loop3A_571 = arith.cmpi slt, %parallel_loop3A_568, %parallel_loop3A_570 : vector<16xi32>
        %parallel_loop3A_572 = arith.constant 16 : i32
        %parallel_loop3A_573 = vector.broadcast %parallel_loop3A_572 : i32 to vector<16xi32>
        %parallel_loop3A_574 = arith.addi %parallel_loop3A_568, %parallel_loop3A_573 : vector<16xi32>
        %parallel_loop3A_575 = arith.select %parallel_loop3A_571, %parallel_loop3A_574, %parallel_loop3A_568 : vector<16xi1>, vector<16xi32>
        %parallel_loop3A_576 = vector.shape_cast %parallel_loop3A_575 : vector<16xi32> to vector<16x1xi32>
        %parallel_loop3A_577 = vector.shape_cast %parallel_loop3A_576 : vector<16x1xi32> to vector<16xi32>
        %parallel_loop3A_578 = tpu.dynamic_gather %gather3A_208[%parallel_loop3A_577] in [0] : vector<16xf32>, vector<16xi32> -> vector<16xf32>
        %parallel_loop3A_579 = arith.constant 15 : i32
        %parallel_loop3A_580 = vector.broadcast %parallel_loop3A_579 : i32 to vector<16xi32>
        %parallel_loop3A_581 = arith.addi %parallel_loop3A_288, %parallel_loop3A_580 : vector<16xi32>
        %parallel_loop3A_582 = tpu.vector_load_idx %arg13[%parallel_loop3A_280, %parallel_loop3A_581] : memref<208x128xf32, #tpu.memory_space<vmem>>[vector<16xi32>, vector<16xi32>], vector<16xf32>,
        %parallel_loop3A_583 = arith.mulf %parallel_loop3A_578, %parallel_loop3A_582 : vector<16xf32>
        %parallel_loop3A_584 = arith.addf %parallel_loop3A_512, %parallel_loop3A_583 : vector<16xf32>
        %parallel_loop3A_585 = arith.constant 0 : i32
        %parallel_loop3A_586 = vector.broadcast %parallel_loop3A_585 : i32 to vector<16xi32>
        %parallel_loop3A_587 = arith.constant 0 : i32
        %parallel_loop3A_588 = vector.broadcast %parallel_loop3A_587 : i32 to vector<16xi32>
        %parallel_loop3A_589 = arith.cmpi slt, %parallel_loop3A_586, %parallel_loop3A_588 : vector<16xi32>
        %parallel_loop3A_590 = arith.constant 16 : i32
        %parallel_loop3A_591 = vector.broadcast %parallel_loop3A_590 : i32 to vector<16xi32>
        %parallel_loop3A_592 = arith.addi %parallel_loop3A_586, %parallel_loop3A_591 : vector<16xi32>
        %parallel_loop3A_593 = arith.select %parallel_loop3A_589, %parallel_loop3A_592, %parallel_loop3A_586 : vector<16xi1>, vector<16xi32>
        %parallel_loop3A_594 = vector.shape_cast %parallel_loop3A_593 : vector<16xi32> to vector<16x1xi32>
        %parallel_loop3A_595 = vector.shape_cast %parallel_loop3A_594 : vector<16x1xi32> to vector<16xi32>
        %parallel_loop3A_596 = tpu.dynamic_gather %gather3A_212[%parallel_loop3A_595] in [0] : vector<16xf32>, vector<16xi32> -> vector<16xf32>
        %parallel_loop3A_597 = arith.constant 16 : i32
        %parallel_loop3A_598 = vector.broadcast %parallel_loop3A_597 : i32 to vector<16xi32>
        %parallel_loop3A_599 = arith.addi %parallel_loop3A_288, %parallel_loop3A_598 : vector<16xi32>
        %parallel_loop3A_600 = tpu.vector_load_idx %arg13[%parallel_loop3A_280, %parallel_loop3A_599] : memref<208x128xf32, #tpu.memory_space<vmem>>[vector<16xi32>, vector<16xi32>], vector<16xf32>,
        %parallel_loop3A_601 = arith.mulf %parallel_loop3A_596, %parallel_loop3A_600 : vector<16xf32>
        %parallel_loop3A_602 = arith.addf %parallel_loop3A_530, %parallel_loop3A_601 : vector<16xf32>
        %parallel_loop3A_603 = arith.constant 1 : i32
        %parallel_loop3A_604 = vector.broadcast %parallel_loop3A_603 : i32 to vector<16xi32>
        %parallel_loop3A_605 = arith.constant 0 : i32
        %parallel_loop3A_606 = vector.broadcast %parallel_loop3A_605 : i32 to vector<16xi32>
        %parallel_loop3A_607 = arith.cmpi slt, %parallel_loop3A_604, %parallel_loop3A_606 : vector<16xi32>
        %parallel_loop3A_608 = arith.constant 16 : i32
        %parallel_loop3A_609 = vector.broadcast %parallel_loop3A_608 : i32 to vector<16xi32>
        %parallel_loop3A_610 = arith.addi %parallel_loop3A_604, %parallel_loop3A_609 : vector<16xi32>
        %parallel_loop3A_611 = arith.select %parallel_loop3A_607, %parallel_loop3A_610, %parallel_loop3A_604 : vector<16xi1>, vector<16xi32>
        %parallel_loop3A_612 = vector.shape_cast %parallel_loop3A_611 : vector<16xi32> to vector<16x1xi32>
        %parallel_loop3A_613 = vector.shape_cast %parallel_loop3A_612 : vector<16x1xi32> to vector<16xi32>
        %parallel_loop3A_614 = tpu.dynamic_gather %gather3A_212[%parallel_loop3A_613] in [0] : vector<16xf32>, vector<16xi32> -> vector<16xf32>
        %parallel_loop3A_615 = arith.constant 17 : i32
        %parallel_loop3A_616 = vector.broadcast %parallel_loop3A_615 : i32 to vector<16xi32>
        %parallel_loop3A_617 = arith.addi %parallel_loop3A_288, %parallel_loop3A_616 : vector<16xi32>
        %parallel_loop3A_618 = tpu.vector_load_idx %arg13[%parallel_loop3A_280, %parallel_loop3A_617] : memref<208x128xf32, #tpu.memory_space<vmem>>[vector<16xi32>, vector<16xi32>], vector<16xf32>,
        %parallel_loop3A_619 = arith.mulf %parallel_loop3A_614, %parallel_loop3A_618 : vector<16xf32>
        %parallel_loop3A_620 = arith.addf %parallel_loop3A_548, %parallel_loop3A_619 : vector<16xf32>
        %parallel_loop3A_621 = arith.constant 2 : i32
        %parallel_loop3A_622 = vector.broadcast %parallel_loop3A_621 : i32 to vector<16xi32>
        %parallel_loop3A_623 = arith.constant 0 : i32
        %parallel_loop3A_624 = vector.broadcast %parallel_loop3A_623 : i32 to vector<16xi32>
        %parallel_loop3A_625 = arith.cmpi slt, %parallel_loop3A_622, %parallel_loop3A_624 : vector<16xi32>
        %parallel_loop3A_626 = arith.constant 16 : i32
        %parallel_loop3A_627 = vector.broadcast %parallel_loop3A_626 : i32 to vector<16xi32>
        %parallel_loop3A_628 = arith.addi %parallel_loop3A_622, %parallel_loop3A_627 : vector<16xi32>
        %parallel_loop3A_629 = arith.select %parallel_loop3A_625, %parallel_loop3A_628, %parallel_loop3A_622 : vector<16xi1>, vector<16xi32>
        %parallel_loop3A_630 = vector.shape_cast %parallel_loop3A_629 : vector<16xi32> to vector<16x1xi32>
        %parallel_loop3A_631 = vector.shape_cast %parallel_loop3A_630 : vector<16x1xi32> to vector<16xi32>
        %parallel_loop3A_632 = tpu.dynamic_gather %gather3A_212[%parallel_loop3A_631] in [0] : vector<16xf32>, vector<16xi32> -> vector<16xf32>
        %parallel_loop3A_633 = arith.constant 18 : i32
        %parallel_loop3A_634 = vector.broadcast %parallel_loop3A_633 : i32 to vector<16xi32>
        %parallel_loop3A_635 = arith.addi %parallel_loop3A_288, %parallel_loop3A_634 : vector<16xi32>
        %parallel_loop3A_636 = tpu.vector_load_idx %arg13[%parallel_loop3A_280, %parallel_loop3A_635] : memref<208x128xf32, #tpu.memory_space<vmem>>[vector<16xi32>, vector<16xi32>], vector<16xf32>,
        %parallel_loop3A_637 = arith.mulf %parallel_loop3A_632, %parallel_loop3A_636 : vector<16xf32>
        %parallel_loop3A_638 = arith.addf %parallel_loop3A_566, %parallel_loop3A_637 : vector<16xf32>
        %parallel_loop3A_639 = arith.constant 3 : i32
        %parallel_loop3A_640 = vector.broadcast %parallel_loop3A_639 : i32 to vector<16xi32>
        %parallel_loop3A_641 = arith.constant 0 : i32
        %parallel_loop3A_642 = vector.broadcast %parallel_loop3A_641 : i32 to vector<16xi32>
        %parallel_loop3A_643 = arith.cmpi slt, %parallel_loop3A_640, %parallel_loop3A_642 : vector<16xi32>
        %parallel_loop3A_644 = arith.constant 16 : i32
        %parallel_loop3A_645 = vector.broadcast %parallel_loop3A_644 : i32 to vector<16xi32>
        %parallel_loop3A_646 = arith.addi %parallel_loop3A_640, %parallel_loop3A_645 : vector<16xi32>
        %parallel_loop3A_647 = arith.select %parallel_loop3A_643, %parallel_loop3A_646, %parallel_loop3A_640 : vector<16xi1>, vector<16xi32>
        %parallel_loop3A_648 = vector.shape_cast %parallel_loop3A_647 : vector<16xi32> to vector<16x1xi32>
        %parallel_loop3A_649 = vector.shape_cast %parallel_loop3A_648 : vector<16x1xi32> to vector<16xi32>
        %parallel_loop3A_650 = tpu.dynamic_gather %gather3A_212[%parallel_loop3A_649] in [0] : vector<16xf32>, vector<16xi32> -> vector<16xf32>
        %parallel_loop3A_651 = arith.constant 19 : i32
        %parallel_loop3A_652 = vector.broadcast %parallel_loop3A_651 : i32 to vector<16xi32>
        %parallel_loop3A_653 = arith.addi %parallel_loop3A_288, %parallel_loop3A_652 : vector<16xi32>
        %parallel_loop3A_654 = tpu.vector_load_idx %arg13[%parallel_loop3A_280, %parallel_loop3A_653] : memref<208x128xf32, #tpu.memory_space<vmem>>[vector<16xi32>, vector<16xi32>], vector<16xf32>,
        %parallel_loop3A_655 = arith.mulf %parallel_loop3A_650, %parallel_loop3A_654 : vector<16xf32>
        %parallel_loop3A_656 = arith.addf %parallel_loop3A_584, %parallel_loop3A_655 : vector<16xf32>
        %parallel_loop3A_657 = arith.constant 4 : i32
        %parallel_loop3A_658 = vector.broadcast %parallel_loop3A_657 : i32 to vector<16xi32>
        %parallel_loop3A_659 = arith.constant 0 : i32
        %parallel_loop3A_660 = vector.broadcast %parallel_loop3A_659 : i32 to vector<16xi32>
        %parallel_loop3A_661 = arith.cmpi slt, %parallel_loop3A_658, %parallel_loop3A_660 : vector<16xi32>
        %parallel_loop3A_662 = arith.constant 16 : i32
        %parallel_loop3A_663 = vector.broadcast %parallel_loop3A_662 : i32 to vector<16xi32>
        %parallel_loop3A_664 = arith.addi %parallel_loop3A_658, %parallel_loop3A_663 : vector<16xi32>
        %parallel_loop3A_665 = arith.select %parallel_loop3A_661, %parallel_loop3A_664, %parallel_loop3A_658 : vector<16xi1>, vector<16xi32>
        %parallel_loop3A_666 = vector.shape_cast %parallel_loop3A_665 : vector<16xi32> to vector<16x1xi32>
        %parallel_loop3A_667 = vector.shape_cast %parallel_loop3A_666 : vector<16x1xi32> to vector<16xi32>
        %parallel_loop3A_668 = tpu.dynamic_gather %gather3A_212[%parallel_loop3A_667] in [0] : vector<16xf32>, vector<16xi32> -> vector<16xf32>
        %parallel_loop3A_669 = arith.constant 20 : i32
        %parallel_loop3A_670 = vector.broadcast %parallel_loop3A_669 : i32 to vector<16xi32>
        %parallel_loop3A_671 = arith.addi %parallel_loop3A_288, %parallel_loop3A_670 : vector<16xi32>
        %parallel_loop3A_672 = tpu.vector_load_idx %arg13[%parallel_loop3A_280, %parallel_loop3A_671] : memref<208x128xf32, #tpu.memory_space<vmem>>[vector<16xi32>, vector<16xi32>], vector<16xf32>,
        %parallel_loop3A_673 = arith.mulf %parallel_loop3A_668, %parallel_loop3A_672 : vector<16xf32>
        %parallel_loop3A_674 = arith.addf %parallel_loop3A_602, %parallel_loop3A_673 : vector<16xf32>
        %parallel_loop3A_675 = arith.constant 5 : i32
        %parallel_loop3A_676 = vector.broadcast %parallel_loop3A_675 : i32 to vector<16xi32>
        %parallel_loop3A_677 = arith.constant 0 : i32
        %parallel_loop3A_678 = vector.broadcast %parallel_loop3A_677 : i32 to vector<16xi32>
        %parallel_loop3A_679 = arith.cmpi slt, %parallel_loop3A_676, %parallel_loop3A_678 : vector<16xi32>
        %parallel_loop3A_680 = arith.constant 16 : i32
        %parallel_loop3A_681 = vector.broadcast %parallel_loop3A_680 : i32 to vector<16xi32>
        %parallel_loop3A_682 = arith.addi %parallel_loop3A_676, %parallel_loop3A_681 : vector<16xi32>
        %parallel_loop3A_683 = arith.select %parallel_loop3A_679, %parallel_loop3A_682, %parallel_loop3A_676 : vector<16xi1>, vector<16xi32>
        %parallel_loop3A_684 = vector.shape_cast %parallel_loop3A_683 : vector<16xi32> to vector<16x1xi32>
        %parallel_loop3A_685 = vector.shape_cast %parallel_loop3A_684 : vector<16x1xi32> to vector<16xi32>
        %parallel_loop3A_686 = tpu.dynamic_gather %gather3A_212[%parallel_loop3A_685] in [0] : vector<16xf32>, vector<16xi32> -> vector<16xf32>
        %parallel_loop3A_687 = arith.constant 21 : i32
        %parallel_loop3A_688 = vector.broadcast %parallel_loop3A_687 : i32 to vector<16xi32>
        %parallel_loop3A_689 = arith.addi %parallel_loop3A_288, %parallel_loop3A_688 : vector<16xi32>
        %parallel_loop3A_690 = tpu.vector_load_idx %arg13[%parallel_loop3A_280, %parallel_loop3A_689] : memref<208x128xf32, #tpu.memory_space<vmem>>[vector<16xi32>, vector<16xi32>], vector<16xf32>,
        %parallel_loop3A_691 = arith.mulf %parallel_loop3A_686, %parallel_loop3A_690 : vector<16xf32>
        %parallel_loop3A_692 = arith.addf %parallel_loop3A_620, %parallel_loop3A_691 : vector<16xf32>
        %parallel_loop3A_693 = arith.constant 6 : i32
        %parallel_loop3A_694 = vector.broadcast %parallel_loop3A_693 : i32 to vector<16xi32>
        %parallel_loop3A_695 = arith.constant 0 : i32
        %parallel_loop3A_696 = vector.broadcast %parallel_loop3A_695 : i32 to vector<16xi32>
        %parallel_loop3A_697 = arith.cmpi slt, %parallel_loop3A_694, %parallel_loop3A_696 : vector<16xi32>
        %parallel_loop3A_698 = arith.constant 16 : i32
        %parallel_loop3A_699 = vector.broadcast %parallel_loop3A_698 : i32 to vector<16xi32>
        %parallel_loop3A_700 = arith.addi %parallel_loop3A_694, %parallel_loop3A_699 : vector<16xi32>
        %parallel_loop3A_701 = arith.select %parallel_loop3A_697, %parallel_loop3A_700, %parallel_loop3A_694 : vector<16xi1>, vector<16xi32>
        %parallel_loop3A_702 = vector.shape_cast %parallel_loop3A_701 : vector<16xi32> to vector<16x1xi32>
        %parallel_loop3A_703 = vector.shape_cast %parallel_loop3A_702 : vector<16x1xi32> to vector<16xi32>
        %parallel_loop3A_704 = tpu.dynamic_gather %gather3A_212[%parallel_loop3A_703] in [0] : vector<16xf32>, vector<16xi32> -> vector<16xf32>
        %parallel_loop3A_705 = arith.constant 22 : i32
        %parallel_loop3A_706 = vector.broadcast %parallel_loop3A_705 : i32 to vector<16xi32>
        %parallel_loop3A_707 = arith.addi %parallel_loop3A_288, %parallel_loop3A_706 : vector<16xi32>
        %parallel_loop3A_708 = tpu.vector_load_idx %arg13[%parallel_loop3A_280, %parallel_loop3A_707] : memref<208x128xf32, #tpu.memory_space<vmem>>[vector<16xi32>, vector<16xi32>], vector<16xf32>,
        %parallel_loop3A_709 = arith.mulf %parallel_loop3A_704, %parallel_loop3A_708 : vector<16xf32>
        %parallel_loop3A_710 = arith.addf %parallel_loop3A_638, %parallel_loop3A_709 : vector<16xf32>
        %parallel_loop3A_711 = arith.constant 7 : i32
        %parallel_loop3A_712 = vector.broadcast %parallel_loop3A_711 : i32 to vector<16xi32>
        %parallel_loop3A_713 = arith.constant 0 : i32
        %parallel_loop3A_714 = vector.broadcast %parallel_loop3A_713 : i32 to vector<16xi32>
        %parallel_loop3A_715 = arith.cmpi slt, %parallel_loop3A_712, %parallel_loop3A_714 : vector<16xi32>
        %parallel_loop3A_716 = arith.constant 16 : i32
        %parallel_loop3A_717 = vector.broadcast %parallel_loop3A_716 : i32 to vector<16xi32>
        %parallel_loop3A_718 = arith.addi %parallel_loop3A_712, %parallel_loop3A_717 : vector<16xi32>
        %parallel_loop3A_719 = arith.select %parallel_loop3A_715, %parallel_loop3A_718, %parallel_loop3A_712 : vector<16xi1>, vector<16xi32>
        %parallel_loop3A_720 = vector.shape_cast %parallel_loop3A_719 : vector<16xi32> to vector<16x1xi32>
        %parallel_loop3A_721 = vector.shape_cast %parallel_loop3A_720 : vector<16x1xi32> to vector<16xi32>
        %parallel_loop3A_722 = tpu.dynamic_gather %gather3A_212[%parallel_loop3A_721] in [0] : vector<16xf32>, vector<16xi32> -> vector<16xf32>
        %parallel_loop3A_723 = arith.constant 23 : i32
        %parallel_loop3A_724 = vector.broadcast %parallel_loop3A_723 : i32 to vector<16xi32>
        %parallel_loop3A_725 = arith.addi %parallel_loop3A_288, %parallel_loop3A_724 : vector<16xi32>
        %parallel_loop3A_726 = tpu.vector_load_idx %arg13[%parallel_loop3A_280, %parallel_loop3A_725] : memref<208x128xf32, #tpu.memory_space<vmem>>[vector<16xi32>, vector<16xi32>], vector<16xf32>,
        %parallel_loop3A_727 = arith.mulf %parallel_loop3A_722, %parallel_loop3A_726 : vector<16xf32>
        %parallel_loop3A_728 = arith.addf %parallel_loop3A_656, %parallel_loop3A_727 : vector<16xf32>
        %parallel_loop3A_729 = arith.constant 8 : i32
        %parallel_loop3A_730 = vector.broadcast %parallel_loop3A_729 : i32 to vector<16xi32>
        %parallel_loop3A_731 = arith.constant 0 : i32
        %parallel_loop3A_732 = vector.broadcast %parallel_loop3A_731 : i32 to vector<16xi32>
        %parallel_loop3A_733 = arith.cmpi slt, %parallel_loop3A_730, %parallel_loop3A_732 : vector<16xi32>
        %parallel_loop3A_734 = arith.constant 16 : i32
        %parallel_loop3A_735 = vector.broadcast %parallel_loop3A_734 : i32 to vector<16xi32>
        %parallel_loop3A_736 = arith.addi %parallel_loop3A_730, %parallel_loop3A_735 : vector<16xi32>
        %parallel_loop3A_737 = arith.select %parallel_loop3A_733, %parallel_loop3A_736, %parallel_loop3A_730 : vector<16xi1>, vector<16xi32>
        %parallel_loop3A_738 = vector.shape_cast %parallel_loop3A_737 : vector<16xi32> to vector<16x1xi32>
        %parallel_loop3A_739 = vector.shape_cast %parallel_loop3A_738 : vector<16x1xi32> to vector<16xi32>
        %parallel_loop3A_740 = tpu.dynamic_gather %gather3A_212[%parallel_loop3A_739] in [0] : vector<16xf32>, vector<16xi32> -> vector<16xf32>
        %parallel_loop3A_741 = arith.constant 24 : i32
        %parallel_loop3A_742 = vector.broadcast %parallel_loop3A_741 : i32 to vector<16xi32>
        %parallel_loop3A_743 = arith.addi %parallel_loop3A_288, %parallel_loop3A_742 : vector<16xi32>
        %parallel_loop3A_744 = tpu.vector_load_idx %arg13[%parallel_loop3A_280, %parallel_loop3A_743] : memref<208x128xf32, #tpu.memory_space<vmem>>[vector<16xi32>, vector<16xi32>], vector<16xf32>,
        %parallel_loop3A_745 = arith.mulf %parallel_loop3A_740, %parallel_loop3A_744 : vector<16xf32>
        %parallel_loop3A_746 = arith.addf %parallel_loop3A_674, %parallel_loop3A_745 : vector<16xf32>
        %parallel_loop3A_747 = arith.constant 9 : i32
        %parallel_loop3A_748 = vector.broadcast %parallel_loop3A_747 : i32 to vector<16xi32>
        %parallel_loop3A_749 = arith.constant 0 : i32
        %parallel_loop3A_750 = vector.broadcast %parallel_loop3A_749 : i32 to vector<16xi32>
        %parallel_loop3A_751 = arith.cmpi slt, %parallel_loop3A_748, %parallel_loop3A_750 : vector<16xi32>
        %parallel_loop3A_752 = arith.constant 16 : i32
        %parallel_loop3A_753 = vector.broadcast %parallel_loop3A_752 : i32 to vector<16xi32>
        %parallel_loop3A_754 = arith.addi %parallel_loop3A_748, %parallel_loop3A_753 : vector<16xi32>
        %parallel_loop3A_755 = arith.select %parallel_loop3A_751, %parallel_loop3A_754, %parallel_loop3A_748 : vector<16xi1>, vector<16xi32>
        %parallel_loop3A_756 = vector.shape_cast %parallel_loop3A_755 : vector<16xi32> to vector<16x1xi32>
        %parallel_loop3A_757 = vector.shape_cast %parallel_loop3A_756 : vector<16x1xi32> to vector<16xi32>
        %parallel_loop3A_758 = tpu.dynamic_gather %gather3A_212[%parallel_loop3A_757] in [0] : vector<16xf32>, vector<16xi32> -> vector<16xf32>
        %parallel_loop3A_759 = arith.constant 25 : i32
        %parallel_loop3A_760 = vector.broadcast %parallel_loop3A_759 : i32 to vector<16xi32>
        %parallel_loop3A_761 = arith.addi %parallel_loop3A_288, %parallel_loop3A_760 : vector<16xi32>
        %parallel_loop3A_762 = tpu.vector_load_idx %arg13[%parallel_loop3A_280, %parallel_loop3A_761] : memref<208x128xf32, #tpu.memory_space<vmem>>[vector<16xi32>, vector<16xi32>], vector<16xf32>,
        %parallel_loop3A_763 = arith.mulf %parallel_loop3A_758, %parallel_loop3A_762 : vector<16xf32>
        %parallel_loop3A_764 = arith.addf %parallel_loop3A_692, %parallel_loop3A_763 : vector<16xf32>
        %parallel_loop3A_765 = arith.constant 10 : i32
        %parallel_loop3A_766 = vector.broadcast %parallel_loop3A_765 : i32 to vector<16xi32>
        %parallel_loop3A_767 = arith.constant 0 : i32
        %parallel_loop3A_768 = vector.broadcast %parallel_loop3A_767 : i32 to vector<16xi32>
        %parallel_loop3A_769 = arith.cmpi slt, %parallel_loop3A_766, %parallel_loop3A_768 : vector<16xi32>
        %parallel_loop3A_770 = arith.constant 16 : i32
        %parallel_loop3A_771 = vector.broadcast %parallel_loop3A_770 : i32 to vector<16xi32>
        %parallel_loop3A_772 = arith.addi %parallel_loop3A_766, %parallel_loop3A_771 : vector<16xi32>
        %parallel_loop3A_773 = arith.select %parallel_loop3A_769, %parallel_loop3A_772, %parallel_loop3A_766 : vector<16xi1>, vector<16xi32>
        %parallel_loop3A_774 = vector.shape_cast %parallel_loop3A_773 : vector<16xi32> to vector<16x1xi32>
        %parallel_loop3A_775 = vector.shape_cast %parallel_loop3A_774 : vector<16x1xi32> to vector<16xi32>
        %parallel_loop3A_776 = tpu.dynamic_gather %gather3A_212[%parallel_loop3A_775] in [0] : vector<16xf32>, vector<16xi32> -> vector<16xf32>
        %parallel_loop3A_777 = arith.constant 26 : i32
        %parallel_loop3A_778 = vector.broadcast %parallel_loop3A_777 : i32 to vector<16xi32>
        %parallel_loop3A_779 = arith.addi %parallel_loop3A_288, %parallel_loop3A_778 : vector<16xi32>
        %parallel_loop3A_780 = tpu.vector_load_idx %arg13[%parallel_loop3A_280, %parallel_loop3A_779] : memref<208x128xf32, #tpu.memory_space<vmem>>[vector<16xi32>, vector<16xi32>], vector<16xf32>,
        %parallel_loop3A_781 = arith.mulf %parallel_loop3A_776, %parallel_loop3A_780 : vector<16xf32>
        %parallel_loop3A_782 = arith.addf %parallel_loop3A_710, %parallel_loop3A_781 : vector<16xf32>
        %parallel_loop3A_783 = arith.constant 11 : i32
        %parallel_loop3A_784 = vector.broadcast %parallel_loop3A_783 : i32 to vector<16xi32>
        %parallel_loop3A_785 = arith.constant 0 : i32
        %parallel_loop3A_786 = vector.broadcast %parallel_loop3A_785 : i32 to vector<16xi32>
        %parallel_loop3A_787 = arith.cmpi slt, %parallel_loop3A_784, %parallel_loop3A_786 : vector<16xi32>
        %parallel_loop3A_788 = arith.constant 16 : i32
        %parallel_loop3A_789 = vector.broadcast %parallel_loop3A_788 : i32 to vector<16xi32>
        %parallel_loop3A_790 = arith.addi %parallel_loop3A_784, %parallel_loop3A_789 : vector<16xi32>
        %parallel_loop3A_791 = arith.select %parallel_loop3A_787, %parallel_loop3A_790, %parallel_loop3A_784 : vector<16xi1>, vector<16xi32>
        %parallel_loop3A_792 = vector.shape_cast %parallel_loop3A_791 : vector<16xi32> to vector<16x1xi32>
        %parallel_loop3A_793 = vector.shape_cast %parallel_loop3A_792 : vector<16x1xi32> to vector<16xi32>
        %parallel_loop3A_794 = tpu.dynamic_gather %gather3A_212[%parallel_loop3A_793] in [0] : vector<16xf32>, vector<16xi32> -> vector<16xf32>
        %parallel_loop3A_795 = arith.constant 27 : i32
        %parallel_loop3A_796 = vector.broadcast %parallel_loop3A_795 : i32 to vector<16xi32>
        %parallel_loop3A_797 = arith.addi %parallel_loop3A_288, %parallel_loop3A_796 : vector<16xi32>
        %parallel_loop3A_798 = tpu.vector_load_idx %arg13[%parallel_loop3A_280, %parallel_loop3A_797] : memref<208x128xf32, #tpu.memory_space<vmem>>[vector<16xi32>, vector<16xi32>], vector<16xf32>,
        %parallel_loop3A_799 = arith.mulf %parallel_loop3A_794, %parallel_loop3A_798 : vector<16xf32>
        %parallel_loop3A_800 = arith.addf %parallel_loop3A_728, %parallel_loop3A_799 : vector<16xf32>
        %parallel_loop3A_801 = arith.constant 12 : i32
        %parallel_loop3A_802 = vector.broadcast %parallel_loop3A_801 : i32 to vector<16xi32>
        %parallel_loop3A_803 = arith.constant 0 : i32
        %parallel_loop3A_804 = vector.broadcast %parallel_loop3A_803 : i32 to vector<16xi32>
        %parallel_loop3A_805 = arith.cmpi slt, %parallel_loop3A_802, %parallel_loop3A_804 : vector<16xi32>
        %parallel_loop3A_806 = arith.constant 16 : i32
        %parallel_loop3A_807 = vector.broadcast %parallel_loop3A_806 : i32 to vector<16xi32>
        %parallel_loop3A_808 = arith.addi %parallel_loop3A_802, %parallel_loop3A_807 : vector<16xi32>
        %parallel_loop3A_809 = arith.select %parallel_loop3A_805, %parallel_loop3A_808, %parallel_loop3A_802 : vector<16xi1>, vector<16xi32>
        %parallel_loop3A_810 = vector.shape_cast %parallel_loop3A_809 : vector<16xi32> to vector<16x1xi32>
        %parallel_loop3A_811 = vector.shape_cast %parallel_loop3A_810 : vector<16x1xi32> to vector<16xi32>
        %parallel_loop3A_812 = tpu.dynamic_gather %gather3A_212[%parallel_loop3A_811] in [0] : vector<16xf32>, vector<16xi32> -> vector<16xf32>
        %parallel_loop3A_813 = arith.constant 28 : i32
        %parallel_loop3A_814 = vector.broadcast %parallel_loop3A_813 : i32 to vector<16xi32>
        %parallel_loop3A_815 = arith.addi %parallel_loop3A_288, %parallel_loop3A_814 : vector<16xi32>
        %parallel_loop3A_816 = tpu.vector_load_idx %arg13[%parallel_loop3A_280, %parallel_loop3A_815] : memref<208x128xf32, #tpu.memory_space<vmem>>[vector<16xi32>, vector<16xi32>], vector<16xf32>,
        %parallel_loop3A_817 = arith.mulf %parallel_loop3A_812, %parallel_loop3A_816 : vector<16xf32>
        %parallel_loop3A_818 = arith.addf %parallel_loop3A_746, %parallel_loop3A_817 : vector<16xf32>
        %parallel_loop3A_819 = arith.constant 13 : i32
        %parallel_loop3A_820 = vector.broadcast %parallel_loop3A_819 : i32 to vector<16xi32>
        %parallel_loop3A_821 = arith.constant 0 : i32
        %parallel_loop3A_822 = vector.broadcast %parallel_loop3A_821 : i32 to vector<16xi32>
        %parallel_loop3A_823 = arith.cmpi slt, %parallel_loop3A_820, %parallel_loop3A_822 : vector<16xi32>
        %parallel_loop3A_824 = arith.constant 16 : i32
        %parallel_loop3A_825 = vector.broadcast %parallel_loop3A_824 : i32 to vector<16xi32>
        %parallel_loop3A_826 = arith.addi %parallel_loop3A_820, %parallel_loop3A_825 : vector<16xi32>
        %parallel_loop3A_827 = arith.select %parallel_loop3A_823, %parallel_loop3A_826, %parallel_loop3A_820 : vector<16xi1>, vector<16xi32>
        %parallel_loop3A_828 = vector.shape_cast %parallel_loop3A_827 : vector<16xi32> to vector<16x1xi32>
        %parallel_loop3A_829 = vector.shape_cast %parallel_loop3A_828 : vector<16x1xi32> to vector<16xi32>
        %parallel_loop3A_830 = tpu.dynamic_gather %gather3A_212[%parallel_loop3A_829] in [0] : vector<16xf32>, vector<16xi32> -> vector<16xf32>
        %parallel_loop3A_831 = arith.constant 29 : i32
        %parallel_loop3A_832 = vector.broadcast %parallel_loop3A_831 : i32 to vector<16xi32>
        %parallel_loop3A_833 = arith.addi %parallel_loop3A_288, %parallel_loop3A_832 : vector<16xi32>
        %parallel_loop3A_834 = tpu.vector_load_idx %arg13[%parallel_loop3A_280, %parallel_loop3A_833] : memref<208x128xf32, #tpu.memory_space<vmem>>[vector<16xi32>, vector<16xi32>], vector<16xf32>,
        %parallel_loop3A_835 = arith.mulf %parallel_loop3A_830, %parallel_loop3A_834 : vector<16xf32>
        %parallel_loop3A_836 = arith.addf %parallel_loop3A_764, %parallel_loop3A_835 : vector<16xf32>
        %parallel_loop3A_837 = arith.constant 14 : i32
        %parallel_loop3A_838 = vector.broadcast %parallel_loop3A_837 : i32 to vector<16xi32>
        %parallel_loop3A_839 = arith.constant 0 : i32
        %parallel_loop3A_840 = vector.broadcast %parallel_loop3A_839 : i32 to vector<16xi32>
        %parallel_loop3A_841 = arith.cmpi slt, %parallel_loop3A_838, %parallel_loop3A_840 : vector<16xi32>
        %parallel_loop3A_842 = arith.constant 16 : i32
        %parallel_loop3A_843 = vector.broadcast %parallel_loop3A_842 : i32 to vector<16xi32>
        %parallel_loop3A_844 = arith.addi %parallel_loop3A_838, %parallel_loop3A_843 : vector<16xi32>
        %parallel_loop3A_845 = arith.select %parallel_loop3A_841, %parallel_loop3A_844, %parallel_loop3A_838 : vector<16xi1>, vector<16xi32>
        %parallel_loop3A_846 = vector.shape_cast %parallel_loop3A_845 : vector<16xi32> to vector<16x1xi32>
        %parallel_loop3A_847 = vector.shape_cast %parallel_loop3A_846 : vector<16x1xi32> to vector<16xi32>
        %parallel_loop3A_848 = tpu.dynamic_gather %gather3A_212[%parallel_loop3A_847] in [0] : vector<16xf32>, vector<16xi32> -> vector<16xf32>
        %parallel_loop3A_849 = arith.constant 30 : i32
        %parallel_loop3A_850 = vector.broadcast %parallel_loop3A_849 : i32 to vector<16xi32>
        %parallel_loop3A_851 = arith.addi %parallel_loop3A_288, %parallel_loop3A_850 : vector<16xi32>
        %parallel_loop3A_852 = tpu.vector_load_idx %arg13[%parallel_loop3A_280, %parallel_loop3A_851] : memref<208x128xf32, #tpu.memory_space<vmem>>[vector<16xi32>, vector<16xi32>], vector<16xf32>,
        %parallel_loop3A_853 = arith.mulf %parallel_loop3A_848, %parallel_loop3A_852 : vector<16xf32>
        %parallel_loop3A_854 = arith.addf %parallel_loop3A_782, %parallel_loop3A_853 : vector<16xf32>
        %parallel_loop3A_855 = arith.constant 15 : i32
        %parallel_loop3A_856 = vector.broadcast %parallel_loop3A_855 : i32 to vector<16xi32>
        %parallel_loop3A_857 = arith.constant 0 : i32
        %parallel_loop3A_858 = vector.broadcast %parallel_loop3A_857 : i32 to vector<16xi32>
        %parallel_loop3A_859 = arith.cmpi slt, %parallel_loop3A_856, %parallel_loop3A_858 : vector<16xi32>
        %parallel_loop3A_860 = arith.constant 16 : i32
        %parallel_loop3A_861 = vector.broadcast %parallel_loop3A_860 : i32 to vector<16xi32>
        %parallel_loop3A_862 = arith.addi %parallel_loop3A_856, %parallel_loop3A_861 : vector<16xi32>
        %parallel_loop3A_863 = arith.select %parallel_loop3A_859, %parallel_loop3A_862, %parallel_loop3A_856 : vector<16xi1>, vector<16xi32>
        %parallel_loop3A_864 = vector.shape_cast %parallel_loop3A_863 : vector<16xi32> to vector<16x1xi32>
        %parallel_loop3A_865 = vector.shape_cast %parallel_loop3A_864 : vector<16x1xi32> to vector<16xi32>
        %parallel_loop3A_866 = tpu.dynamic_gather %gather3A_212[%parallel_loop3A_865] in [0] : vector<16xf32>, vector<16xi32> -> vector<16xf32>
        %parallel_loop3A_867 = arith.constant 31 : i32
        %parallel_loop3A_868 = vector.broadcast %parallel_loop3A_867 : i32 to vector<16xi32>
        %parallel_loop3A_869 = arith.addi %parallel_loop3A_288, %parallel_loop3A_868 : vector<16xi32>
        %parallel_loop3A_870 = tpu.vector_load_idx %arg13[%parallel_loop3A_280, %parallel_loop3A_869] : memref<208x128xf32, #tpu.memory_space<vmem>>[vector<16xi32>, vector<16xi32>], vector<16xf32>,
        %parallel_loop3A_871 = arith.mulf %parallel_loop3A_866, %parallel_loop3A_870 : vector<16xf32>
        %parallel_loop3A_872 = arith.addf %parallel_loop3A_800, %parallel_loop3A_871 : vector<16xf32>
        %parallel_loop3A_873 = arith.addf %parallel_loop3A_818, %parallel_loop3A_836 : vector<16xf32>
        %parallel_loop3A_874 = arith.addf %parallel_loop3A_854, %parallel_loop3A_872 : vector<16xf32>
        %parallel_loop3A_875 = arith.addf %parallel_loop3A_873, %parallel_loop3A_874 : vector<16xf32>
        %parallel_loop3A_876 = arith.index_cast %parallel_loop3A_278 : i32 to index
        %parallel_loop3A_877 = tpu.vector_load %arg15[%parallel_loop3A_876] {strides = array<i32>} : memref<208xf32, #tpu.memory_space<vmem>>, vector<16xf32>,
        tpu.vector_store %arg15[%parallel_loop3A_876], %parallel_loop3A_875 {strides = array<i32>} : memref<208xf32, #tpu.memory_space<vmem>>, vector<16xf32>,
      } {sc.loop_unroll_factor = 1 : i64, sc.parallel_access}
      %mul3A_215 = arith.constant 25600 : i32
      %mul3A_216 = arith.muli %add3A, %mul3A_215 : i32
      %mul3A_217 = arith.constant 200 : i32
      %mul3A_218 = arith.muli %mul3A_182, %mul3A_217 : i32
      %add3A_219 = arith.addi %mul3A_216, %mul3A_218 : i32
      %dma_start3A_220 = arith.constant 0 : i32
      %dma_start3A_221 = tpu.memref_slice %arg15[%dma_start3A_220] : memref<208xf32, #tpu.memory_space<vmem>> -> memref<200xf32, #tpu.memory_space<vmem>>
      %dma_start3A_222 = tpu.memref_slice %arg5[%add3A_219] : memref<819200xf32, #tpu.memory_space<hbm>> -> memref<200xf32, #tpu.memory_space<hbm>>
      %dma_start3A_223 = tpu.memref_slice %arg5[%add3A_219] : memref<819200xf32, #tpu.memory_space<hbm>> -> memref<200xf32, #tpu.memory_space<hbm>>
      %dma_start3A_224 = arith.constant 0 : i32
      %dma_start3A_225 = tpu.memref_slice %arg15[%dma_start3A_224] : memref<208xf32, #tpu.memory_space<vmem>> -> memref<200xf32, #tpu.memory_space<vmem>>
      tpu.enqueue_dma source(%dma_start3A_225 : memref<200xf32, #tpu.memory_space<vmem>>) target(%dma_start3A_223 : memref<200xf32, #tpu.memory_space<hbm>>) target_semaphore(%arg19 : memref<!tpu.dma_semaphore, #tpu.memory_space<semaphore_mem>>)
      %add3A_226 = arith.constant 1 : i32
      %add3A_227 = arith.addi %mul3A_182, %add3A_226 : i32
      %add3A_228 = arith.constant 1 : i32
      %add3A_229 = arith.addi %add3A_227, %add3A_228 : i32
      %lt3A_230 = arith.constant 128 : i32
      %lt3A_231 = arith.cmpi slt, %add3A_229, %lt3A_230 : i32
      %convert_element_type3A_232 = arith.extui %lt3A_231 : i1 to i32
      %cond3A_233 = arith.constant 0 : i32
      %cond3A_234 = arith.cmpi ne, %convert_element_type3A_232, %cond3A_233 : i32
      scf.if %cond3A_234 {
        %add3A_276 = arith.constant 1 : i32
        %add3A_277 = arith.addi %add3A_227, %add3A_276 : i32
        %broadcast_in_dim3A_278 = vector.broadcast %add3A_277 : i32 to vector<16xi32>
        %add3A_279 = arith.constant 0 : i32
        %add3A_280 = vector.broadcast %add3A_279 : i32 to vector<16xi32>
        %add3A_281 = arith.addi %iota3A, %add3A_280 : vector<16xi32>
        %gather3A_282 = tpu.vector_load_idx %arg7[%broadcast_in_dim3A_278, %add3A_281] : memref<128x128xi32, #tpu.memory_space<vmem>>[vector<16xi32>, vector<16xi32>], vector<16xi32>,
        %swap3A_283 = arith.constant 0 : index
        %swap3A_284 = tpu.vector_load %arg9[%swap3A_283] {strides = array<i32>} : memref<208xi32, #tpu.memory_space<vmem>>, vector<16xi32>,
        tpu.vector_store %arg9[%swap3A_283], %gather3A_282 {strides = array<i32>} : memref<208xi32, #tpu.memory_space<vmem>>, vector<16xi32>,
        %and3A_285 = arith.constant 1048575 : i32
        %and3A_286 = vector.broadcast %and3A_285 : i32 to vector<16xi32>
        %and3A_287 = arith.andi %gather3A_282, %and3A_286 : vector<16xi32>
        %swap3A_288 = arith.constant 0 : index
        %swap3A_289 = tpu.vector_load %arg11[%swap3A_288] {strides = array<i32>} : memref<208xi32, #tpu.memory_space<vmem>>, vector<16xi32>,
        tpu.vector_store %arg11[%swap3A_288], %and3A_287 {strides = array<i32>} : memref<208xi32, #tpu.memory_space<vmem>>, vector<16xi32>,
        %add3A_290 = arith.constant 16 : i32
        %add3A_291 = vector.broadcast %add3A_290 : i32 to vector<16xi32>
        %add3A_292 = arith.addi %iota3A, %add3A_291 : vector<16xi32>
        %gather3A_293 = tpu.vector_load_idx %arg7[%broadcast_in_dim3A_278, %add3A_292] : memref<128x128xi32, #tpu.memory_space<vmem>>[vector<16xi32>, vector<16xi32>], vector<16xi32>,
        %swap3A_294 = arith.constant 16 : index
        %swap3A_295 = tpu.vector_load %arg9[%swap3A_294] {strides = array<i32>} : memref<208xi32, #tpu.memory_space<vmem>>, vector<16xi32>,
        tpu.vector_store %arg9[%swap3A_294], %gather3A_293 {strides = array<i32>} : memref<208xi32, #tpu.memory_space<vmem>>, vector<16xi32>,
        %and3A_296 = arith.constant 1048575 : i32
        %and3A_297 = vector.broadcast %and3A_296 : i32 to vector<16xi32>
        %and3A_298 = arith.andi %gather3A_293, %and3A_297 : vector<16xi32>
        %swap3A_299 = arith.constant 16 : index
        %swap3A_300 = tpu.vector_load %arg11[%swap3A_299] {strides = array<i32>} : memref<208xi32, #tpu.memory_space<vmem>>, vector<16xi32>,
        tpu.vector_store %arg11[%swap3A_299], %and3A_298 {strides = array<i32>} : memref<208xi32, #tpu.memory_space<vmem>>, vector<16xi32>,
        %add3A_301 = arith.constant 32 : i32
        %add3A_302 = vector.broadcast %add3A_301 : i32 to vector<16xi32>
        %add3A_303 = arith.addi %iota3A, %add3A_302 : vector<16xi32>
        %gather3A_304 = tpu.vector_load_idx %arg7[%broadcast_in_dim3A_278, %add3A_303] : memref<128x128xi32, #tpu.memory_space<vmem>>[vector<16xi32>, vector<16xi32>], vector<16xi32>,
        %swap3A_305 = arith.constant 32 : index
        %swap3A_306 = tpu.vector_load %arg9[%swap3A_305] {strides = array<i32>} : memref<208xi32, #tpu.memory_space<vmem>>, vector<16xi32>,
        tpu.vector_store %arg9[%swap3A_305], %gather3A_304 {strides = array<i32>} : memref<208xi32, #tpu.memory_space<vmem>>, vector<16xi32>,
        %and3A_307 = arith.constant 1048575 : i32
        %and3A_308 = vector.broadcast %and3A_307 : i32 to vector<16xi32>
        %and3A_309 = arith.andi %gather3A_304, %and3A_308 : vector<16xi32>
        %swap3A_310 = arith.constant 32 : index
        %swap3A_311 = tpu.vector_load %arg11[%swap3A_310] {strides = array<i32>} : memref<208xi32, #tpu.memory_space<vmem>>, vector<16xi32>,
        tpu.vector_store %arg11[%swap3A_310], %and3A_309 {strides = array<i32>} : memref<208xi32, #tpu.memory_space<vmem>>, vector<16xi32>,
        %add3A_312 = arith.constant 48 : i32
        %add3A_313 = vector.broadcast %add3A_312 : i32 to vector<16xi32>
        %add3A_314 = arith.addi %iota3A, %add3A_313 : vector<16xi32>
        %gather3A_315 = tpu.vector_load_idx %arg7[%broadcast_in_dim3A_278, %add3A_314] : memref<128x128xi32, #tpu.memory_space<vmem>>[vector<16xi32>, vector<16xi32>], vector<16xi32>,
        %swap3A_316 = arith.constant 48 : index
        %swap3A_317 = tpu.vector_load %arg9[%swap3A_316] {strides = array<i32>} : memref<208xi32, #tpu.memory_space<vmem>>, vector<16xi32>,
        tpu.vector_store %arg9[%swap3A_316], %gather3A_315 {strides = array<i32>} : memref<208xi32, #tpu.memory_space<vmem>>, vector<16xi32>,
        %and3A_318 = arith.constant 1048575 : i32
        %and3A_319 = vector.broadcast %and3A_318 : i32 to vector<16xi32>
        %and3A_320 = arith.andi %gather3A_315, %and3A_319 : vector<16xi32>
        %swap3A_321 = arith.constant 48 : index
        %swap3A_322 = tpu.vector_load %arg11[%swap3A_321] {strides = array<i32>} : memref<208xi32, #tpu.memory_space<vmem>>, vector<16xi32>,
        tpu.vector_store %arg11[%swap3A_321], %and3A_320 {strides = array<i32>} : memref<208xi32, #tpu.memory_space<vmem>>, vector<16xi32>,
        %add3A_323 = arith.constant 64 : i32
        %add3A_324 = vector.broadcast %add3A_323 : i32 to vector<16xi32>
        %add3A_325 = arith.addi %iota3A, %add3A_324 : vector<16xi32>
        %gather3A_326 = tpu.vector_load_idx %arg7[%broadcast_in_dim3A_278, %add3A_325] : memref<128x128xi32, #tpu.memory_space<vmem>>[vector<16xi32>, vector<16xi32>], vector<16xi32>,
        %swap3A_327 = arith.constant 64 : index
        %swap3A_328 = tpu.vector_load %arg9[%swap3A_327] {strides = array<i32>} : memref<208xi32, #tpu.memory_space<vmem>>, vector<16xi32>,
        tpu.vector_store %arg9[%swap3A_327], %gather3A_326 {strides = array<i32>} : memref<208xi32, #tpu.memory_space<vmem>>, vector<16xi32>,
        %and3A_329 = arith.constant 1048575 : i32
        %and3A_330 = vector.broadcast %and3A_329 : i32 to vector<16xi32>
        %and3A_331 = arith.andi %gather3A_326, %and3A_330 : vector<16xi32>
        %swap3A_332 = arith.constant 64 : index
        %swap3A_333 = tpu.vector_load %arg11[%swap3A_332] {strides = array<i32>} : memref<208xi32, #tpu.memory_space<vmem>>, vector<16xi32>,
        tpu.vector_store %arg11[%swap3A_332], %and3A_331 {strides = array<i32>} : memref<208xi32, #tpu.memory_space<vmem>>, vector<16xi32>,
        %add3A_334 = arith.constant 80 : i32
        %add3A_335 = vector.broadcast %add3A_334 : i32 to vector<16xi32>
        %add3A_336 = arith.addi %iota3A, %add3A_335 : vector<16xi32>
        %gather3A_337 = tpu.vector_load_idx %arg7[%broadcast_in_dim3A_278, %add3A_336] : memref<128x128xi32, #tpu.memory_space<vmem>>[vector<16xi32>, vector<16xi32>], vector<16xi32>,
        %swap3A_338 = arith.constant 80 : index
        %swap3A_339 = tpu.vector_load %arg9[%swap3A_338] {strides = array<i32>} : memref<208xi32, #tpu.memory_space<vmem>>, vector<16xi32>,
        tpu.vector_store %arg9[%swap3A_338], %gather3A_337 {strides = array<i32>} : memref<208xi32, #tpu.memory_space<vmem>>, vector<16xi32>,
        %and3A_340 = arith.constant 1048575 : i32
        %and3A_341 = vector.broadcast %and3A_340 : i32 to vector<16xi32>
        %and3A_342 = arith.andi %gather3A_337, %and3A_341 : vector<16xi32>
        %swap3A_343 = arith.constant 80 : index
        %swap3A_344 = tpu.vector_load %arg11[%swap3A_343] {strides = array<i32>} : memref<208xi32, #tpu.memory_space<vmem>>, vector<16xi32>,
        tpu.vector_store %arg11[%swap3A_343], %and3A_342 {strides = array<i32>} : memref<208xi32, #tpu.memory_space<vmem>>, vector<16xi32>,
        %add3A_345 = arith.constant 96 : i32
        %add3A_346 = vector.broadcast %add3A_345 : i32 to vector<16xi32>
        %add3A_347 = arith.addi %iota3A, %add3A_346 : vector<16xi32>
        %gather3A_348 = tpu.vector_load_idx %arg7[%broadcast_in_dim3A_278, %add3A_347] : memref<128x128xi32, #tpu.memory_space<vmem>>[vector<16xi32>, vector<16xi32>], vector<16xi32>,
        %swap3A_349 = arith.constant 96 : index
        %swap3A_350 = tpu.vector_load %arg9[%swap3A_349] {strides = array<i32>} : memref<208xi32, #tpu.memory_space<vmem>>, vector<16xi32>,
        tpu.vector_store %arg9[%swap3A_349], %gather3A_348 {strides = array<i32>} : memref<208xi32, #tpu.memory_space<vmem>>, vector<16xi32>,
        %and3A_351 = arith.constant 1048575 : i32
        %and3A_352 = vector.broadcast %and3A_351 : i32 to vector<16xi32>
        %and3A_353 = arith.andi %gather3A_348, %and3A_352 : vector<16xi32>
        %swap3A_354 = arith.constant 96 : index
        %swap3A_355 = tpu.vector_load %arg11[%swap3A_354] {strides = array<i32>} : memref<208xi32, #tpu.memory_space<vmem>>, vector<16xi32>,
        tpu.vector_store %arg11[%swap3A_354], %and3A_353 {strides = array<i32>} : memref<208xi32, #tpu.memory_space<vmem>>, vector<16xi32>,
        %add3A_356 = arith.constant 112 : i32
        %add3A_357 = vector.broadcast %add3A_356 : i32 to vector<16xi32>
        %add3A_358 = arith.addi %iota3A, %add3A_357 : vector<16xi32>
        %gather3A_359 = tpu.vector_load_idx %arg7[%broadcast_in_dim3A_278, %add3A_358] : memref<128x128xi32, #tpu.memory_space<vmem>>[vector<16xi32>, vector<16xi32>], vector<16xi32>,
        %swap3A_360 = arith.constant 112 : index
        %swap3A_361 = tpu.vector_load %arg9[%swap3A_360] {strides = array<i32>} : memref<208xi32, #tpu.memory_space<vmem>>, vector<16xi32>,
        tpu.vector_store %arg9[%swap3A_360], %gather3A_359 {strides = array<i32>} : memref<208xi32, #tpu.memory_space<vmem>>, vector<16xi32>,
        %and3A_362 = arith.constant 1048575 : i32
        %and3A_363 = vector.broadcast %and3A_362 : i32 to vector<16xi32>
        %and3A_364 = arith.andi %gather3A_359, %and3A_363 : vector<16xi32>
        %swap3A_365 = arith.constant 112 : index
        %swap3A_366 = tpu.vector_load %arg11[%swap3A_365] {strides = array<i32>} : memref<208xi32, #tpu.memory_space<vmem>>, vector<16xi32>,
        tpu.vector_store %arg11[%swap3A_365], %and3A_364 {strides = array<i32>} : memref<208xi32, #tpu.memory_space<vmem>>, vector<16xi32>,
        %add3A_367 = arith.constant 0 : i32
        %add3A_368 = vector.broadcast %add3A_367 : i32 to vector<16xi32>
        %add3A_369 = arith.addi %iota3A, %add3A_368 : vector<16xi32>
        %gather3A_370 = tpu.vector_load_idx %arg8[%broadcast_in_dim3A_278, %add3A_369] : memref<129x72xi32, #tpu.memory_space<vmem>>[vector<16xi32>, vector<16xi32>], vector<16xi32>,
        %swap3A_371 = arith.constant 128 : index
        %swap3A_372 = tpu.vector_load %arg9[%swap3A_371] {strides = array<i32>} : memref<208xi32, #tpu.memory_space<vmem>>, vector<16xi32>,
        tpu.vector_store %arg9[%swap3A_371], %gather3A_370 {strides = array<i32>} : memref<208xi32, #tpu.memory_space<vmem>>, vector<16xi32>,
        %and3A_373 = arith.constant 1048575 : i32
        %and3A_374 = vector.broadcast %and3A_373 : i32 to vector<16xi32>
        %and3A_375 = arith.andi %gather3A_370, %and3A_374 : vector<16xi32>
        %swap3A_376 = arith.constant 128 : index
        %swap3A_377 = tpu.vector_load %arg11[%swap3A_376] {strides = array<i32>} : memref<208xi32, #tpu.memory_space<vmem>>, vector<16xi32>,
        tpu.vector_store %arg11[%swap3A_376], %and3A_375 {strides = array<i32>} : memref<208xi32, #tpu.memory_space<vmem>>, vector<16xi32>,
        %add3A_378 = arith.constant 16 : i32
        %add3A_379 = vector.broadcast %add3A_378 : i32 to vector<16xi32>
        %add3A_380 = arith.addi %iota3A, %add3A_379 : vector<16xi32>
        %gather3A_381 = tpu.vector_load_idx %arg8[%broadcast_in_dim3A_278, %add3A_380] : memref<129x72xi32, #tpu.memory_space<vmem>>[vector<16xi32>, vector<16xi32>], vector<16xi32>,
        %swap3A_382 = arith.constant 144 : index
        %swap3A_383 = tpu.vector_load %arg9[%swap3A_382] {strides = array<i32>} : memref<208xi32, #tpu.memory_space<vmem>>, vector<16xi32>,
        tpu.vector_store %arg9[%swap3A_382], %gather3A_381 {strides = array<i32>} : memref<208xi32, #tpu.memory_space<vmem>>, vector<16xi32>,
        %and3A_384 = arith.constant 1048575 : i32
        %and3A_385 = vector.broadcast %and3A_384 : i32 to vector<16xi32>
        %and3A_386 = arith.andi %gather3A_381, %and3A_385 : vector<16xi32>
        %swap3A_387 = arith.constant 144 : index
        %swap3A_388 = tpu.vector_load %arg11[%swap3A_387] {strides = array<i32>} : memref<208xi32, #tpu.memory_space<vmem>>, vector<16xi32>,
        tpu.vector_store %arg11[%swap3A_387], %and3A_386 {strides = array<i32>} : memref<208xi32, #tpu.memory_space<vmem>>, vector<16xi32>,
        %add3A_389 = arith.constant 32 : i32
        %add3A_390 = vector.broadcast %add3A_389 : i32 to vector<16xi32>
        %add3A_391 = arith.addi %iota3A, %add3A_390 : vector<16xi32>
        %gather3A_392 = tpu.vector_load_idx %arg8[%broadcast_in_dim3A_278, %add3A_391] : memref<129x72xi32, #tpu.memory_space<vmem>>[vector<16xi32>, vector<16xi32>], vector<16xi32>,
        %swap3A_393 = arith.constant 160 : index
        %swap3A_394 = tpu.vector_load %arg9[%swap3A_393] {strides = array<i32>} : memref<208xi32, #tpu.memory_space<vmem>>, vector<16xi32>,
        tpu.vector_store %arg9[%swap3A_393], %gather3A_392 {strides = array<i32>} : memref<208xi32, #tpu.memory_space<vmem>>, vector<16xi32>,
        %and3A_395 = arith.constant 1048575 : i32
        %and3A_396 = vector.broadcast %and3A_395 : i32 to vector<16xi32>
        %and3A_397 = arith.andi %gather3A_392, %and3A_396 : vector<16xi32>
        %swap3A_398 = arith.constant 160 : index
        %swap3A_399 = tpu.vector_load %arg11[%swap3A_398] {strides = array<i32>} : memref<208xi32, #tpu.memory_space<vmem>>, vector<16xi32>,
        tpu.vector_store %arg11[%swap3A_398], %and3A_397 {strides = array<i32>} : memref<208xi32, #tpu.memory_space<vmem>>, vector<16xi32>,
        %add3A_400 = arith.constant 48 : i32
        %add3A_401 = vector.broadcast %add3A_400 : i32 to vector<16xi32>
        %add3A_402 = arith.addi %iota3A, %add3A_401 : vector<16xi32>
        %gather3A_403 = tpu.vector_load_idx %arg8[%broadcast_in_dim3A_278, %add3A_402] : memref<129x72xi32, #tpu.memory_space<vmem>>[vector<16xi32>, vector<16xi32>], vector<16xi32>,
        %swap3A_404 = arith.constant 176 : index
        %swap3A_405 = tpu.vector_load %arg9[%swap3A_404] {strides = array<i32>} : memref<208xi32, #tpu.memory_space<vmem>>, vector<16xi32>,
        tpu.vector_store %arg9[%swap3A_404], %gather3A_403 {strides = array<i32>} : memref<208xi32, #tpu.memory_space<vmem>>, vector<16xi32>,
        %and3A_406 = arith.constant 1048575 : i32
        %and3A_407 = vector.broadcast %and3A_406 : i32 to vector<16xi32>
        %and3A_408 = arith.andi %gather3A_403, %and3A_407 : vector<16xi32>
        %swap3A_409 = arith.constant 176 : index
        %swap3A_410 = tpu.vector_load %arg11[%swap3A_409] {strides = array<i32>} : memref<208xi32, #tpu.memory_space<vmem>>, vector<16xi32>,
        tpu.vector_store %arg11[%swap3A_409], %and3A_408 {strides = array<i32>} : memref<208xi32, #tpu.memory_space<vmem>>, vector<16xi32>,
        %add3A_411 = arith.constant 64 : i32
        %add3A_412 = vector.broadcast %add3A_411 : i32 to vector<16xi32>
        %add3A_413 = arith.addi %iota3A, %add3A_412 : vector<16xi32>
        %gather3A_414 = tpu.vector_load_idx %arg8[%broadcast_in_dim3A_278, %add3A_413] : memref<129x72xi32, #tpu.memory_space<vmem>>[vector<16xi32>, vector<16xi32>], vector<16xi32>,
        %swap3A_415 = arith.constant 192 : index
        %swap3A_416 = tpu.vector_load %arg9[%swap3A_415] {strides = array<i32>} : memref<208xi32, #tpu.memory_space<vmem>>, vector<16xi32>,
        tpu.vector_store %arg9[%swap3A_415], %gather3A_414 {strides = array<i32>} : memref<208xi32, #tpu.memory_space<vmem>>, vector<16xi32>,
        %and3A_417 = arith.constant 1048575 : i32
        %and3A_418 = vector.broadcast %and3A_417 : i32 to vector<16xi32>
        %and3A_419 = arith.andi %gather3A_414, %and3A_418 : vector<16xi32>
        %swap3A_420 = arith.constant 192 : index
        %swap3A_421 = tpu.vector_load %arg11[%swap3A_420] {strides = array<i32>} : memref<208xi32, #tpu.memory_space<vmem>>, vector<16xi32>,
        tpu.vector_store %arg11[%swap3A_420], %and3A_419 {strides = array<i32>} : memref<208xi32, #tpu.memory_space<vmem>>, vector<16xi32>,
        %dma_start3A_422 = arith.constant 0 : i32
        %dma_start3A_423 = arith.constant 0 : i32
        %dma_start3A_424 = tpu.memref_slice %arg13[%dma_start3A_422, %dma_start3A_423] : memref<208x128xf32, #tpu.memory_space<vmem>> -> memref<128x128xf32, #tpu.memory_space<vmem>>
        %dma_start3A_425 = arith.constant 0 : i32
        %dma_start3A_426 = tpu.memref_slice %arg11[%dma_start3A_425] : memref<208xi32, #tpu.memory_space<vmem>> -> memref<128xi32, #tpu.memory_space<vmem>>
        %dma_start3A_427 = arith.constant 0 : i32
        %dma_start3A_428 = arith.constant 0 : i32
        %dma_start3A_429 = tpu.memref_slice %arg4[%dma_start3A_427, %dma_start3A_428] : memref<256000x128xf32, #tpu.memory_space<hbm>> -> memref<256000x128xf32, #tpu.memory_space<hbm>>
        tpu.enqueue_indirect_dma source(%dma_start3A_429 : memref<256000x128xf32, #tpu.memory_space<hbm>>) target(%dma_start3A_424 : memref<128x128xf32, #tpu.memory_space<vmem>>) offsets(%dma_start3A_426 : memref<128xi32, #tpu.memory_space<vmem>>) semaphore(%arg17 : memref<!tpu.dma_semaphore, #tpu.memory_space<semaphore_mem>>)
        %dma_start3A_430 = arith.constant 128 : i32
        %dma_start3A_431 = arith.constant 0 : i32
        %dma_start3A_432 = tpu.memref_slice %arg13[%dma_start3A_430, %dma_start3A_431] : memref<208x128xf32, #tpu.memory_space<vmem>> -> memref<72x128xf32, #tpu.memory_space<vmem>>
        %dma_start3A_433 = arith.constant 128 : i32
        %dma_start3A_434 = tpu.memref_slice %arg11[%dma_start3A_433] : memref<208xi32, #tpu.memory_space<vmem>> -> memref<72xi32, #tpu.memory_space<vmem>>
        %dma_start3A_435 = arith.constant 0 : i32
        %dma_start3A_436 = arith.constant 0 : i32
        %dma_start3A_437 = tpu.memref_slice %arg4[%dma_start3A_435, %dma_start3A_436] : memref<256000x128xf32, #tpu.memory_space<hbm>> -> memref<256000x128xf32, #tpu.memory_space<hbm>>
        tpu.enqueue_indirect_dma source(%dma_start3A_437 : memref<256000x128xf32, #tpu.memory_space<hbm>>) target(%dma_start3A_432 : memref<72x128xf32, #tpu.memory_space<vmem>>) offsets(%dma_start3A_434 : memref<72xi32, #tpu.memory_space<vmem>>) semaphore(%arg17 : memref<!tpu.dma_semaphore, #tpu.memory_space<semaphore_mem>>)
      } else {
      }
      %dma_wait3A_235 = arith.constant 0 : i32
      %dma_wait3A_236 = arith.constant 0 : i32
      %dma_wait3A_237 = tpu.memref_slice %arg14[%dma_wait3A_235, %dma_wait3A_236] : memref<208x128xf32, #tpu.memory_space<vmem>> -> memref<128x128xf32, #tpu.memory_space<vmem>>
      %dma_wait3A_238 = arith.constant 0 : i32
      %dma_wait3A_239 = tpu.memref_slice %arg12[%dma_wait3A_238] : memref<208xi32, #tpu.memory_space<vmem>> -> memref<128xi32, #tpu.memory_space<vmem>>
      %dma_wait3A_240 = arith.constant 0 : i32
      %dma_wait3A_241 = arith.constant 0 : i32
      %dma_wait3A_242 = tpu.memref_slice %arg4[%dma_wait3A_240, %dma_wait3A_241] : memref<256000x128xf32, #tpu.memory_space<hbm>> -> memref<256000x128xf32, #tpu.memory_space<hbm>>
      tpu.wait_indirect_dma semaphore(%arg18 : memref<!tpu.dma_semaphore, #tpu.memory_space<semaphore_mem>>) src(%dma_wait3A_242 : memref<256000x128xf32, #tpu.memory_space<hbm>>) dst(%dma_wait3A_237 : memref<128x128xf32, #tpu.memory_space<vmem>>)
      %dma_wait3A_243 = arith.constant 128 : i32
      %dma_wait3A_244 = arith.constant 0 : i32
      %dma_wait3A_245 = tpu.memref_slice %arg14[%dma_wait3A_243, %dma_wait3A_244] : memref<208x128xf32, #tpu.memory_space<vmem>> -> memref<72x128xf32, #tpu.memory_space<vmem>>
      %dma_wait3A_246 = arith.constant 128 : i32
      %dma_wait3A_247 = tpu.memref_slice %arg12[%dma_wait3A_246] : memref<208xi32, #tpu.memory_space<vmem>> -> memref<72xi32, #tpu.memory_space<vmem>>
      %dma_wait3A_248 = arith.constant 0 : i32
      %dma_wait3A_249 = arith.constant 0 : i32
      %dma_wait3A_250 = tpu.memref_slice %arg4[%dma_wait3A_248, %dma_wait3A_249] : memref<256000x128xf32, #tpu.memory_space<hbm>> -> memref<256000x128xf32, #tpu.memory_space<hbm>>
      tpu.wait_indirect_dma semaphore(%arg18 : memref<!tpu.dma_semaphore, #tpu.memory_space<semaphore_mem>>) src(%dma_wait3A_250 : memref<256000x128xf32, #tpu.memory_space<hbm>>) dst(%dma_wait3A_245 : memref<72x128xf32, #tpu.memory_space<vmem>>)
      %ge3A_251 = arith.constant 2 : i32
      %ge3A_252 = arith.cmpi sge, %add3A_227, %ge3A_251 : i32
      %convert_element_type3A_253 = arith.extui %ge3A_252 : i1 to i32
      %cond3A_254 = arith.constant 0 : i32
      %cond3A_255 = arith.cmpi ne, %convert_element_type3A_253, %cond3A_254 : i32
      scf.if %cond3A_255 {
        %mul3A_276 = arith.constant 25600 : i32
        %mul3A_277 = arith.muli %add3A, %mul3A_276 : i32
        %dma_wait3A_278 = arith.constant 0 : i32
        %dma_wait3A_279 = tpu.memref_slice %arg16[%dma_wait3A_278] : memref<208xf32, #tpu.memory_space<vmem>> -> memref<200xf32, #tpu.memory_space<vmem>>
        %dma_wait3A_280 = tpu.memref_slice %arg5[%mul3A_277] : memref<819200xf32, #tpu.memory_space<hbm>> -> memref<200xf32, #tpu.memory_space<hbm>>
        %dma_wait3A_281 = tpu.memref_slice %arg5[%mul3A_277] : memref<819200xf32, #tpu.memory_space<hbm>> -> memref<200xf32, #tpu.memory_space<hbm>>
        %dma_wait3A_282 = arith.constant 0 : i32
        %dma_wait3A_283 = tpu.memref_slice %arg16[%dma_wait3A_282] : memref<208xf32, #tpu.memory_space<vmem>> -> memref<200xf32, #tpu.memory_space<vmem>>
        tpu.wait_dma2 semaphore(%arg20 : memref<!tpu.dma_semaphore, #tpu.memory_space<semaphore_mem>>) src(%dma_wait3A_283 : memref<200xf32, #tpu.memory_space<vmem>>) dst(%dma_wait3A_281 : memref<200xf32, #tpu.memory_space<hbm>>)
      } else {
      }
      %broadcast_in_dim3A_256 = vector.broadcast %add3A_227 : i32 to vector<16xi32>
      %gather3A_257 = tpu.vector_load_idx %arg6[%broadcast_in_dim3A_256, %iota3A] : memref<128x32xf32, #tpu.memory_space<vmem>>[vector<16xi32>, vector<16xi32>], vector<16xf32>,
      %add3A_258 = arith.constant 16 : i32
      %add3A_259 = vector.broadcast %add3A_258 : i32 to vector<16xi32>
      %add3A_260 = arith.addi %iota3A, %add3A_259 : vector<16xi32>
      %gather3A_261 = tpu.vector_load_idx %arg6[%broadcast_in_dim3A_256, %add3A_260] : memref<128x32xf32, #tpu.memory_space<vmem>>[vector<16xi32>, vector<16xi32>], vector<16xf32>,
      %parallel_loop3A_262 = arith.constant 0 : i32
      %parallel_loop3A_263 = arith.constant 13 : i32
      %parallel_loop3A_264 = arith.constant 1 : i32
      scf.for %parallel_loop3A_276 = %parallel_loop3A_262 to %parallel_loop3A_263 step %parallel_loop3A_264  : i32 {
        %parallel_loop3A_277 = arith.constant 16 : i32
        %parallel_loop3A_278 = arith.muli %parallel_loop3A_276, %parallel_loop3A_277 : i32
        %parallel_loop3A_279 = vector.broadcast %parallel_loop3A_278 : i32 to vector<16xi32>
        %parallel_loop3A_280 = arith.addi %parallel_loop3A_279, %iota3A : vector<16xi32>
        %parallel_loop3A_281 = arith.index_cast %parallel_loop3A_278 : i32 to index
        %parallel_loop3A_282 = tpu.vector_load %arg10[%parallel_loop3A_281] {strides = array<i32>} : memref<208xi32, #tpu.memory_space<vmem>>, vector<16xi32>,
        %parallel_loop3A_283 = arith.constant 15 : i32
        %parallel_loop3A_284 = vector.broadcast %parallel_loop3A_283 : i32 to vector<16xi32>
        %parallel_loop3A_285 = arith.shrui %parallel_loop3A_282, %parallel_loop3A_284 : vector<16xi32>
        %parallel_loop3A_286 = arith.constant 96 : i32
        %parallel_loop3A_287 = vector.broadcast %parallel_loop3A_286 : i32 to vector<16xi32>
        %parallel_loop3A_288 = arith.andi %parallel_loop3A_285, %parallel_loop3A_287 : vector<16xi32>
        %parallel_loop3A_289 = arith.constant 0.000000e+00 : f32
        %parallel_loop3A_290 = vector.broadcast %parallel_loop3A_289 : f32 to vector<16xf32>
        %parallel_loop3A_291 = arith.constant 0.000000e+00 : f32
        %parallel_loop3A_292 = vector.broadcast %parallel_loop3A_291 : f32 to vector<16xf32>
        %parallel_loop3A_293 = arith.constant 0.000000e+00 : f32
        %parallel_loop3A_294 = vector.broadcast %parallel_loop3A_293 : f32 to vector<16xf32>
        %parallel_loop3A_295 = arith.constant 0.000000e+00 : f32
        %parallel_loop3A_296 = vector.broadcast %parallel_loop3A_295 : f32 to vector<16xf32>
        %parallel_loop3A_297 = arith.constant 0 : i32
        %parallel_loop3A_298 = vector.broadcast %parallel_loop3A_297 : i32 to vector<16xi32>
        %parallel_loop3A_299 = arith.constant 0 : i32
        %parallel_loop3A_300 = vector.broadcast %parallel_loop3A_299 : i32 to vector<16xi32>
        %parallel_loop3A_301 = arith.cmpi slt, %parallel_loop3A_298, %parallel_loop3A_300 : vector<16xi32>
        %parallel_loop3A_302 = arith.constant 16 : i32
        %parallel_loop3A_303 = vector.broadcast %parallel_loop3A_302 : i32 to vector<16xi32>
        %parallel_loop3A_304 = arith.addi %parallel_loop3A_298, %parallel_loop3A_303 : vector<16xi32>
        %parallel_loop3A_305 = arith.select %parallel_loop3A_301, %parallel_loop3A_304, %parallel_loop3A_298 : vector<16xi1>, vector<16xi32>
        %parallel_loop3A_306 = vector.shape_cast %parallel_loop3A_305 : vector<16xi32> to vector<16x1xi32>
        %parallel_loop3A_307 = vector.shape_cast %parallel_loop3A_306 : vector<16x1xi32> to vector<16xi32>
        %parallel_loop3A_308 = tpu.dynamic_gather %gather3A_257[%parallel_loop3A_307] in [0] : vector<16xf32>, vector<16xi32> -> vector<16xf32>
        %parallel_loop3A_309 = arith.constant 0 : i32
        %parallel_loop3A_310 = vector.broadcast %parallel_loop3A_309 : i32 to vector<16xi32>
        %parallel_loop3A_311 = arith.addi %parallel_loop3A_288, %parallel_loop3A_310 : vector<16xi32>
        %parallel_loop3A_312 = tpu.vector_load_idx %arg14[%parallel_loop3A_280, %parallel_loop3A_311] : memref<208x128xf32, #tpu.memory_space<vmem>>[vector<16xi32>, vector<16xi32>], vector<16xf32>,
        %parallel_loop3A_313 = arith.mulf %parallel_loop3A_308, %parallel_loop3A_312 : vector<16xf32>
        %parallel_loop3A_314 = arith.addf %parallel_loop3A_290, %parallel_loop3A_313 : vector<16xf32>
        %parallel_loop3A_315 = arith.constant 1 : i32
        %parallel_loop3A_316 = vector.broadcast %parallel_loop3A_315 : i32 to vector<16xi32>
        %parallel_loop3A_317 = arith.constant 0 : i32
        %parallel_loop3A_318 = vector.broadcast %parallel_loop3A_317 : i32 to vector<16xi32>
        %parallel_loop3A_319 = arith.cmpi slt, %parallel_loop3A_316, %parallel_loop3A_318 : vector<16xi32>
        %parallel_loop3A_320 = arith.constant 16 : i32
        %parallel_loop3A_321 = vector.broadcast %parallel_loop3A_320 : i32 to vector<16xi32>
        %parallel_loop3A_322 = arith.addi %parallel_loop3A_316, %parallel_loop3A_321 : vector<16xi32>
        %parallel_loop3A_323 = arith.select %parallel_loop3A_319, %parallel_loop3A_322, %parallel_loop3A_316 : vector<16xi1>, vector<16xi32>
        %parallel_loop3A_324 = vector.shape_cast %parallel_loop3A_323 : vector<16xi32> to vector<16x1xi32>
        %parallel_loop3A_325 = vector.shape_cast %parallel_loop3A_324 : vector<16x1xi32> to vector<16xi32>
        %parallel_loop3A_326 = tpu.dynamic_gather %gather3A_257[%parallel_loop3A_325] in [0] : vector<16xf32>, vector<16xi32> -> vector<16xf32>
        %parallel_loop3A_327 = arith.constant 1 : i32
        %parallel_loop3A_328 = vector.broadcast %parallel_loop3A_327 : i32 to vector<16xi32>
        %parallel_loop3A_329 = arith.addi %parallel_loop3A_288, %parallel_loop3A_328 : vector<16xi32>
        %parallel_loop3A_330 = tpu.vector_load_idx %arg14[%parallel_loop3A_280, %parallel_loop3A_329] : memref<208x128xf32, #tpu.memory_space<vmem>>[vector<16xi32>, vector<16xi32>], vector<16xf32>,
        %parallel_loop3A_331 = arith.mulf %parallel_loop3A_326, %parallel_loop3A_330 : vector<16xf32>
        %parallel_loop3A_332 = arith.addf %parallel_loop3A_292, %parallel_loop3A_331 : vector<16xf32>
        %parallel_loop3A_333 = arith.constant 2 : i32
        %parallel_loop3A_334 = vector.broadcast %parallel_loop3A_333 : i32 to vector<16xi32>
        %parallel_loop3A_335 = arith.constant 0 : i32
        %parallel_loop3A_336 = vector.broadcast %parallel_loop3A_335 : i32 to vector<16xi32>
        %parallel_loop3A_337 = arith.cmpi slt, %parallel_loop3A_334, %parallel_loop3A_336 : vector<16xi32>
        %parallel_loop3A_338 = arith.constant 16 : i32
        %parallel_loop3A_339 = vector.broadcast %parallel_loop3A_338 : i32 to vector<16xi32>
        %parallel_loop3A_340 = arith.addi %parallel_loop3A_334, %parallel_loop3A_339 : vector<16xi32>
        %parallel_loop3A_341 = arith.select %parallel_loop3A_337, %parallel_loop3A_340, %parallel_loop3A_334 : vector<16xi1>, vector<16xi32>
        %parallel_loop3A_342 = vector.shape_cast %parallel_loop3A_341 : vector<16xi32> to vector<16x1xi32>
        %parallel_loop3A_343 = vector.shape_cast %parallel_loop3A_342 : vector<16x1xi32> to vector<16xi32>
        %parallel_loop3A_344 = tpu.dynamic_gather %gather3A_257[%parallel_loop3A_343] in [0] : vector<16xf32>, vector<16xi32> -> vector<16xf32>
        %parallel_loop3A_345 = arith.constant 2 : i32
        %parallel_loop3A_346 = vector.broadcast %parallel_loop3A_345 : i32 to vector<16xi32>
        %parallel_loop3A_347 = arith.addi %parallel_loop3A_288, %parallel_loop3A_346 : vector<16xi32>
        %parallel_loop3A_348 = tpu.vector_load_idx %arg14[%parallel_loop3A_280, %parallel_loop3A_347] : memref<208x128xf32, #tpu.memory_space<vmem>>[vector<16xi32>, vector<16xi32>], vector<16xf32>,
        %parallel_loop3A_349 = arith.mulf %parallel_loop3A_344, %parallel_loop3A_348 : vector<16xf32>
        %parallel_loop3A_350 = arith.addf %parallel_loop3A_294, %parallel_loop3A_349 : vector<16xf32>
        %parallel_loop3A_351 = arith.constant 3 : i32
        %parallel_loop3A_352 = vector.broadcast %parallel_loop3A_351 : i32 to vector<16xi32>
        %parallel_loop3A_353 = arith.constant 0 : i32
        %parallel_loop3A_354 = vector.broadcast %parallel_loop3A_353 : i32 to vector<16xi32>
        %parallel_loop3A_355 = arith.cmpi slt, %parallel_loop3A_352, %parallel_loop3A_354 : vector<16xi32>
        %parallel_loop3A_356 = arith.constant 16 : i32
        %parallel_loop3A_357 = vector.broadcast %parallel_loop3A_356 : i32 to vector<16xi32>
        %parallel_loop3A_358 = arith.addi %parallel_loop3A_352, %parallel_loop3A_357 : vector<16xi32>
        %parallel_loop3A_359 = arith.select %parallel_loop3A_355, %parallel_loop3A_358, %parallel_loop3A_352 : vector<16xi1>, vector<16xi32>
        %parallel_loop3A_360 = vector.shape_cast %parallel_loop3A_359 : vector<16xi32> to vector<16x1xi32>
        %parallel_loop3A_361 = vector.shape_cast %parallel_loop3A_360 : vector<16x1xi32> to vector<16xi32>
        %parallel_loop3A_362 = tpu.dynamic_gather %gather3A_257[%parallel_loop3A_361] in [0] : vector<16xf32>, vector<16xi32> -> vector<16xf32>
        %parallel_loop3A_363 = arith.constant 3 : i32
        %parallel_loop3A_364 = vector.broadcast %parallel_loop3A_363 : i32 to vector<16xi32>
        %parallel_loop3A_365 = arith.addi %parallel_loop3A_288, %parallel_loop3A_364 : vector<16xi32>
        %parallel_loop3A_366 = tpu.vector_load_idx %arg14[%parallel_loop3A_280, %parallel_loop3A_365] : memref<208x128xf32, #tpu.memory_space<vmem>>[vector<16xi32>, vector<16xi32>], vector<16xf32>,
        %parallel_loop3A_367 = arith.mulf %parallel_loop3A_362, %parallel_loop3A_366 : vector<16xf32>
        %parallel_loop3A_368 = arith.addf %parallel_loop3A_296, %parallel_loop3A_367 : vector<16xf32>
        %parallel_loop3A_369 = arith.constant 4 : i32
        %parallel_loop3A_370 = vector.broadcast %parallel_loop3A_369 : i32 to vector<16xi32>
        %parallel_loop3A_371 = arith.constant 0 : i32
        %parallel_loop3A_372 = vector.broadcast %parallel_loop3A_371 : i32 to vector<16xi32>
        %parallel_loop3A_373 = arith.cmpi slt, %parallel_loop3A_370, %parallel_loop3A_372 : vector<16xi32>
        %parallel_loop3A_374 = arith.constant 16 : i32
        %parallel_loop3A_375 = vector.broadcast %parallel_loop3A_374 : i32 to vector<16xi32>
        %parallel_loop3A_376 = arith.addi %parallel_loop3A_370, %parallel_loop3A_375 : vector<16xi32>
        %parallel_loop3A_377 = arith.select %parallel_loop3A_373, %parallel_loop3A_376, %parallel_loop3A_370 : vector<16xi1>, vector<16xi32>
        %parallel_loop3A_378 = vector.shape_cast %parallel_loop3A_377 : vector<16xi32> to vector<16x1xi32>
        %parallel_loop3A_379 = vector.shape_cast %parallel_loop3A_378 : vector<16x1xi32> to vector<16xi32>
        %parallel_loop3A_380 = tpu.dynamic_gather %gather3A_257[%parallel_loop3A_379] in [0] : vector<16xf32>, vector<16xi32> -> vector<16xf32>
        %parallel_loop3A_381 = arith.constant 4 : i32
        %parallel_loop3A_382 = vector.broadcast %parallel_loop3A_381 : i32 to vector<16xi32>
        %parallel_loop3A_383 = arith.addi %parallel_loop3A_288, %parallel_loop3A_382 : vector<16xi32>
        %parallel_loop3A_384 = tpu.vector_load_idx %arg14[%parallel_loop3A_280, %parallel_loop3A_383] : memref<208x128xf32, #tpu.memory_space<vmem>>[vector<16xi32>, vector<16xi32>], vector<16xf32>,
        %parallel_loop3A_385 = arith.mulf %parallel_loop3A_380, %parallel_loop3A_384 : vector<16xf32>
        %parallel_loop3A_386 = arith.addf %parallel_loop3A_314, %parallel_loop3A_385 : vector<16xf32>
        %parallel_loop3A_387 = arith.constant 5 : i32
        %parallel_loop3A_388 = vector.broadcast %parallel_loop3A_387 : i32 to vector<16xi32>
        %parallel_loop3A_389 = arith.constant 0 : i32
        %parallel_loop3A_390 = vector.broadcast %parallel_loop3A_389 : i32 to vector<16xi32>
        %parallel_loop3A_391 = arith.cmpi slt, %parallel_loop3A_388, %parallel_loop3A_390 : vector<16xi32>
        %parallel_loop3A_392 = arith.constant 16 : i32
        %parallel_loop3A_393 = vector.broadcast %parallel_loop3A_392 : i32 to vector<16xi32>
        %parallel_loop3A_394 = arith.addi %parallel_loop3A_388, %parallel_loop3A_393 : vector<16xi32>
        %parallel_loop3A_395 = arith.select %parallel_loop3A_391, %parallel_loop3A_394, %parallel_loop3A_388 : vector<16xi1>, vector<16xi32>
        %parallel_loop3A_396 = vector.shape_cast %parallel_loop3A_395 : vector<16xi32> to vector<16x1xi32>
        %parallel_loop3A_397 = vector.shape_cast %parallel_loop3A_396 : vector<16x1xi32> to vector<16xi32>
        %parallel_loop3A_398 = tpu.dynamic_gather %gather3A_257[%parallel_loop3A_397] in [0] : vector<16xf32>, vector<16xi32> -> vector<16xf32>
        %parallel_loop3A_399 = arith.constant 5 : i32
        %parallel_loop3A_400 = vector.broadcast %parallel_loop3A_399 : i32 to vector<16xi32>
        %parallel_loop3A_401 = arith.addi %parallel_loop3A_288, %parallel_loop3A_400 : vector<16xi32>
        %parallel_loop3A_402 = tpu.vector_load_idx %arg14[%parallel_loop3A_280, %parallel_loop3A_401] : memref<208x128xf32, #tpu.memory_space<vmem>>[vector<16xi32>, vector<16xi32>], vector<16xf32>,
        %parallel_loop3A_403 = arith.mulf %parallel_loop3A_398, %parallel_loop3A_402 : vector<16xf32>
        %parallel_loop3A_404 = arith.addf %parallel_loop3A_332, %parallel_loop3A_403 : vector<16xf32>
        %parallel_loop3A_405 = arith.constant 6 : i32
        %parallel_loop3A_406 = vector.broadcast %parallel_loop3A_405 : i32 to vector<16xi32>
        %parallel_loop3A_407 = arith.constant 0 : i32
        %parallel_loop3A_408 = vector.broadcast %parallel_loop3A_407 : i32 to vector<16xi32>
        %parallel_loop3A_409 = arith.cmpi slt, %parallel_loop3A_406, %parallel_loop3A_408 : vector<16xi32>
        %parallel_loop3A_410 = arith.constant 16 : i32
        %parallel_loop3A_411 = vector.broadcast %parallel_loop3A_410 : i32 to vector<16xi32>
        %parallel_loop3A_412 = arith.addi %parallel_loop3A_406, %parallel_loop3A_411 : vector<16xi32>
        %parallel_loop3A_413 = arith.select %parallel_loop3A_409, %parallel_loop3A_412, %parallel_loop3A_406 : vector<16xi1>, vector<16xi32>
        %parallel_loop3A_414 = vector.shape_cast %parallel_loop3A_413 : vector<16xi32> to vector<16x1xi32>
        %parallel_loop3A_415 = vector.shape_cast %parallel_loop3A_414 : vector<16x1xi32> to vector<16xi32>
        %parallel_loop3A_416 = tpu.dynamic_gather %gather3A_257[%parallel_loop3A_415] in [0] : vector<16xf32>, vector<16xi32> -> vector<16xf32>
        %parallel_loop3A_417 = arith.constant 6 : i32
        %parallel_loop3A_418 = vector.broadcast %parallel_loop3A_417 : i32 to vector<16xi32>
        %parallel_loop3A_419 = arith.addi %parallel_loop3A_288, %parallel_loop3A_418 : vector<16xi32>
        %parallel_loop3A_420 = tpu.vector_load_idx %arg14[%parallel_loop3A_280, %parallel_loop3A_419] : memref<208x128xf32, #tpu.memory_space<vmem>>[vector<16xi32>, vector<16xi32>], vector<16xf32>,
        %parallel_loop3A_421 = arith.mulf %parallel_loop3A_416, %parallel_loop3A_420 : vector<16xf32>
        %parallel_loop3A_422 = arith.addf %parallel_loop3A_350, %parallel_loop3A_421 : vector<16xf32>
        %parallel_loop3A_423 = arith.constant 7 : i32
        %parallel_loop3A_424 = vector.broadcast %parallel_loop3A_423 : i32 to vector<16xi32>
        %parallel_loop3A_425 = arith.constant 0 : i32
        %parallel_loop3A_426 = vector.broadcast %parallel_loop3A_425 : i32 to vector<16xi32>
        %parallel_loop3A_427 = arith.cmpi slt, %parallel_loop3A_424, %parallel_loop3A_426 : vector<16xi32>
        %parallel_loop3A_428 = arith.constant 16 : i32
        %parallel_loop3A_429 = vector.broadcast %parallel_loop3A_428 : i32 to vector<16xi32>
        %parallel_loop3A_430 = arith.addi %parallel_loop3A_424, %parallel_loop3A_429 : vector<16xi32>
        %parallel_loop3A_431 = arith.select %parallel_loop3A_427, %parallel_loop3A_430, %parallel_loop3A_424 : vector<16xi1>, vector<16xi32>
        %parallel_loop3A_432 = vector.shape_cast %parallel_loop3A_431 : vector<16xi32> to vector<16x1xi32>
        %parallel_loop3A_433 = vector.shape_cast %parallel_loop3A_432 : vector<16x1xi32> to vector<16xi32>
        %parallel_loop3A_434 = tpu.dynamic_gather %gather3A_257[%parallel_loop3A_433] in [0] : vector<16xf32>, vector<16xi32> -> vector<16xf32>
        %parallel_loop3A_435 = arith.constant 7 : i32
        %parallel_loop3A_436 = vector.broadcast %parallel_loop3A_435 : i32 to vector<16xi32>
        %parallel_loop3A_437 = arith.addi %parallel_loop3A_288, %parallel_loop3A_436 : vector<16xi32>
        %parallel_loop3A_438 = tpu.vector_load_idx %arg14[%parallel_loop3A_280, %parallel_loop3A_437] : memref<208x128xf32, #tpu.memory_space<vmem>>[vector<16xi32>, vector<16xi32>], vector<16xf32>,
        %parallel_loop3A_439 = arith.mulf %parallel_loop3A_434, %parallel_loop3A_438 : vector<16xf32>
        %parallel_loop3A_440 = arith.addf %parallel_loop3A_368, %parallel_loop3A_439 : vector<16xf32>
        %parallel_loop3A_441 = arith.constant 8 : i32
        %parallel_loop3A_442 = vector.broadcast %parallel_loop3A_441 : i32 to vector<16xi32>
        %parallel_loop3A_443 = arith.constant 0 : i32
        %parallel_loop3A_444 = vector.broadcast %parallel_loop3A_443 : i32 to vector<16xi32>
        %parallel_loop3A_445 = arith.cmpi slt, %parallel_loop3A_442, %parallel_loop3A_444 : vector<16xi32>
        %parallel_loop3A_446 = arith.constant 16 : i32
        %parallel_loop3A_447 = vector.broadcast %parallel_loop3A_446 : i32 to vector<16xi32>
        %parallel_loop3A_448 = arith.addi %parallel_loop3A_442, %parallel_loop3A_447 : vector<16xi32>
        %parallel_loop3A_449 = arith.select %parallel_loop3A_445, %parallel_loop3A_448, %parallel_loop3A_442 : vector<16xi1>, vector<16xi32>
        %parallel_loop3A_450 = vector.shape_cast %parallel_loop3A_449 : vector<16xi32> to vector<16x1xi32>
        %parallel_loop3A_451 = vector.shape_cast %parallel_loop3A_450 : vector<16x1xi32> to vector<16xi32>
        %parallel_loop3A_452 = tpu.dynamic_gather %gather3A_257[%parallel_loop3A_451] in [0] : vector<16xf32>, vector<16xi32> -> vector<16xf32>
        %parallel_loop3A_453 = arith.constant 8 : i32
        %parallel_loop3A_454 = vector.broadcast %parallel_loop3A_453 : i32 to vector<16xi32>
        %parallel_loop3A_455 = arith.addi %parallel_loop3A_288, %parallel_loop3A_454 : vector<16xi32>
        %parallel_loop3A_456 = tpu.vector_load_idx %arg14[%parallel_loop3A_280, %parallel_loop3A_455] : memref<208x128xf32, #tpu.memory_space<vmem>>[vector<16xi32>, vector<16xi32>], vector<16xf32>,
        %parallel_loop3A_457 = arith.mulf %parallel_loop3A_452, %parallel_loop3A_456 : vector<16xf32>
        %parallel_loop3A_458 = arith.addf %parallel_loop3A_386, %parallel_loop3A_457 : vector<16xf32>
        %parallel_loop3A_459 = arith.constant 9 : i32
        %parallel_loop3A_460 = vector.broadcast %parallel_loop3A_459 : i32 to vector<16xi32>
        %parallel_loop3A_461 = arith.constant 0 : i32
        %parallel_loop3A_462 = vector.broadcast %parallel_loop3A_461 : i32 to vector<16xi32>
        %parallel_loop3A_463 = arith.cmpi slt, %parallel_loop3A_460, %parallel_loop3A_462 : vector<16xi32>
        %parallel_loop3A_464 = arith.constant 16 : i32
        %parallel_loop3A_465 = vector.broadcast %parallel_loop3A_464 : i32 to vector<16xi32>
        %parallel_loop3A_466 = arith.addi %parallel_loop3A_460, %parallel_loop3A_465 : vector<16xi32>
        %parallel_loop3A_467 = arith.select %parallel_loop3A_463, %parallel_loop3A_466, %parallel_loop3A_460 : vector<16xi1>, vector<16xi32>
        %parallel_loop3A_468 = vector.shape_cast %parallel_loop3A_467 : vector<16xi32> to vector<16x1xi32>
        %parallel_loop3A_469 = vector.shape_cast %parallel_loop3A_468 : vector<16x1xi32> to vector<16xi32>
        %parallel_loop3A_470 = tpu.dynamic_gather %gather3A_257[%parallel_loop3A_469] in [0] : vector<16xf32>, vector<16xi32> -> vector<16xf32>
        %parallel_loop3A_471 = arith.constant 9 : i32
        %parallel_loop3A_472 = vector.broadcast %parallel_loop3A_471 : i32 to vector<16xi32>
        %parallel_loop3A_473 = arith.addi %parallel_loop3A_288, %parallel_loop3A_472 : vector<16xi32>
        %parallel_loop3A_474 = tpu.vector_load_idx %arg14[%parallel_loop3A_280, %parallel_loop3A_473] : memref<208x128xf32, #tpu.memory_space<vmem>>[vector<16xi32>, vector<16xi32>], vector<16xf32>,
        %parallel_loop3A_475 = arith.mulf %parallel_loop3A_470, %parallel_loop3A_474 : vector<16xf32>
        %parallel_loop3A_476 = arith.addf %parallel_loop3A_404, %parallel_loop3A_475 : vector<16xf32>
        %parallel_loop3A_477 = arith.constant 10 : i32
        %parallel_loop3A_478 = vector.broadcast %parallel_loop3A_477 : i32 to vector<16xi32>
        %parallel_loop3A_479 = arith.constant 0 : i32
        %parallel_loop3A_480 = vector.broadcast %parallel_loop3A_479 : i32 to vector<16xi32>
        %parallel_loop3A_481 = arith.cmpi slt, %parallel_loop3A_478, %parallel_loop3A_480 : vector<16xi32>
        %parallel_loop3A_482 = arith.constant 16 : i32
        %parallel_loop3A_483 = vector.broadcast %parallel_loop3A_482 : i32 to vector<16xi32>
        %parallel_loop3A_484 = arith.addi %parallel_loop3A_478, %parallel_loop3A_483 : vector<16xi32>
        %parallel_loop3A_485 = arith.select %parallel_loop3A_481, %parallel_loop3A_484, %parallel_loop3A_478 : vector<16xi1>, vector<16xi32>
        %parallel_loop3A_486 = vector.shape_cast %parallel_loop3A_485 : vector<16xi32> to vector<16x1xi32>
        %parallel_loop3A_487 = vector.shape_cast %parallel_loop3A_486 : vector<16x1xi32> to vector<16xi32>
        %parallel_loop3A_488 = tpu.dynamic_gather %gather3A_257[%parallel_loop3A_487] in [0] : vector<16xf32>, vector<16xi32> -> vector<16xf32>
        %parallel_loop3A_489 = arith.constant 10 : i32
        %parallel_loop3A_490 = vector.broadcast %parallel_loop3A_489 : i32 to vector<16xi32>
        %parallel_loop3A_491 = arith.addi %parallel_loop3A_288, %parallel_loop3A_490 : vector<16xi32>
        %parallel_loop3A_492 = tpu.vector_load_idx %arg14[%parallel_loop3A_280, %parallel_loop3A_491] : memref<208x128xf32, #tpu.memory_space<vmem>>[vector<16xi32>, vector<16xi32>], vector<16xf32>,
        %parallel_loop3A_493 = arith.mulf %parallel_loop3A_488, %parallel_loop3A_492 : vector<16xf32>
        %parallel_loop3A_494 = arith.addf %parallel_loop3A_422, %parallel_loop3A_493 : vector<16xf32>
        %parallel_loop3A_495 = arith.constant 11 : i32
        %parallel_loop3A_496 = vector.broadcast %parallel_loop3A_495 : i32 to vector<16xi32>
        %parallel_loop3A_497 = arith.constant 0 : i32
        %parallel_loop3A_498 = vector.broadcast %parallel_loop3A_497 : i32 to vector<16xi32>
        %parallel_loop3A_499 = arith.cmpi slt, %parallel_loop3A_496, %parallel_loop3A_498 : vector<16xi32>
        %parallel_loop3A_500 = arith.constant 16 : i32
        %parallel_loop3A_501 = vector.broadcast %parallel_loop3A_500 : i32 to vector<16xi32>
        %parallel_loop3A_502 = arith.addi %parallel_loop3A_496, %parallel_loop3A_501 : vector<16xi32>
        %parallel_loop3A_503 = arith.select %parallel_loop3A_499, %parallel_loop3A_502, %parallel_loop3A_496 : vector<16xi1>, vector<16xi32>
        %parallel_loop3A_504 = vector.shape_cast %parallel_loop3A_503 : vector<16xi32> to vector<16x1xi32>
        %parallel_loop3A_505 = vector.shape_cast %parallel_loop3A_504 : vector<16x1xi32> to vector<16xi32>
        %parallel_loop3A_506 = tpu.dynamic_gather %gather3A_257[%parallel_loop3A_505] in [0] : vector<16xf32>, vector<16xi32> -> vector<16xf32>
        %parallel_loop3A_507 = arith.constant 11 : i32
        %parallel_loop3A_508 = vector.broadcast %parallel_loop3A_507 : i32 to vector<16xi32>
        %parallel_loop3A_509 = arith.addi %parallel_loop3A_288, %parallel_loop3A_508 : vector<16xi32>
        %parallel_loop3A_510 = tpu.vector_load_idx %arg14[%parallel_loop3A_280, %parallel_loop3A_509] : memref<208x128xf32, #tpu.memory_space<vmem>>[vector<16xi32>, vector<16xi32>], vector<16xf32>,
        %parallel_loop3A_511 = arith.mulf %parallel_loop3A_506, %parallel_loop3A_510 : vector<16xf32>
        %parallel_loop3A_512 = arith.addf %parallel_loop3A_440, %parallel_loop3A_511 : vector<16xf32>
        %parallel_loop3A_513 = arith.constant 12 : i32
        %parallel_loop3A_514 = vector.broadcast %parallel_loop3A_513 : i32 to vector<16xi32>
        %parallel_loop3A_515 = arith.constant 0 : i32
        %parallel_loop3A_516 = vector.broadcast %parallel_loop3A_515 : i32 to vector<16xi32>
        %parallel_loop3A_517 = arith.cmpi slt, %parallel_loop3A_514, %parallel_loop3A_516 : vector<16xi32>
        %parallel_loop3A_518 = arith.constant 16 : i32
        %parallel_loop3A_519 = vector.broadcast %parallel_loop3A_518 : i32 to vector<16xi32>
        %parallel_loop3A_520 = arith.addi %parallel_loop3A_514, %parallel_loop3A_519 : vector<16xi32>
        %parallel_loop3A_521 = arith.select %parallel_loop3A_517, %parallel_loop3A_520, %parallel_loop3A_514 : vector<16xi1>, vector<16xi32>
        %parallel_loop3A_522 = vector.shape_cast %parallel_loop3A_521 : vector<16xi32> to vector<16x1xi32>
        %parallel_loop3A_523 = vector.shape_cast %parallel_loop3A_522 : vector<16x1xi32> to vector<16xi32>
        %parallel_loop3A_524 = tpu.dynamic_gather %gather3A_257[%parallel_loop3A_523] in [0] : vector<16xf32>, vector<16xi32> -> vector<16xf32>
        %parallel_loop3A_525 = arith.constant 12 : i32
        %parallel_loop3A_526 = vector.broadcast %parallel_loop3A_525 : i32 to vector<16xi32>
        %parallel_loop3A_527 = arith.addi %parallel_loop3A_288, %parallel_loop3A_526 : vector<16xi32>
        %parallel_loop3A_528 = tpu.vector_load_idx %arg14[%parallel_loop3A_280, %parallel_loop3A_527] : memref<208x128xf32, #tpu.memory_space<vmem>>[vector<16xi32>, vector<16xi32>], vector<16xf32>,
        %parallel_loop3A_529 = arith.mulf %parallel_loop3A_524, %parallel_loop3A_528 : vector<16xf32>
        %parallel_loop3A_530 = arith.addf %parallel_loop3A_458, %parallel_loop3A_529 : vector<16xf32>
        %parallel_loop3A_531 = arith.constant 13 : i32
        %parallel_loop3A_532 = vector.broadcast %parallel_loop3A_531 : i32 to vector<16xi32>
        %parallel_loop3A_533 = arith.constant 0 : i32
        %parallel_loop3A_534 = vector.broadcast %parallel_loop3A_533 : i32 to vector<16xi32>
        %parallel_loop3A_535 = arith.cmpi slt, %parallel_loop3A_532, %parallel_loop3A_534 : vector<16xi32>
        %parallel_loop3A_536 = arith.constant 16 : i32
        %parallel_loop3A_537 = vector.broadcast %parallel_loop3A_536 : i32 to vector<16xi32>
        %parallel_loop3A_538 = arith.addi %parallel_loop3A_532, %parallel_loop3A_537 : vector<16xi32>
        %parallel_loop3A_539 = arith.select %parallel_loop3A_535, %parallel_loop3A_538, %parallel_loop3A_532 : vector<16xi1>, vector<16xi32>
        %parallel_loop3A_540 = vector.shape_cast %parallel_loop3A_539 : vector<16xi32> to vector<16x1xi32>
        %parallel_loop3A_541 = vector.shape_cast %parallel_loop3A_540 : vector<16x1xi32> to vector<16xi32>
        %parallel_loop3A_542 = tpu.dynamic_gather %gather3A_257[%parallel_loop3A_541] in [0] : vector<16xf32>, vector<16xi32> -> vector<16xf32>
        %parallel_loop3A_543 = arith.constant 13 : i32
        %parallel_loop3A_544 = vector.broadcast %parallel_loop3A_543 : i32 to vector<16xi32>
        %parallel_loop3A_545 = arith.addi %parallel_loop3A_288, %parallel_loop3A_544 : vector<16xi32>
        %parallel_loop3A_546 = tpu.vector_load_idx %arg14[%parallel_loop3A_280, %parallel_loop3A_545] : memref<208x128xf32, #tpu.memory_space<vmem>>[vector<16xi32>, vector<16xi32>], vector<16xf32>,
        %parallel_loop3A_547 = arith.mulf %parallel_loop3A_542, %parallel_loop3A_546 : vector<16xf32>
        %parallel_loop3A_548 = arith.addf %parallel_loop3A_476, %parallel_loop3A_547 : vector<16xf32>
        %parallel_loop3A_549 = arith.constant 14 : i32
        %parallel_loop3A_550 = vector.broadcast %parallel_loop3A_549 : i32 to vector<16xi32>
        %parallel_loop3A_551 = arith.constant 0 : i32
        %parallel_loop3A_552 = vector.broadcast %parallel_loop3A_551 : i32 to vector<16xi32>
        %parallel_loop3A_553 = arith.cmpi slt, %parallel_loop3A_550, %parallel_loop3A_552 : vector<16xi32>
        %parallel_loop3A_554 = arith.constant 16 : i32
        %parallel_loop3A_555 = vector.broadcast %parallel_loop3A_554 : i32 to vector<16xi32>
        %parallel_loop3A_556 = arith.addi %parallel_loop3A_550, %parallel_loop3A_555 : vector<16xi32>
        %parallel_loop3A_557 = arith.select %parallel_loop3A_553, %parallel_loop3A_556, %parallel_loop3A_550 : vector<16xi1>, vector<16xi32>
        %parallel_loop3A_558 = vector.shape_cast %parallel_loop3A_557 : vector<16xi32> to vector<16x1xi32>
        %parallel_loop3A_559 = vector.shape_cast %parallel_loop3A_558 : vector<16x1xi32> to vector<16xi32>
        %parallel_loop3A_560 = tpu.dynamic_gather %gather3A_257[%parallel_loop3A_559] in [0] : vector<16xf32>, vector<16xi32> -> vector<16xf32>
        %parallel_loop3A_561 = arith.constant 14 : i32
        %parallel_loop3A_562 = vector.broadcast %parallel_loop3A_561 : i32 to vector<16xi32>
        %parallel_loop3A_563 = arith.addi %parallel_loop3A_288, %parallel_loop3A_562 : vector<16xi32>
        %parallel_loop3A_564 = tpu.vector_load_idx %arg14[%parallel_loop3A_280, %parallel_loop3A_563] : memref<208x128xf32, #tpu.memory_space<vmem>>[vector<16xi32>, vector<16xi32>], vector<16xf32>,
        %parallel_loop3A_565 = arith.mulf %parallel_loop3A_560, %parallel_loop3A_564 : vector<16xf32>
        %parallel_loop3A_566 = arith.addf %parallel_loop3A_494, %parallel_loop3A_565 : vector<16xf32>
        %parallel_loop3A_567 = arith.constant 15 : i32
        %parallel_loop3A_568 = vector.broadcast %parallel_loop3A_567 : i32 to vector<16xi32>
        %parallel_loop3A_569 = arith.constant 0 : i32
        %parallel_loop3A_570 = vector.broadcast %parallel_loop3A_569 : i32 to vector<16xi32>
        %parallel_loop3A_571 = arith.cmpi slt, %parallel_loop3A_568, %parallel_loop3A_570 : vector<16xi32>
        %parallel_loop3A_572 = arith.constant 16 : i32
        %parallel_loop3A_573 = vector.broadcast %parallel_loop3A_572 : i32 to vector<16xi32>
        %parallel_loop3A_574 = arith.addi %parallel_loop3A_568, %parallel_loop3A_573 : vector<16xi32>
        %parallel_loop3A_575 = arith.select %parallel_loop3A_571, %parallel_loop3A_574, %parallel_loop3A_568 : vector<16xi1>, vector<16xi32>
        %parallel_loop3A_576 = vector.shape_cast %parallel_loop3A_575 : vector<16xi32> to vector<16x1xi32>
        %parallel_loop3A_577 = vector.shape_cast %parallel_loop3A_576 : vector<16x1xi32> to vector<16xi32>
        %parallel_loop3A_578 = tpu.dynamic_gather %gather3A_257[%parallel_loop3A_577] in [0] : vector<16xf32>, vector<16xi32> -> vector<16xf32>
        %parallel_loop3A_579 = arith.constant 15 : i32
        %parallel_loop3A_580 = vector.broadcast %parallel_loop3A_579 : i32 to vector<16xi32>
        %parallel_loop3A_581 = arith.addi %parallel_loop3A_288, %parallel_loop3A_580 : vector<16xi32>
        %parallel_loop3A_582 = tpu.vector_load_idx %arg14[%parallel_loop3A_280, %parallel_loop3A_581] : memref<208x128xf32, #tpu.memory_space<vmem>>[vector<16xi32>, vector<16xi32>], vector<16xf32>,
        %parallel_loop3A_583 = arith.mulf %parallel_loop3A_578, %parallel_loop3A_582 : vector<16xf32>
        %parallel_loop3A_584 = arith.addf %parallel_loop3A_512, %parallel_loop3A_583 : vector<16xf32>
        %parallel_loop3A_585 = arith.constant 0 : i32
        %parallel_loop3A_586 = vector.broadcast %parallel_loop3A_585 : i32 to vector<16xi32>
        %parallel_loop3A_587 = arith.constant 0 : i32
        %parallel_loop3A_588 = vector.broadcast %parallel_loop3A_587 : i32 to vector<16xi32>
        %parallel_loop3A_589 = arith.cmpi slt, %parallel_loop3A_586, %parallel_loop3A_588 : vector<16xi32>
        %parallel_loop3A_590 = arith.constant 16 : i32
        %parallel_loop3A_591 = vector.broadcast %parallel_loop3A_590 : i32 to vector<16xi32>
        %parallel_loop3A_592 = arith.addi %parallel_loop3A_586, %parallel_loop3A_591 : vector<16xi32>
        %parallel_loop3A_593 = arith.select %parallel_loop3A_589, %parallel_loop3A_592, %parallel_loop3A_586 : vector<16xi1>, vector<16xi32>
        %parallel_loop3A_594 = vector.shape_cast %parallel_loop3A_593 : vector<16xi32> to vector<16x1xi32>
        %parallel_loop3A_595 = vector.shape_cast %parallel_loop3A_594 : vector<16x1xi32> to vector<16xi32>
        %parallel_loop3A_596 = tpu.dynamic_gather %gather3A_261[%parallel_loop3A_595] in [0] : vector<16xf32>, vector<16xi32> -> vector<16xf32>
        %parallel_loop3A_597 = arith.constant 16 : i32
        %parallel_loop3A_598 = vector.broadcast %parallel_loop3A_597 : i32 to vector<16xi32>
        %parallel_loop3A_599 = arith.addi %parallel_loop3A_288, %parallel_loop3A_598 : vector<16xi32>
        %parallel_loop3A_600 = tpu.vector_load_idx %arg14[%parallel_loop3A_280, %parallel_loop3A_599] : memref<208x128xf32, #tpu.memory_space<vmem>>[vector<16xi32>, vector<16xi32>], vector<16xf32>,
        %parallel_loop3A_601 = arith.mulf %parallel_loop3A_596, %parallel_loop3A_600 : vector<16xf32>
        %parallel_loop3A_602 = arith.addf %parallel_loop3A_530, %parallel_loop3A_601 : vector<16xf32>
        %parallel_loop3A_603 = arith.constant 1 : i32
        %parallel_loop3A_604 = vector.broadcast %parallel_loop3A_603 : i32 to vector<16xi32>
        %parallel_loop3A_605 = arith.constant 0 : i32
        %parallel_loop3A_606 = vector.broadcast %parallel_loop3A_605 : i32 to vector<16xi32>
        %parallel_loop3A_607 = arith.cmpi slt, %parallel_loop3A_604, %parallel_loop3A_606 : vector<16xi32>
        %parallel_loop3A_608 = arith.constant 16 : i32
        %parallel_loop3A_609 = vector.broadcast %parallel_loop3A_608 : i32 to vector<16xi32>
        %parallel_loop3A_610 = arith.addi %parallel_loop3A_604, %parallel_loop3A_609 : vector<16xi32>
        %parallel_loop3A_611 = arith.select %parallel_loop3A_607, %parallel_loop3A_610, %parallel_loop3A_604 : vector<16xi1>, vector<16xi32>
        %parallel_loop3A_612 = vector.shape_cast %parallel_loop3A_611 : vector<16xi32> to vector<16x1xi32>
        %parallel_loop3A_613 = vector.shape_cast %parallel_loop3A_612 : vector<16x1xi32> to vector<16xi32>
        %parallel_loop3A_614 = tpu.dynamic_gather %gather3A_261[%parallel_loop3A_613] in [0] : vector<16xf32>, vector<16xi32> -> vector<16xf32>
        %parallel_loop3A_615 = arith.constant 17 : i32
        %parallel_loop3A_616 = vector.broadcast %parallel_loop3A_615 : i32 to vector<16xi32>
        %parallel_loop3A_617 = arith.addi %parallel_loop3A_288, %parallel_loop3A_616 : vector<16xi32>
        %parallel_loop3A_618 = tpu.vector_load_idx %arg14[%parallel_loop3A_280, %parallel_loop3A_617] : memref<208x128xf32, #tpu.memory_space<vmem>>[vector<16xi32>, vector<16xi32>], vector<16xf32>,
        %parallel_loop3A_619 = arith.mulf %parallel_loop3A_614, %parallel_loop3A_618 : vector<16xf32>
        %parallel_loop3A_620 = arith.addf %parallel_loop3A_548, %parallel_loop3A_619 : vector<16xf32>
        %parallel_loop3A_621 = arith.constant 2 : i32
        %parallel_loop3A_622 = vector.broadcast %parallel_loop3A_621 : i32 to vector<16xi32>
        %parallel_loop3A_623 = arith.constant 0 : i32
        %parallel_loop3A_624 = vector.broadcast %parallel_loop3A_623 : i32 to vector<16xi32>
        %parallel_loop3A_625 = arith.cmpi slt, %parallel_loop3A_622, %parallel_loop3A_624 : vector<16xi32>
        %parallel_loop3A_626 = arith.constant 16 : i32
        %parallel_loop3A_627 = vector.broadcast %parallel_loop3A_626 : i32 to vector<16xi32>
        %parallel_loop3A_628 = arith.addi %parallel_loop3A_622, %parallel_loop3A_627 : vector<16xi32>
        %parallel_loop3A_629 = arith.select %parallel_loop3A_625, %parallel_loop3A_628, %parallel_loop3A_622 : vector<16xi1>, vector<16xi32>
        %parallel_loop3A_630 = vector.shape_cast %parallel_loop3A_629 : vector<16xi32> to vector<16x1xi32>
        %parallel_loop3A_631 = vector.shape_cast %parallel_loop3A_630 : vector<16x1xi32> to vector<16xi32>
        %parallel_loop3A_632 = tpu.dynamic_gather %gather3A_261[%parallel_loop3A_631] in [0] : vector<16xf32>, vector<16xi32> -> vector<16xf32>
        %parallel_loop3A_633 = arith.constant 18 : i32
        %parallel_loop3A_634 = vector.broadcast %parallel_loop3A_633 : i32 to vector<16xi32>
        %parallel_loop3A_635 = arith.addi %parallel_loop3A_288, %parallel_loop3A_634 : vector<16xi32>
        %parallel_loop3A_636 = tpu.vector_load_idx %arg14[%parallel_loop3A_280, %parallel_loop3A_635] : memref<208x128xf32, #tpu.memory_space<vmem>>[vector<16xi32>, vector<16xi32>], vector<16xf32>,
        %parallel_loop3A_637 = arith.mulf %parallel_loop3A_632, %parallel_loop3A_636 : vector<16xf32>
        %parallel_loop3A_638 = arith.addf %parallel_loop3A_566, %parallel_loop3A_637 : vector<16xf32>
        %parallel_loop3A_639 = arith.constant 3 : i32
        %parallel_loop3A_640 = vector.broadcast %parallel_loop3A_639 : i32 to vector<16xi32>
        %parallel_loop3A_641 = arith.constant 0 : i32
        %parallel_loop3A_642 = vector.broadcast %parallel_loop3A_641 : i32 to vector<16xi32>
        %parallel_loop3A_643 = arith.cmpi slt, %parallel_loop3A_640, %parallel_loop3A_642 : vector<16xi32>
        %parallel_loop3A_644 = arith.constant 16 : i32
        %parallel_loop3A_645 = vector.broadcast %parallel_loop3A_644 : i32 to vector<16xi32>
        %parallel_loop3A_646 = arith.addi %parallel_loop3A_640, %parallel_loop3A_645 : vector<16xi32>
        %parallel_loop3A_647 = arith.select %parallel_loop3A_643, %parallel_loop3A_646, %parallel_loop3A_640 : vector<16xi1>, vector<16xi32>
        %parallel_loop3A_648 = vector.shape_cast %parallel_loop3A_647 : vector<16xi32> to vector<16x1xi32>
        %parallel_loop3A_649 = vector.shape_cast %parallel_loop3A_648 : vector<16x1xi32> to vector<16xi32>
        %parallel_loop3A_650 = tpu.dynamic_gather %gather3A_261[%parallel_loop3A_649] in [0] : vector<16xf32>, vector<16xi32> -> vector<16xf32>
        %parallel_loop3A_651 = arith.constant 19 : i32
        %parallel_loop3A_652 = vector.broadcast %parallel_loop3A_651 : i32 to vector<16xi32>
        %parallel_loop3A_653 = arith.addi %parallel_loop3A_288, %parallel_loop3A_652 : vector<16xi32>
        %parallel_loop3A_654 = tpu.vector_load_idx %arg14[%parallel_loop3A_280, %parallel_loop3A_653] : memref<208x128xf32, #tpu.memory_space<vmem>>[vector<16xi32>, vector<16xi32>], vector<16xf32>,
        %parallel_loop3A_655 = arith.mulf %parallel_loop3A_650, %parallel_loop3A_654 : vector<16xf32>
        %parallel_loop3A_656 = arith.addf %parallel_loop3A_584, %parallel_loop3A_655 : vector<16xf32>
        %parallel_loop3A_657 = arith.constant 4 : i32
        %parallel_loop3A_658 = vector.broadcast %parallel_loop3A_657 : i32 to vector<16xi32>
        %parallel_loop3A_659 = arith.constant 0 : i32
        %parallel_loop3A_660 = vector.broadcast %parallel_loop3A_659 : i32 to vector<16xi32>
        %parallel_loop3A_661 = arith.cmpi slt, %parallel_loop3A_658, %parallel_loop3A_660 : vector<16xi32>
        %parallel_loop3A_662 = arith.constant 16 : i32
        %parallel_loop3A_663 = vector.broadcast %parallel_loop3A_662 : i32 to vector<16xi32>
        %parallel_loop3A_664 = arith.addi %parallel_loop3A_658, %parallel_loop3A_663 : vector<16xi32>
        %parallel_loop3A_665 = arith.select %parallel_loop3A_661, %parallel_loop3A_664, %parallel_loop3A_658 : vector<16xi1>, vector<16xi32>
        %parallel_loop3A_666 = vector.shape_cast %parallel_loop3A_665 : vector<16xi32> to vector<16x1xi32>
        %parallel_loop3A_667 = vector.shape_cast %parallel_loop3A_666 : vector<16x1xi32> to vector<16xi32>
        %parallel_loop3A_668 = tpu.dynamic_gather %gather3A_261[%parallel_loop3A_667] in [0] : vector<16xf32>, vector<16xi32> -> vector<16xf32>
        %parallel_loop3A_669 = arith.constant 20 : i32
        %parallel_loop3A_670 = vector.broadcast %parallel_loop3A_669 : i32 to vector<16xi32>
        %parallel_loop3A_671 = arith.addi %parallel_loop3A_288, %parallel_loop3A_670 : vector<16xi32>
        %parallel_loop3A_672 = tpu.vector_load_idx %arg14[%parallel_loop3A_280, %parallel_loop3A_671] : memref<208x128xf32, #tpu.memory_space<vmem>>[vector<16xi32>, vector<16xi32>], vector<16xf32>,
        %parallel_loop3A_673 = arith.mulf %parallel_loop3A_668, %parallel_loop3A_672 : vector<16xf32>
        %parallel_loop3A_674 = arith.addf %parallel_loop3A_602, %parallel_loop3A_673 : vector<16xf32>
        %parallel_loop3A_675 = arith.constant 5 : i32
        %parallel_loop3A_676 = vector.broadcast %parallel_loop3A_675 : i32 to vector<16xi32>
        %parallel_loop3A_677 = arith.constant 0 : i32
        %parallel_loop3A_678 = vector.broadcast %parallel_loop3A_677 : i32 to vector<16xi32>
        %parallel_loop3A_679 = arith.cmpi slt, %parallel_loop3A_676, %parallel_loop3A_678 : vector<16xi32>
        %parallel_loop3A_680 = arith.constant 16 : i32
        %parallel_loop3A_681 = vector.broadcast %parallel_loop3A_680 : i32 to vector<16xi32>
        %parallel_loop3A_682 = arith.addi %parallel_loop3A_676, %parallel_loop3A_681 : vector<16xi32>
        %parallel_loop3A_683 = arith.select %parallel_loop3A_679, %parallel_loop3A_682, %parallel_loop3A_676 : vector<16xi1>, vector<16xi32>
        %parallel_loop3A_684 = vector.shape_cast %parallel_loop3A_683 : vector<16xi32> to vector<16x1xi32>
        %parallel_loop3A_685 = vector.shape_cast %parallel_loop3A_684 : vector<16x1xi32> to vector<16xi32>
        %parallel_loop3A_686 = tpu.dynamic_gather %gather3A_261[%parallel_loop3A_685] in [0] : vector<16xf32>, vector<16xi32> -> vector<16xf32>
        %parallel_loop3A_687 = arith.constant 21 : i32
        %parallel_loop3A_688 = vector.broadcast %parallel_loop3A_687 : i32 to vector<16xi32>
        %parallel_loop3A_689 = arith.addi %parallel_loop3A_288, %parallel_loop3A_688 : vector<16xi32>
        %parallel_loop3A_690 = tpu.vector_load_idx %arg14[%parallel_loop3A_280, %parallel_loop3A_689] : memref<208x128xf32, #tpu.memory_space<vmem>>[vector<16xi32>, vector<16xi32>], vector<16xf32>,
        %parallel_loop3A_691 = arith.mulf %parallel_loop3A_686, %parallel_loop3A_690 : vector<16xf32>
        %parallel_loop3A_692 = arith.addf %parallel_loop3A_620, %parallel_loop3A_691 : vector<16xf32>
        %parallel_loop3A_693 = arith.constant 6 : i32
        %parallel_loop3A_694 = vector.broadcast %parallel_loop3A_693 : i32 to vector<16xi32>
        %parallel_loop3A_695 = arith.constant 0 : i32
        %parallel_loop3A_696 = vector.broadcast %parallel_loop3A_695 : i32 to vector<16xi32>
        %parallel_loop3A_697 = arith.cmpi slt, %parallel_loop3A_694, %parallel_loop3A_696 : vector<16xi32>
        %parallel_loop3A_698 = arith.constant 16 : i32
        %parallel_loop3A_699 = vector.broadcast %parallel_loop3A_698 : i32 to vector<16xi32>
        %parallel_loop3A_700 = arith.addi %parallel_loop3A_694, %parallel_loop3A_699 : vector<16xi32>
        %parallel_loop3A_701 = arith.select %parallel_loop3A_697, %parallel_loop3A_700, %parallel_loop3A_694 : vector<16xi1>, vector<16xi32>
        %parallel_loop3A_702 = vector.shape_cast %parallel_loop3A_701 : vector<16xi32> to vector<16x1xi32>
        %parallel_loop3A_703 = vector.shape_cast %parallel_loop3A_702 : vector<16x1xi32> to vector<16xi32>
        %parallel_loop3A_704 = tpu.dynamic_gather %gather3A_261[%parallel_loop3A_703] in [0] : vector<16xf32>, vector<16xi32> -> vector<16xf32>
        %parallel_loop3A_705 = arith.constant 22 : i32
        %parallel_loop3A_706 = vector.broadcast %parallel_loop3A_705 : i32 to vector<16xi32>
        %parallel_loop3A_707 = arith.addi %parallel_loop3A_288, %parallel_loop3A_706 : vector<16xi32>
        %parallel_loop3A_708 = tpu.vector_load_idx %arg14[%parallel_loop3A_280, %parallel_loop3A_707] : memref<208x128xf32, #tpu.memory_space<vmem>>[vector<16xi32>, vector<16xi32>], vector<16xf32>,
        %parallel_loop3A_709 = arith.mulf %parallel_loop3A_704, %parallel_loop3A_708 : vector<16xf32>
        %parallel_loop3A_710 = arith.addf %parallel_loop3A_638, %parallel_loop3A_709 : vector<16xf32>
        %parallel_loop3A_711 = arith.constant 7 : i32
        %parallel_loop3A_712 = vector.broadcast %parallel_loop3A_711 : i32 to vector<16xi32>
        %parallel_loop3A_713 = arith.constant 0 : i32
        %parallel_loop3A_714 = vector.broadcast %parallel_loop3A_713 : i32 to vector<16xi32>
        %parallel_loop3A_715 = arith.cmpi slt, %parallel_loop3A_712, %parallel_loop3A_714 : vector<16xi32>
        %parallel_loop3A_716 = arith.constant 16 : i32
        %parallel_loop3A_717 = vector.broadcast %parallel_loop3A_716 : i32 to vector<16xi32>
        %parallel_loop3A_718 = arith.addi %parallel_loop3A_712, %parallel_loop3A_717 : vector<16xi32>
        %parallel_loop3A_719 = arith.select %parallel_loop3A_715, %parallel_loop3A_718, %parallel_loop3A_712 : vector<16xi1>, vector<16xi32>
        %parallel_loop3A_720 = vector.shape_cast %parallel_loop3A_719 : vector<16xi32> to vector<16x1xi32>
        %parallel_loop3A_721 = vector.shape_cast %parallel_loop3A_720 : vector<16x1xi32> to vector<16xi32>
        %parallel_loop3A_722 = tpu.dynamic_gather %gather3A_261[%parallel_loop3A_721] in [0] : vector<16xf32>, vector<16xi32> -> vector<16xf32>
        %parallel_loop3A_723 = arith.constant 23 : i32
        %parallel_loop3A_724 = vector.broadcast %parallel_loop3A_723 : i32 to vector<16xi32>
        %parallel_loop3A_725 = arith.addi %parallel_loop3A_288, %parallel_loop3A_724 : vector<16xi32>
        %parallel_loop3A_726 = tpu.vector_load_idx %arg14[%parallel_loop3A_280, %parallel_loop3A_725] : memref<208x128xf32, #tpu.memory_space<vmem>>[vector<16xi32>, vector<16xi32>], vector<16xf32>,
        %parallel_loop3A_727 = arith.mulf %parallel_loop3A_722, %parallel_loop3A_726 : vector<16xf32>
        %parallel_loop3A_728 = arith.addf %parallel_loop3A_656, %parallel_loop3A_727 : vector<16xf32>
        %parallel_loop3A_729 = arith.constant 8 : i32
        %parallel_loop3A_730 = vector.broadcast %parallel_loop3A_729 : i32 to vector<16xi32>
        %parallel_loop3A_731 = arith.constant 0 : i32
        %parallel_loop3A_732 = vector.broadcast %parallel_loop3A_731 : i32 to vector<16xi32>
        %parallel_loop3A_733 = arith.cmpi slt, %parallel_loop3A_730, %parallel_loop3A_732 : vector<16xi32>
        %parallel_loop3A_734 = arith.constant 16 : i32
        %parallel_loop3A_735 = vector.broadcast %parallel_loop3A_734 : i32 to vector<16xi32>
        %parallel_loop3A_736 = arith.addi %parallel_loop3A_730, %parallel_loop3A_735 : vector<16xi32>
        %parallel_loop3A_737 = arith.select %parallel_loop3A_733, %parallel_loop3A_736, %parallel_loop3A_730 : vector<16xi1>, vector<16xi32>
        %parallel_loop3A_738 = vector.shape_cast %parallel_loop3A_737 : vector<16xi32> to vector<16x1xi32>
        %parallel_loop3A_739 = vector.shape_cast %parallel_loop3A_738 : vector<16x1xi32> to vector<16xi32>
        %parallel_loop3A_740 = tpu.dynamic_gather %gather3A_261[%parallel_loop3A_739] in [0] : vector<16xf32>, vector<16xi32> -> vector<16xf32>
        %parallel_loop3A_741 = arith.constant 24 : i32
        %parallel_loop3A_742 = vector.broadcast %parallel_loop3A_741 : i32 to vector<16xi32>
        %parallel_loop3A_743 = arith.addi %parallel_loop3A_288, %parallel_loop3A_742 : vector<16xi32>
        %parallel_loop3A_744 = tpu.vector_load_idx %arg14[%parallel_loop3A_280, %parallel_loop3A_743] : memref<208x128xf32, #tpu.memory_space<vmem>>[vector<16xi32>, vector<16xi32>], vector<16xf32>,
        %parallel_loop3A_745 = arith.mulf %parallel_loop3A_740, %parallel_loop3A_744 : vector<16xf32>
        %parallel_loop3A_746 = arith.addf %parallel_loop3A_674, %parallel_loop3A_745 : vector<16xf32>
        %parallel_loop3A_747 = arith.constant 9 : i32
        %parallel_loop3A_748 = vector.broadcast %parallel_loop3A_747 : i32 to vector<16xi32>
        %parallel_loop3A_749 = arith.constant 0 : i32
        %parallel_loop3A_750 = vector.broadcast %parallel_loop3A_749 : i32 to vector<16xi32>
        %parallel_loop3A_751 = arith.cmpi slt, %parallel_loop3A_748, %parallel_loop3A_750 : vector<16xi32>
        %parallel_loop3A_752 = arith.constant 16 : i32
        %parallel_loop3A_753 = vector.broadcast %parallel_loop3A_752 : i32 to vector<16xi32>
        %parallel_loop3A_754 = arith.addi %parallel_loop3A_748, %parallel_loop3A_753 : vector<16xi32>
        %parallel_loop3A_755 = arith.select %parallel_loop3A_751, %parallel_loop3A_754, %parallel_loop3A_748 : vector<16xi1>, vector<16xi32>
        %parallel_loop3A_756 = vector.shape_cast %parallel_loop3A_755 : vector<16xi32> to vector<16x1xi32>
        %parallel_loop3A_757 = vector.shape_cast %parallel_loop3A_756 : vector<16x1xi32> to vector<16xi32>
        %parallel_loop3A_758 = tpu.dynamic_gather %gather3A_261[%parallel_loop3A_757] in [0] : vector<16xf32>, vector<16xi32> -> vector<16xf32>
        %parallel_loop3A_759 = arith.constant 25 : i32
        %parallel_loop3A_760 = vector.broadcast %parallel_loop3A_759 : i32 to vector<16xi32>
        %parallel_loop3A_761 = arith.addi %parallel_loop3A_288, %parallel_loop3A_760 : vector<16xi32>
        %parallel_loop3A_762 = tpu.vector_load_idx %arg14[%parallel_loop3A_280, %parallel_loop3A_761] : memref<208x128xf32, #tpu.memory_space<vmem>>[vector<16xi32>, vector<16xi32>], vector<16xf32>,
        %parallel_loop3A_763 = arith.mulf %parallel_loop3A_758, %parallel_loop3A_762 : vector<16xf32>
        %parallel_loop3A_764 = arith.addf %parallel_loop3A_692, %parallel_loop3A_763 : vector<16xf32>
        %parallel_loop3A_765 = arith.constant 10 : i32
        %parallel_loop3A_766 = vector.broadcast %parallel_loop3A_765 : i32 to vector<16xi32>
        %parallel_loop3A_767 = arith.constant 0 : i32
        %parallel_loop3A_768 = vector.broadcast %parallel_loop3A_767 : i32 to vector<16xi32>
        %parallel_loop3A_769 = arith.cmpi slt, %parallel_loop3A_766, %parallel_loop3A_768 : vector<16xi32>
        %parallel_loop3A_770 = arith.constant 16 : i32
        %parallel_loop3A_771 = vector.broadcast %parallel_loop3A_770 : i32 to vector<16xi32>
        %parallel_loop3A_772 = arith.addi %parallel_loop3A_766, %parallel_loop3A_771 : vector<16xi32>
        %parallel_loop3A_773 = arith.select %parallel_loop3A_769, %parallel_loop3A_772, %parallel_loop3A_766 : vector<16xi1>, vector<16xi32>
        %parallel_loop3A_774 = vector.shape_cast %parallel_loop3A_773 : vector<16xi32> to vector<16x1xi32>
        %parallel_loop3A_775 = vector.shape_cast %parallel_loop3A_774 : vector<16x1xi32> to vector<16xi32>
        %parallel_loop3A_776 = tpu.dynamic_gather %gather3A_261[%parallel_loop3A_775] in [0] : vector<16xf32>, vector<16xi32> -> vector<16xf32>
        %parallel_loop3A_777 = arith.constant 26 : i32
        %parallel_loop3A_778 = vector.broadcast %parallel_loop3A_777 : i32 to vector<16xi32>
        %parallel_loop3A_779 = arith.addi %parallel_loop3A_288, %parallel_loop3A_778 : vector<16xi32>
        %parallel_loop3A_780 = tpu.vector_load_idx %arg14[%parallel_loop3A_280, %parallel_loop3A_779] : memref<208x128xf32, #tpu.memory_space<vmem>>[vector<16xi32>, vector<16xi32>], vector<16xf32>,
        %parallel_loop3A_781 = arith.mulf %parallel_loop3A_776, %parallel_loop3A_780 : vector<16xf32>
        %parallel_loop3A_782 = arith.addf %parallel_loop3A_710, %parallel_loop3A_781 : vector<16xf32>
        %parallel_loop3A_783 = arith.constant 11 : i32
        %parallel_loop3A_784 = vector.broadcast %parallel_loop3A_783 : i32 to vector<16xi32>
        %parallel_loop3A_785 = arith.constant 0 : i32
        %parallel_loop3A_786 = vector.broadcast %parallel_loop3A_785 : i32 to vector<16xi32>
        %parallel_loop3A_787 = arith.cmpi slt, %parallel_loop3A_784, %parallel_loop3A_786 : vector<16xi32>
        %parallel_loop3A_788 = arith.constant 16 : i32
        %parallel_loop3A_789 = vector.broadcast %parallel_loop3A_788 : i32 to vector<16xi32>
        %parallel_loop3A_790 = arith.addi %parallel_loop3A_784, %parallel_loop3A_789 : vector<16xi32>
        %parallel_loop3A_791 = arith.select %parallel_loop3A_787, %parallel_loop3A_790, %parallel_loop3A_784 : vector<16xi1>, vector<16xi32>
        %parallel_loop3A_792 = vector.shape_cast %parallel_loop3A_791 : vector<16xi32> to vector<16x1xi32>
        %parallel_loop3A_793 = vector.shape_cast %parallel_loop3A_792 : vector<16x1xi32> to vector<16xi32>
        %parallel_loop3A_794 = tpu.dynamic_gather %gather3A_261[%parallel_loop3A_793] in [0] : vector<16xf32>, vector<16xi32> -> vector<16xf32>
        %parallel_loop3A_795 = arith.constant 27 : i32
        %parallel_loop3A_796 = vector.broadcast %parallel_loop3A_795 : i32 to vector<16xi32>
        %parallel_loop3A_797 = arith.addi %parallel_loop3A_288, %parallel_loop3A_796 : vector<16xi32>
        %parallel_loop3A_798 = tpu.vector_load_idx %arg14[%parallel_loop3A_280, %parallel_loop3A_797] : memref<208x128xf32, #tpu.memory_space<vmem>>[vector<16xi32>, vector<16xi32>], vector<16xf32>,
        %parallel_loop3A_799 = arith.mulf %parallel_loop3A_794, %parallel_loop3A_798 : vector<16xf32>
        %parallel_loop3A_800 = arith.addf %parallel_loop3A_728, %parallel_loop3A_799 : vector<16xf32>
        %parallel_loop3A_801 = arith.constant 12 : i32
        %parallel_loop3A_802 = vector.broadcast %parallel_loop3A_801 : i32 to vector<16xi32>
        %parallel_loop3A_803 = arith.constant 0 : i32
        %parallel_loop3A_804 = vector.broadcast %parallel_loop3A_803 : i32 to vector<16xi32>
        %parallel_loop3A_805 = arith.cmpi slt, %parallel_loop3A_802, %parallel_loop3A_804 : vector<16xi32>
        %parallel_loop3A_806 = arith.constant 16 : i32
        %parallel_loop3A_807 = vector.broadcast %parallel_loop3A_806 : i32 to vector<16xi32>
        %parallel_loop3A_808 = arith.addi %parallel_loop3A_802, %parallel_loop3A_807 : vector<16xi32>
        %parallel_loop3A_809 = arith.select %parallel_loop3A_805, %parallel_loop3A_808, %parallel_loop3A_802 : vector<16xi1>, vector<16xi32>
        %parallel_loop3A_810 = vector.shape_cast %parallel_loop3A_809 : vector<16xi32> to vector<16x1xi32>
        %parallel_loop3A_811 = vector.shape_cast %parallel_loop3A_810 : vector<16x1xi32> to vector<16xi32>
        %parallel_loop3A_812 = tpu.dynamic_gather %gather3A_261[%parallel_loop3A_811] in [0] : vector<16xf32>, vector<16xi32> -> vector<16xf32>
        %parallel_loop3A_813 = arith.constant 28 : i32
        %parallel_loop3A_814 = vector.broadcast %parallel_loop3A_813 : i32 to vector<16xi32>
        %parallel_loop3A_815 = arith.addi %parallel_loop3A_288, %parallel_loop3A_814 : vector<16xi32>
        %parallel_loop3A_816 = tpu.vector_load_idx %arg14[%parallel_loop3A_280, %parallel_loop3A_815] : memref<208x128xf32, #tpu.memory_space<vmem>>[vector<16xi32>, vector<16xi32>], vector<16xf32>,
        %parallel_loop3A_817 = arith.mulf %parallel_loop3A_812, %parallel_loop3A_816 : vector<16xf32>
        %parallel_loop3A_818 = arith.addf %parallel_loop3A_746, %parallel_loop3A_817 : vector<16xf32>
        %parallel_loop3A_819 = arith.constant 13 : i32
        %parallel_loop3A_820 = vector.broadcast %parallel_loop3A_819 : i32 to vector<16xi32>
        %parallel_loop3A_821 = arith.constant 0 : i32
        %parallel_loop3A_822 = vector.broadcast %parallel_loop3A_821 : i32 to vector<16xi32>
        %parallel_loop3A_823 = arith.cmpi slt, %parallel_loop3A_820, %parallel_loop3A_822 : vector<16xi32>
        %parallel_loop3A_824 = arith.constant 16 : i32
        %parallel_loop3A_825 = vector.broadcast %parallel_loop3A_824 : i32 to vector<16xi32>
        %parallel_loop3A_826 = arith.addi %parallel_loop3A_820, %parallel_loop3A_825 : vector<16xi32>
        %parallel_loop3A_827 = arith.select %parallel_loop3A_823, %parallel_loop3A_826, %parallel_loop3A_820 : vector<16xi1>, vector<16xi32>
        %parallel_loop3A_828 = vector.shape_cast %parallel_loop3A_827 : vector<16xi32> to vector<16x1xi32>
        %parallel_loop3A_829 = vector.shape_cast %parallel_loop3A_828 : vector<16x1xi32> to vector<16xi32>
        %parallel_loop3A_830 = tpu.dynamic_gather %gather3A_261[%parallel_loop3A_829] in [0] : vector<16xf32>, vector<16xi32> -> vector<16xf32>
        %parallel_loop3A_831 = arith.constant 29 : i32
        %parallel_loop3A_832 = vector.broadcast %parallel_loop3A_831 : i32 to vector<16xi32>
        %parallel_loop3A_833 = arith.addi %parallel_loop3A_288, %parallel_loop3A_832 : vector<16xi32>
        %parallel_loop3A_834 = tpu.vector_load_idx %arg14[%parallel_loop3A_280, %parallel_loop3A_833] : memref<208x128xf32, #tpu.memory_space<vmem>>[vector<16xi32>, vector<16xi32>], vector<16xf32>,
        %parallel_loop3A_835 = arith.mulf %parallel_loop3A_830, %parallel_loop3A_834 : vector<16xf32>
        %parallel_loop3A_836 = arith.addf %parallel_loop3A_764, %parallel_loop3A_835 : vector<16xf32>
        %parallel_loop3A_837 = arith.constant 14 : i32
        %parallel_loop3A_838 = vector.broadcast %parallel_loop3A_837 : i32 to vector<16xi32>
        %parallel_loop3A_839 = arith.constant 0 : i32
        %parallel_loop3A_840 = vector.broadcast %parallel_loop3A_839 : i32 to vector<16xi32>
        %parallel_loop3A_841 = arith.cmpi slt, %parallel_loop3A_838, %parallel_loop3A_840 : vector<16xi32>
        %parallel_loop3A_842 = arith.constant 16 : i32
        %parallel_loop3A_843 = vector.broadcast %parallel_loop3A_842 : i32 to vector<16xi32>
        %parallel_loop3A_844 = arith.addi %parallel_loop3A_838, %parallel_loop3A_843 : vector<16xi32>
        %parallel_loop3A_845 = arith.select %parallel_loop3A_841, %parallel_loop3A_844, %parallel_loop3A_838 : vector<16xi1>, vector<16xi32>
        %parallel_loop3A_846 = vector.shape_cast %parallel_loop3A_845 : vector<16xi32> to vector<16x1xi32>
        %parallel_loop3A_847 = vector.shape_cast %parallel_loop3A_846 : vector<16x1xi32> to vector<16xi32>
        %parallel_loop3A_848 = tpu.dynamic_gather %gather3A_261[%parallel_loop3A_847] in [0] : vector<16xf32>, vector<16xi32> -> vector<16xf32>
        %parallel_loop3A_849 = arith.constant 30 : i32
        %parallel_loop3A_850 = vector.broadcast %parallel_loop3A_849 : i32 to vector<16xi32>
        %parallel_loop3A_851 = arith.addi %parallel_loop3A_288, %parallel_loop3A_850 : vector<16xi32>
        %parallel_loop3A_852 = tpu.vector_load_idx %arg14[%parallel_loop3A_280, %parallel_loop3A_851] : memref<208x128xf32, #tpu.memory_space<vmem>>[vector<16xi32>, vector<16xi32>], vector<16xf32>,
        %parallel_loop3A_853 = arith.mulf %parallel_loop3A_848, %parallel_loop3A_852 : vector<16xf32>
        %parallel_loop3A_854 = arith.addf %parallel_loop3A_782, %parallel_loop3A_853 : vector<16xf32>
        %parallel_loop3A_855 = arith.constant 15 : i32
        %parallel_loop3A_856 = vector.broadcast %parallel_loop3A_855 : i32 to vector<16xi32>
        %parallel_loop3A_857 = arith.constant 0 : i32
        %parallel_loop3A_858 = vector.broadcast %parallel_loop3A_857 : i32 to vector<16xi32>
        %parallel_loop3A_859 = arith.cmpi slt, %parallel_loop3A_856, %parallel_loop3A_858 : vector<16xi32>
        %parallel_loop3A_860 = arith.constant 16 : i32
        %parallel_loop3A_861 = vector.broadcast %parallel_loop3A_860 : i32 to vector<16xi32>
        %parallel_loop3A_862 = arith.addi %parallel_loop3A_856, %parallel_loop3A_861 : vector<16xi32>
        %parallel_loop3A_863 = arith.select %parallel_loop3A_859, %parallel_loop3A_862, %parallel_loop3A_856 : vector<16xi1>, vector<16xi32>
        %parallel_loop3A_864 = vector.shape_cast %parallel_loop3A_863 : vector<16xi32> to vector<16x1xi32>
        %parallel_loop3A_865 = vector.shape_cast %parallel_loop3A_864 : vector<16x1xi32> to vector<16xi32>
        %parallel_loop3A_866 = tpu.dynamic_gather %gather3A_261[%parallel_loop3A_865] in [0] : vector<16xf32>, vector<16xi32> -> vector<16xf32>
        %parallel_loop3A_867 = arith.constant 31 : i32
        %parallel_loop3A_868 = vector.broadcast %parallel_loop3A_867 : i32 to vector<16xi32>
        %parallel_loop3A_869 = arith.addi %parallel_loop3A_288, %parallel_loop3A_868 : vector<16xi32>
        %parallel_loop3A_870 = tpu.vector_load_idx %arg14[%parallel_loop3A_280, %parallel_loop3A_869] : memref<208x128xf32, #tpu.memory_space<vmem>>[vector<16xi32>, vector<16xi32>], vector<16xf32>,
        %parallel_loop3A_871 = arith.mulf %parallel_loop3A_866, %parallel_loop3A_870 : vector<16xf32>
        %parallel_loop3A_872 = arith.addf %parallel_loop3A_800, %parallel_loop3A_871 : vector<16xf32>
        %parallel_loop3A_873 = arith.addf %parallel_loop3A_818, %parallel_loop3A_836 : vector<16xf32>
        %parallel_loop3A_874 = arith.addf %parallel_loop3A_854, %parallel_loop3A_872 : vector<16xf32>
        %parallel_loop3A_875 = arith.addf %parallel_loop3A_873, %parallel_loop3A_874 : vector<16xf32>
        %parallel_loop3A_876 = arith.index_cast %parallel_loop3A_278 : i32 to index
        %parallel_loop3A_877 = tpu.vector_load %arg16[%parallel_loop3A_876] {strides = array<i32>} : memref<208xf32, #tpu.memory_space<vmem>>, vector<16xf32>,
        tpu.vector_store %arg16[%parallel_loop3A_876], %parallel_loop3A_875 {strides = array<i32>} : memref<208xf32, #tpu.memory_space<vmem>>, vector<16xf32>,
      } {sc.loop_unroll_factor = 1 : i64, sc.parallel_access}
      %mul3A_265 = arith.constant 25600 : i32
      %mul3A_266 = arith.muli %add3A, %mul3A_265 : i32
      %mul3A_267 = arith.constant 200 : i32
      %mul3A_268 = arith.muli %add3A_227, %mul3A_267 : i32
      %add3A_269 = arith.addi %mul3A_266, %mul3A_268 : i32
      %dma_start3A_270 = arith.constant 0 : i32
      %dma_start3A_271 = tpu.memref_slice %arg16[%dma_start3A_270] : memref<208xf32, #tpu.memory_space<vmem>> -> memref<200xf32, #tpu.memory_space<vmem>>
      %dma_start3A_272 = tpu.memref_slice %arg5[%add3A_269] : memref<819200xf32, #tpu.memory_space<hbm>> -> memref<200xf32, #tpu.memory_space<hbm>>
      %dma_start3A_273 = tpu.memref_slice %arg5[%add3A_269] : memref<819200xf32, #tpu.memory_space<hbm>> -> memref<200xf32, #tpu.memory_space<hbm>>
      %dma_start3A_274 = arith.constant 0 : i32
      %dma_start3A_275 = tpu.memref_slice %arg16[%dma_start3A_274] : memref<208xf32, #tpu.memory_space<vmem>> -> memref<200xf32, #tpu.memory_space<vmem>>
      tpu.enqueue_dma source(%dma_start3A_275 : memref<200xf32, #tpu.memory_space<vmem>>) target(%dma_start3A_273 : memref<200xf32, #tpu.memory_space<hbm>>) target_semaphore(%arg20 : memref<!tpu.dma_semaphore, #tpu.memory_space<semaphore_mem>>)
    }
    %scan3A_164 = arith.constant 64 : i32
    %mul3A_165 = arith.constant 25600 : i32
    %mul3A_166 = arith.muli %add3A, %mul3A_165 : i32
    %dma_wait3A = arith.constant 0 : i32
    %dma_wait3A_167 = tpu.memref_slice %arg15[%dma_wait3A] : memref<208xf32, #tpu.memory_space<vmem>> -> memref<200xf32, #tpu.memory_space<vmem>>
    %dma_wait3A_168 = tpu.memref_slice %arg5[%mul3A_166] : memref<819200xf32, #tpu.memory_space<hbm>> -> memref<200xf32, #tpu.memory_space<hbm>>
    %dma_wait3A_169 = tpu.memref_slice %arg5[%mul3A_166] : memref<819200xf32, #tpu.memory_space<hbm>> -> memref<200xf32, #tpu.memory_space<hbm>>
    %dma_wait3A_170 = arith.constant 0 : i32
    %dma_wait3A_171 = tpu.memref_slice %arg15[%dma_wait3A_170] : memref<208xf32, #tpu.memory_space<vmem>> -> memref<200xf32, #tpu.memory_space<vmem>>
    tpu.wait_dma2 semaphore(%arg19 : memref<!tpu.dma_semaphore, #tpu.memory_space<semaphore_mem>>) src(%dma_wait3A_171 : memref<200xf32, #tpu.memory_space<vmem>>) dst(%dma_wait3A_169 : memref<200xf32, #tpu.memory_space<hbm>>)
    %mul3A_172 = arith.constant 25600 : i32
    %mul3A_173 = arith.muli %add3A, %mul3A_172 : i32
    %dma_wait3A_174 = arith.constant 0 : i32
    %dma_wait3A_175 = tpu.memref_slice %arg16[%dma_wait3A_174] : memref<208xf32, #tpu.memory_space<vmem>> -> memref<200xf32, #tpu.memory_space<vmem>>
    %dma_wait3A_176 = tpu.memref_slice %arg5[%mul3A_173] : memref<819200xf32, #tpu.memory_space<hbm>> -> memref<200xf32, #tpu.memory_space<hbm>>
    %dma_wait3A_177 = tpu.memref_slice %arg5[%mul3A_173] : memref<819200xf32, #tpu.memory_space<hbm>> -> memref<200xf32, #tpu.memory_space<hbm>>
    %dma_wait3A_178 = arith.constant 0 : i32
    %dma_wait3A_179 = tpu.memref_slice %arg16[%dma_wait3A_178] : memref<208xf32, #tpu.memory_space<vmem>> -> memref<200xf32, #tpu.memory_space<vmem>>
    tpu.wait_dma2 semaphore(%arg20 : memref<!tpu.dma_semaphore, #tpu.memory_space<semaphore_mem>>) src(%dma_wait3A_179 : memref<200xf32, #tpu.memory_space<vmem>>) dst(%dma_wait3A_177 : memref<200xf32, #tpu.memory_space<hbm>>)
    return
  }
}

module attributes {stable_mosaic.version = 14 : i64} {
  func.func @body(%arg0: i32, %arg1: memref<32x1024xf32, #tpu.memory_space<vmem>>, %arg2: memref<32x1024xf32, #tpu.memory_space<vmem>>, %arg3: memref<32x1024xf32, #tpu.memory_space<vmem>>, %arg4: memref<32x1024xf32, #tpu.memory_space<vmem>>, %arg5: memref<1024x128xf32, #tpu.memory_space<vmem>>) attributes {dimension_semantics = [#tpu.dimension_semantics<arbitrary>], iteration_bounds = array<i64: 250>, scalar_prefetch = 0 : i64, scratch_operands = 0 : i64, tpu.core_type = #tpu.core_type<tc>, window_params = [{transform_indices = @transform_0, window_bounds = array<i64: 32, 1024>}, {transform_indices = @transform_1, window_bounds = array<i64: 32, 1024>}, {transform_indices = @transform_2, window_bounds = array<i64: 32, 1024>}, {transform_indices = @transform_3, window_bounds = array<i64: 32, 1024>}, {transform_indices = @transform_4, window_bounds = array<i64: 1024, 128>}]} {
    %get3A = arith.constant 0 : index
    %get3A_0 = arith.constant 0 : index
    %get3A_1 = vector.load %arg1[%get3A, %get3A_0] : memref<32x1024xf32, #tpu.memory_space<vmem>>, vector<32x1024xf32>
    %transpose3A = tpu.transpose %get3A_1, [1, 0] : vector<32x1024xf32> -> vector<1024x32xf32>
    %get3A_2 = arith.constant 0 : index
    %get3A_3 = arith.constant 0 : index
    %get3A_4 = vector.load %arg2[%get3A_2, %get3A_3] : memref<32x1024xf32, #tpu.memory_space<vmem>>, vector<32x1024xf32>
    %transpose3A_5 = tpu.transpose %get3A_4, [1, 0] : vector<32x1024xf32> -> vector<1024x32xf32>
    %get3A_6 = arith.constant 0 : index
    %get3A_7 = arith.constant 0 : index
    %get3A_8 = vector.load %arg3[%get3A_6, %get3A_7] : memref<32x1024xf32, #tpu.memory_space<vmem>>, vector<32x1024xf32>
    %transpose3A_9 = tpu.transpose %get3A_8, [1, 0] : vector<32x1024xf32> -> vector<1024x32xf32>
    %get3A_10 = arith.constant 0 : index
    %get3A_11 = arith.constant 0 : index
    %get3A_12 = vector.load %arg4[%get3A_10, %get3A_11] : memref<32x1024xf32, #tpu.memory_space<vmem>>, vector<32x1024xf32>
    %transpose3A_13 = tpu.transpose %get3A_12, [1, 0] : vector<32x1024xf32> -> vector<1024x32xf32>
    %concatenate3A = tpu.concatenate %transpose3A, %transpose3A_5, %transpose3A_9, %transpose3A_13 in 1 : vector<1024x32xf32>, vector<1024x32xf32>, vector<1024x32xf32>, vector<1024x32xf32> -> vector<1024x128xf32>
    %swap3A = arith.constant 0 : index
    %swap3A_14 = arith.constant 0 : index
    %swap3A_15 = vector.load %arg5[%swap3A, %swap3A_14] : memref<1024x128xf32, #tpu.memory_space<vmem>>, vector<1024x128xf32>
    tpu.vector_store %arg5[%swap3A, %swap3A_14], %concatenate3A {strides = array<i32>} : memref<1024x128xf32, #tpu.memory_space<vmem>>, vector<1024x128xf32>,
    return
  }
  func.func @transform_0(%arg0: i32) -> (i32, i32) {
    %add3A = arith.constant 0 : i32
    %add3A_0 = arith.addi %arg0, %add3A : i32
    %min3A = arith.constant 976 : i32
    %min3A_1 = arith.minsi %add3A_0, %min3A : i32
    %c0_i32 = arith.constant 0 : i32
    %c0_i32_2 = arith.constant 0 : i32
    return %c0_i32, %min3A_1 : i32, i32
  }
  func.func @transform_1(%arg0: i32) -> (i32, i32) {
    %add3A = arith.constant 250 : i32
    %add3A_0 = arith.addi %arg0, %add3A : i32
    %min3A = arith.constant 976 : i32
    %min3A_1 = arith.minsi %add3A_0, %min3A : i32
    %c0_i32 = arith.constant 0 : i32
    %c0_i32_2 = arith.constant 0 : i32
    return %c0_i32, %min3A_1 : i32, i32
  }
  func.func @transform_2(%arg0: i32) -> (i32, i32) {
    %add3A = arith.constant 500 : i32
    %add3A_0 = arith.addi %arg0, %add3A : i32
    %min3A = arith.constant 976 : i32
    %min3A_1 = arith.minsi %add3A_0, %min3A : i32
    %c0_i32 = arith.constant 0 : i32
    %c0_i32_2 = arith.constant 0 : i32
    return %c0_i32, %min3A_1 : i32, i32
  }
  func.func @transform_3(%arg0: i32) -> (i32, i32) {
    %add3A = arith.constant 750 : i32
    %add3A_0 = arith.addi %arg0, %add3A : i32
    %min3A = arith.constant 976 : i32
    %min3A_1 = arith.minsi %add3A_0, %min3A : i32
    %c0_i32 = arith.constant 0 : i32
    %c0_i32_2 = arith.constant 0 : i32
    return %c0_i32, %min3A_1 : i32, i32
  }
  func.func @transform_4(%arg0: i32) -> (i32, i32) {
    %c0_i32 = arith.constant 0 : i32
    %c0_i32_0 = arith.constant 0 : i32
    return %arg0, %c0_i32 : i32, i32
  }
}

module attributes {stable_mosaic.version = 14 : i64} {
  func.func @_prep_body(%arg0: memref<4096x6xi32, #tpu.memory_space<vmem>>, %arg1: memref<4096x200xi32, #tpu.memory_space<vmem>>, %arg2: memref<7x8xf32, #tpu.memory_space<vmem>>, %arg3: memref<24x8xf32, #tpu.memory_space<vmem>>, %arg4: memref<2x8xf32, #tpu.memory_space<vmem>>, %arg5: memref<100x8xf32, #tpu.memory_space<vmem>>, %arg6: memref<12x8xf32, #tpu.memory_space<vmem>>, %arg7: memref<31x8xf32, #tpu.memory_space<vmem>>, %arg8: memref<48x32xf32, #tpu.memory_space<vmem>>, %arg9: memref<1x32xf32, #tpu.memory_space<vmem>>, %arg10: memref<4096x128xf32, #tpu.memory_space<vmem>>, %arg11: memref<2x4096x128xi32, #tpu.memory_space<vmem>>) attributes {dimension_semantics = [], scalar_prefetch = 0 : i64, scratch_operands = 0 : i64, tpu.core_type = #tpu.core_type<tc>} {
    %get3A = arith.constant 0 : index
    %get3A_0 = arith.constant 0 : index
    %get3A_1 = vector.load %arg9[%get3A, %get3A_0] : memref<1x32xf32, #tpu.memory_space<vmem>>, vector<1x32xf32>
    %broadcast_in_dim3A = vector.shape_cast %get3A_1 : vector<1x32xf32> to vector<1x32xf32>
    %broadcast_in_dim3A_2 = vector.broadcast %broadcast_in_dim3A : vector<1x32xf32> to vector<4096x32xf32>
    %get3A_3 = arith.constant 0 : index
    %get3A_4 = arith.constant 0 : index
    %get3A_5 = vector.load %arg2[%get3A_3, %get3A_4] : memref<7x8xf32, #tpu.memory_space<vmem>>, vector<7x8xf32>
    %get3A_6 = arith.constant 0 : index
    %get3A_7 = arith.constant 0 : index
    %get3A_8 = vector.load %arg8[%get3A_6, %get3A_7] : memref<48x32xf32, #tpu.memory_space<vmem>>, vector<8x32xf32>
    %dot_general3A = arith.constant dense<0.000000e+00> : vector<7x32xf32>
    %dot_general3A_9 = tpu.matmul %get3A_5, %get3A_8, %dot_general3A {dimension_numbers = #tpu.dot_dimension_numbers<[1], [0], [0], [1], [0, 0, 1, 1], [], []>, transpose_lhs_hint = false} : vector<7x8xf32>, vector<8x32xf32>, vector<7x32xf32> -> vector<7x32xf32>
    %get3A_10 = arith.constant 0 : index
    %get3A_11 = arith.constant 0 : index
    %get3A_12 = vector.load %arg0[%get3A_10, %get3A_11] : memref<4096x6xi32, #tpu.memory_space<vmem>>, vector<4096x1xi32>
    %iota3A = tpu.iota {dimensions = array<i32: 1>} : vector<4096x7xi32>
    %eq3A = vector.broadcast %get3A_12 : vector<4096x1xi32> to vector<4096x7xi32>
    %eq3A_13 = arith.cmpi eq, %eq3A, %iota3A : vector<4096x7xi32>
    %convert_element_type3A = arith.extui %eq3A_13 : vector<4096x7xi1> to vector<4096x7xi32>
    %convert_element_type3A_14 = arith.sitofp %convert_element_type3A : vector<4096x7xi32> to vector<4096x7xf32>
    %dot_general3A_15 = arith.constant dense<0.000000e+00> : vector<4096x32xf32>
    %dot_general3A_16 = tpu.matmul %convert_element_type3A_14, %dot_general3A_9, %dot_general3A_15 {dimension_numbers = #tpu.dot_dimension_numbers<[1], [0], [0], [1], [0, 0, 1, 1], [], []>, transpose_lhs_hint = false} : vector<4096x7xf32>, vector<7x32xf32>, vector<4096x32xf32> -> vector<4096x32xf32>
    %add3A = arith.addf %broadcast_in_dim3A_2, %dot_general3A_16 : vector<4096x32xf32>
    %get3A_17 = arith.constant 0 : index
    %get3A_18 = arith.constant 0 : index
    %get3A_19 = vector.load %arg3[%get3A_17, %get3A_18] : memref<24x8xf32, #tpu.memory_space<vmem>>, vector<24x8xf32>
    %get3A_20 = arith.constant 8 : index
    %get3A_21 = arith.constant 0 : index
    %get3A_22 = vector.load %arg8[%get3A_20, %get3A_21] : memref<48x32xf32, #tpu.memory_space<vmem>>, vector<8x32xf32>
    %dot_general3A_23 = arith.constant dense<0.000000e+00> : vector<24x32xf32>
    %dot_general3A_24 = tpu.matmul %get3A_19, %get3A_22, %dot_general3A_23 {dimension_numbers = #tpu.dot_dimension_numbers<[1], [0], [0], [1], [0, 0, 1, 1], [], []>, transpose_lhs_hint = false} : vector<24x8xf32>, vector<8x32xf32>, vector<24x32xf32> -> vector<24x32xf32>
    %get3A_25 = arith.constant 0 : index
    %get3A_26 = arith.constant 1 : index
    %get3A_27 = vector.load %arg0[%get3A_25, %get3A_26] : memref<4096x6xi32, #tpu.memory_space<vmem>>, vector<4096x1xi32>
    %iota3A_28 = tpu.iota {dimensions = array<i32: 1>} : vector<4096x24xi32>
    %eq3A_29 = vector.broadcast %get3A_27 : vector<4096x1xi32> to vector<4096x24xi32>
    %eq3A_30 = arith.cmpi eq, %eq3A_29, %iota3A_28 : vector<4096x24xi32>
    %convert_element_type3A_31 = arith.extui %eq3A_30 : vector<4096x24xi1> to vector<4096x24xi32>
    %convert_element_type3A_32 = arith.sitofp %convert_element_type3A_31 : vector<4096x24xi32> to vector<4096x24xf32>
    %dot_general3A_33 = arith.constant dense<0.000000e+00> : vector<4096x32xf32>
    %dot_general3A_34 = tpu.matmul %convert_element_type3A_32, %dot_general3A_24, %dot_general3A_33 {dimension_numbers = #tpu.dot_dimension_numbers<[1], [0], [0], [1], [0, 0, 1, 1], [], []>, transpose_lhs_hint = false} : vector<4096x24xf32>, vector<24x32xf32>, vector<4096x32xf32> -> vector<4096x32xf32>
    %add3A_35 = arith.addf %add3A, %dot_general3A_34 : vector<4096x32xf32>
    %get3A_36 = arith.constant 0 : index
    %get3A_37 = arith.constant 0 : index
    %get3A_38 = vector.load %arg4[%get3A_36, %get3A_37] : memref<2x8xf32, #tpu.memory_space<vmem>>, vector<2x8xf32>
    %get3A_39 = arith.constant 16 : index
    %get3A_40 = arith.constant 0 : index
    %get3A_41 = vector.load %arg8[%get3A_39, %get3A_40] : memref<48x32xf32, #tpu.memory_space<vmem>>, vector<8x32xf32>
    %dot_general3A_42 = arith.constant dense<0.000000e+00> : vector<2x32xf32>
    %dot_general3A_43 = tpu.matmul %get3A_38, %get3A_41, %dot_general3A_42 {dimension_numbers = #tpu.dot_dimension_numbers<[1], [0], [0], [1], [0, 0, 1, 1], [], []>, transpose_lhs_hint = false} : vector<2x8xf32>, vector<8x32xf32>, vector<2x32xf32> -> vector<2x32xf32>
    %get3A_44 = arith.constant 0 : index
    %get3A_45 = arith.constant 2 : index
    %get3A_46 = vector.load %arg0[%get3A_44, %get3A_45] : memref<4096x6xi32, #tpu.memory_space<vmem>>, vector<4096x1xi32>
    %iota3A_47 = tpu.iota {dimensions = array<i32: 1>} : vector<4096x2xi32>
    %eq3A_48 = vector.broadcast %get3A_46 : vector<4096x1xi32> to vector<4096x2xi32>
    %eq3A_49 = arith.cmpi eq, %eq3A_48, %iota3A_47 : vector<4096x2xi32>
    %convert_element_type3A_50 = arith.extui %eq3A_49 : vector<4096x2xi1> to vector<4096x2xi32>
    %convert_element_type3A_51 = arith.sitofp %convert_element_type3A_50 : vector<4096x2xi32> to vector<4096x2xf32>
    %dot_general3A_52 = arith.constant dense<0.000000e+00> : vector<4096x32xf32>
    %dot_general3A_53 = tpu.matmul %convert_element_type3A_51, %dot_general3A_43, %dot_general3A_52 {dimension_numbers = #tpu.dot_dimension_numbers<[1], [0], [0], [1], [0, 0, 1, 1], [], []>, transpose_lhs_hint = false} : vector<4096x2xf32>, vector<2x32xf32>, vector<4096x32xf32> -> vector<4096x32xf32>
    %add3A_54 = arith.addf %add3A_35, %dot_general3A_53 : vector<4096x32xf32>
    %get3A_55 = arith.constant 0 : index
    %get3A_56 = arith.constant 0 : index
    %get3A_57 = vector.load %arg5[%get3A_55, %get3A_56] : memref<100x8xf32, #tpu.memory_space<vmem>>, vector<100x8xf32>
    %get3A_58 = arith.constant 24 : index
    %get3A_59 = arith.constant 0 : index
    %get3A_60 = vector.load %arg8[%get3A_58, %get3A_59] : memref<48x32xf32, #tpu.memory_space<vmem>>, vector<8x32xf32>
    %dot_general3A_61 = arith.constant dense<0.000000e+00> : vector<100x32xf32>
    %dot_general3A_62 = tpu.matmul %get3A_57, %get3A_60, %dot_general3A_61 {dimension_numbers = #tpu.dot_dimension_numbers<[1], [0], [0], [1], [0, 0, 1, 1], [], []>, transpose_lhs_hint = false} : vector<100x8xf32>, vector<8x32xf32>, vector<100x32xf32> -> vector<100x32xf32>
    %get3A_63 = arith.constant 0 : index
    %get3A_64 = arith.constant 3 : index
    %get3A_65 = vector.load %arg0[%get3A_63, %get3A_64] : memref<4096x6xi32, #tpu.memory_space<vmem>>, vector<4096x1xi32>
    %iota3A_66 = tpu.iota {dimensions = array<i32: 1>} : vector<4096x100xi32>
    %eq3A_67 = vector.broadcast %get3A_65 : vector<4096x1xi32> to vector<4096x100xi32>
    %eq3A_68 = arith.cmpi eq, %eq3A_67, %iota3A_66 : vector<4096x100xi32>
    %convert_element_type3A_69 = arith.extui %eq3A_68 : vector<4096x100xi1> to vector<4096x100xi32>
    %convert_element_type3A_70 = arith.sitofp %convert_element_type3A_69 : vector<4096x100xi32> to vector<4096x100xf32>
    %dot_general3A_71 = arith.constant dense<0.000000e+00> : vector<4096x32xf32>
    %dot_general3A_72 = tpu.matmul %convert_element_type3A_70, %dot_general3A_62, %dot_general3A_71 {dimension_numbers = #tpu.dot_dimension_numbers<[1], [0], [0], [1], [0, 0, 1, 1], [], []>, transpose_lhs_hint = false} : vector<4096x100xf32>, vector<100x32xf32>, vector<4096x32xf32> -> vector<4096x32xf32>
    %add3A_73 = arith.addf %add3A_54, %dot_general3A_72 : vector<4096x32xf32>
    %get3A_74 = arith.constant 0 : index
    %get3A_75 = arith.constant 0 : index
    %get3A_76 = vector.load %arg6[%get3A_74, %get3A_75] : memref<12x8xf32, #tpu.memory_space<vmem>>, vector<12x8xf32>
    %get3A_77 = arith.constant 32 : index
    %get3A_78 = arith.constant 0 : index
    %get3A_79 = vector.load %arg8[%get3A_77, %get3A_78] : memref<48x32xf32, #tpu.memory_space<vmem>>, vector<8x32xf32>
    %dot_general3A_80 = arith.constant dense<0.000000e+00> : vector<12x32xf32>
    %dot_general3A_81 = tpu.matmul %get3A_76, %get3A_79, %dot_general3A_80 {dimension_numbers = #tpu.dot_dimension_numbers<[1], [0], [0], [1], [0, 0, 1, 1], [], []>, transpose_lhs_hint = false} : vector<12x8xf32>, vector<8x32xf32>, vector<12x32xf32> -> vector<12x32xf32>
    %get3A_82 = arith.constant 0 : index
    %get3A_83 = arith.constant 4 : index
    %get3A_84 = vector.load %arg0[%get3A_82, %get3A_83] : memref<4096x6xi32, #tpu.memory_space<vmem>>, vector<4096x1xi32>
    %iota3A_85 = tpu.iota {dimensions = array<i32: 1>} : vector<4096x12xi32>
    %eq3A_86 = vector.broadcast %get3A_84 : vector<4096x1xi32> to vector<4096x12xi32>
    %eq3A_87 = arith.cmpi eq, %eq3A_86, %iota3A_85 : vector<4096x12xi32>
    %convert_element_type3A_88 = arith.extui %eq3A_87 : vector<4096x12xi1> to vector<4096x12xi32>
    %convert_element_type3A_89 = arith.sitofp %convert_element_type3A_88 : vector<4096x12xi32> to vector<4096x12xf32>
    %dot_general3A_90 = arith.constant dense<0.000000e+00> : vector<4096x32xf32>
    %dot_general3A_91 = tpu.matmul %convert_element_type3A_89, %dot_general3A_81, %dot_general3A_90 {dimension_numbers = #tpu.dot_dimension_numbers<[1], [0], [0], [1], [0, 0, 1, 1], [], []>, transpose_lhs_hint = false} : vector<4096x12xf32>, vector<12x32xf32>, vector<4096x32xf32> -> vector<4096x32xf32>
    %add3A_92 = arith.addf %add3A_73, %dot_general3A_91 : vector<4096x32xf32>
    %get3A_93 = arith.constant 0 : index
    %get3A_94 = arith.constant 0 : index
    %get3A_95 = vector.load %arg7[%get3A_93, %get3A_94] : memref<31x8xf32, #tpu.memory_space<vmem>>, vector<31x8xf32>
    %get3A_96 = arith.constant 40 : index
    %get3A_97 = arith.constant 0 : index
    %get3A_98 = vector.load %arg8[%get3A_96, %get3A_97] : memref<48x32xf32, #tpu.memory_space<vmem>>, vector<8x32xf32>
    %dot_general3A_99 = arith.constant dense<0.000000e+00> : vector<31x32xf32>
    %dot_general3A_100 = tpu.matmul %get3A_95, %get3A_98, %dot_general3A_99 {dimension_numbers = #tpu.dot_dimension_numbers<[1], [0], [0], [1], [0, 0, 1, 1], [], []>, transpose_lhs_hint = false} : vector<31x8xf32>, vector<8x32xf32>, vector<31x32xf32> -> vector<31x32xf32>
    %get3A_101 = arith.constant 0 : index
    %get3A_102 = arith.constant 5 : index
    %get3A_103 = vector.load %arg0[%get3A_101, %get3A_102] : memref<4096x6xi32, #tpu.memory_space<vmem>>, vector<4096x1xi32>
    %iota3A_104 = tpu.iota {dimensions = array<i32: 1>} : vector<4096x31xi32>
    %eq3A_105 = vector.broadcast %get3A_103 : vector<4096x1xi32> to vector<4096x31xi32>
    %eq3A_106 = arith.cmpi eq, %eq3A_105, %iota3A_104 : vector<4096x31xi32>
    %convert_element_type3A_107 = arith.extui %eq3A_106 : vector<4096x31xi1> to vector<4096x31xi32>
    %convert_element_type3A_108 = arith.sitofp %convert_element_type3A_107 : vector<4096x31xi32> to vector<4096x31xf32>
    %dot_general3A_109 = arith.constant dense<0.000000e+00> : vector<4096x32xf32>
    %dot_general3A_110 = tpu.matmul %convert_element_type3A_108, %dot_general3A_100, %dot_general3A_109 {dimension_numbers = #tpu.dot_dimension_numbers<[1], [0], [0], [1], [0, 0, 1, 1], [], []>, transpose_lhs_hint = false} : vector<4096x31xf32>, vector<31x32xf32>, vector<4096x32xf32> -> vector<4096x32xf32>
    %add3A_111 = arith.addf %add3A_92, %dot_general3A_110 : vector<4096x32xf32>
    %swap3A = arith.constant 0 : index
    %swap3A_112 = arith.constant 0 : index
    %swap3A_113 = vector.load %arg10[%swap3A, %swap3A_112] : memref<4096x128xf32, #tpu.memory_space<vmem>>, vector<4096x32xf32>
    tpu.vector_store %arg10[%swap3A, %swap3A_112], %add3A_111 {strides = array<i32>} : memref<4096x128xf32, #tpu.memory_space<vmem>>, vector<4096x32xf32>,
    %broadcast_in_dim3A_114 = arith.constant 0.000000e+00 : f32
    %broadcast_in_dim3A_115 = vector.broadcast %broadcast_in_dim3A_114 : f32 to vector<4096x96xf32>
    %swap3A_116 = arith.constant 0 : index
    %swap3A_117 = arith.constant 32 : index
    %swap3A_118 = vector.load %arg10[%swap3A_116, %swap3A_117] : memref<4096x128xf32, #tpu.memory_space<vmem>>, vector<4096x96xf32>
    tpu.vector_store %arg10[%swap3A_116, %swap3A_117], %broadcast_in_dim3A_115 {strides = array<i32>} : memref<4096x128xf32, #tpu.memory_space<vmem>>, vector<4096x96xf32>,
    %get3A_119 = arith.constant 0 : index
    %get3A_120 = arith.constant 0 : index
    %get3A_121 = vector.load %arg1[%get3A_119, %get3A_120] : memref<4096x200xi32, #tpu.memory_space<vmem>>, vector<4096x200xi32>
    %jit3A = arith.constant 256000 : i32
    %div3A = vector.broadcast %jit3A : i32 to vector<4096x200xi32>
    %div3A_122 = arith.divsi %get3A_121, %div3A : vector<4096x200xi32>
    %sign3A = arith.constant 0 : i32
    %sign3A_123 = vector.broadcast %sign3A : i32 to vector<4096x200xi32>
    %sign3A_124 = arith.cmpi sgt, %get3A_121, %sign3A_123 : vector<4096x200xi32>
    %sign3A_125 = arith.extui %sign3A_124 : vector<4096x200xi1> to vector<4096x200xi32>
    %sign3A_126 = arith.constant 0 : i32
    %sign3A_127 = vector.broadcast %sign3A_126 : i32 to vector<4096x200xi32>
    %sign3A_128 = arith.cmpi slt, %get3A_121, %sign3A_127 : vector<4096x200xi32>
    %sign3A_129 = arith.extui %sign3A_128 : vector<4096x200xi1> to vector<4096x200xi32>
    %sign3A_130 = arith.subi %sign3A_125, %sign3A_129 : vector<4096x200xi32>
    %sign3A_131 = arith.constant 0 : i32
    %sign3A_132 = arith.cmpi sgt, %jit3A, %sign3A_131 : i32
    %sign3A_133 = arith.extui %sign3A_132 : i1 to i32
    %sign3A_134 = arith.constant 0 : i32
    %sign3A_135 = arith.cmpi slt, %jit3A, %sign3A_134 : i32
    %sign3A_136 = arith.extui %sign3A_135 : i1 to i32
    %sign3A_137 = arith.subi %sign3A_133, %sign3A_136 : i32
    %ne3A = vector.broadcast %sign3A_137 : i32 to vector<4096x200xi32>
    %ne3A_138 = arith.cmpi ne, %sign3A_130, %ne3A : vector<4096x200xi32>
    %rem3A = vector.broadcast %jit3A : i32 to vector<4096x200xi32>
    %rem3A_139 = arith.remsi %get3A_121, %rem3A : vector<4096x200xi32>
    %ne3A_140 = arith.constant 0 : i32
    %ne3A_141 = vector.broadcast %ne3A_140 : i32 to vector<4096x200xi32>
    %ne3A_142 = arith.cmpi ne, %rem3A_139, %ne3A_141 : vector<4096x200xi32>
    %and3A = arith.andi %ne3A_138, %ne3A_142 : vector<4096x200xi1>
    %sub3A = arith.constant 1 : i32
    %sub3A_143 = vector.broadcast %sub3A : i32 to vector<4096x200xi32>
    %sub3A_144 = arith.subi %div3A_122, %sub3A_143 : vector<4096x200xi32>
    %select_n3A = arith.select %and3A, %sub3A_144, %div3A_122 : vector<4096x200xi1>, vector<4096x200xi32>
    %mul3A = arith.constant 256000 : i32
    %mul3A_145 = vector.broadcast %mul3A : i32 to vector<4096x200xi32>
    %mul3A_146 = arith.muli %select_n3A, %mul3A_145 : vector<4096x200xi32>
    %sub3A_147 = arith.subi %get3A_121, %mul3A_146 : vector<4096x200xi32>
    %shift_left3A = arith.constant 20 : i32
    %shift_left3A_148 = vector.broadcast %shift_left3A : i32 to vector<4096x200xi32>
    %shift_left3A_149 = arith.shli %select_n3A, %shift_left3A_148 : vector<4096x200xi32>
    %or3A = arith.ori %sub3A_147, %shift_left3A_149 : vector<4096x200xi32>
    %slice3A = vector.extract_strided_slice %or3A {offsets = [0, 0], sizes = [4096, 128], strides = [1, 1]} : vector<4096x200xi32> to vector<4096x128xi32>
    %swap3A_150 = arith.constant 0 : index
    %swap3A_151 = arith.constant 0 : index
    %swap3A_152 = arith.constant 0 : index
    %swap3A_153 = vector.load %arg11[%swap3A_150, %swap3A_151, %swap3A_152] : memref<2x4096x128xi32, #tpu.memory_space<vmem>>, vector<1x4096x128xi32>
    %swap3A_154 = vector.shape_cast %swap3A_153 : vector<1x4096x128xi32> to vector<4096x128xi32>
    %swap3A_155 = vector.shape_cast %slice3A : vector<4096x128xi32> to vector<1x4096x128xi32>
    tpu.vector_store %arg11[%swap3A_150, %swap3A_151, %swap3A_152], %swap3A_155 {strides = array<i32>} : memref<2x4096x128xi32, #tpu.memory_space<vmem>>, vector<1x4096x128xi32>,
    %slice3A_156 = vector.extract_strided_slice %or3A {offsets = [0, 128], sizes = [4096, 72], strides = [1, 1]} : vector<4096x200xi32> to vector<4096x72xi32>
    %jit3A_157 = arith.constant 0 : i32
    %pad3A = vector.broadcast %jit3A_157 : i32 to vector<4096x56xi32>
    %pad3A_158 = tpu.concatenate %slice3A_156, %pad3A in 1 : vector<4096x72xi32>, vector<4096x56xi32> -> vector<4096x128xi32>
    %swap3A_159 = arith.constant 1 : index
    %swap3A_160 = arith.constant 0 : index
    %swap3A_161 = arith.constant 0 : index
    %swap3A_162 = vector.load %arg11[%swap3A_159, %swap3A_160, %swap3A_161] : memref<2x4096x128xi32, #tpu.memory_space<vmem>>, vector<1x4096x128xi32>
    %swap3A_163 = vector.shape_cast %swap3A_162 : vector<1x4096x128xi32> to vector<4096x128xi32>
    %swap3A_164 = vector.shape_cast %pad3A_158 : vector<4096x128xi32> to vector<1x4096x128xi32>
    tpu.vector_store %arg11[%swap3A_159, %swap3A_160, %swap3A_161], %swap3A_164 {strides = array<i32>} : memref<2x4096x128xi32, #tpu.memory_space<vmem>>, vector<1x4096x128xi32>,
    return
  }
}

</mosaic_0001>

<sc_bundles>
// kernel: kernel.5.cloned.1.call-start
scs
__scs_entry_jumppad:
0x0: {  	(pc) =	sbr.rel $0x88, $3  }
0x1: {  	(tag) =	ssettag $0x0;
	lr =	simm.s32 $0x1  }
0x2: {  	[smem:$0x3F96] =	sst lr;
	_ =	strace $0xD0000000  }
0x3: {  	_ = 	snop  }
0x4: {  	_ = 	snop  }
0x5: {  	_ = 	snop  }
0x6: {  	_ = 	snop  }
0x7: {  	_ = 	snop  }
__scs_overlays_trampoline_lowered:
0x8: {  	[smem:$0x3FA5] =	sst s0  }
0x9: {  	[smem:$0x3FA6] =	sst s1  }
0xa: {  	[smem:$0x3FA7] =	sst s2  }
0xb: {  	[smem:$0x3FA8] =	sst s3  }
0xc: {  	[smem:$0x3FA9] =	sst s4  }
0xd: {  	[smem:$0x3FAA] =	sst s5  }
0xe: {  	[smem:$0x3FAB] =	sst s6  }
0xf: {  	[smem:$0x3FAC] =	sst s7  }
0x10: {  	[smem:$0x3FAD] =	sst s8  }
0x11: {  	[smem:$0x3FAE] =	sst s9;
	s0 =	simm.s32 @!p0 $0x0  }
0x12: {  	s1 =	sld [smem:$0x3F94];
	s0 =	simm.s32 @p0 $0x1  }
0x13: {  	[smem:$0x3FAF] =	sst s0;
	s0 =	simm.s32 @!p1 $0x0  }
0x14: {  	s2 =	sld [smem:$0x3F93];
	s0 =	simm.s32 @p1 $0x1  }
0x15: {  	[smem:$0x3FB0] =	sst s0;
	s0 =	simm.s32 @!p2 $0x0  }
0x16: {  	s3 =	sld [smem:$0x3FDB];
	s0 =	simm.s32 @p2 $0x1  }
0x17: {  	s4 =	simm.s32 $0x1BF5;
	[smem:$0x3FB2] =	sst s0  }
0x18: {  	s0 =	sld [smem:$0x3F95];
	_ =	swait.ge [sflag:s4], $0x0  }
0x19: {  	s7 =	sld [smem:$0x3F96]  }
0x1a: {  	s8 =	sadd.s32 $0xFFFFE003, lr  }
0x1b: {  	s9 =	sadd.s32 $0xFFFFFEF7, lr;
	s5 =	simm.s32 $0xFFFFFFFF;
	p2 =	slt.u32 s8, $0xFFFFF086  }
0x1c: {  	p1 =	slt.u32 s9, $0xF7A;
	s5 =	simm.s32 @!p2 $0x0  }
0x1d: {  	s5 =	simm.s32 @p1 $0x1;
	p0 =	seq.s32 s7, s2  }
0x1e: {  	s7 =	smul.u32 @!p0 $0xF7A, s2;
	p2 =	seq.s32 @!p0 s5, $0x0  }
0x1f: {  	s9 =	smul.u32 $0xF7A, s1;
	s8 =	simm.s32 @!p0 $0x1BF5;
	p2 =	por !p2, p0  }
0x20: {  	[sflag:s8] =	ssyncset.s32 @!p0 $0xFFFFF086;
	s6 =	sadd.s32 @!p0 s3, s7;
	s7 =	simm.s32 @!p0 $0x108  }
0x21: {  	s3 =	sadd.s32 s3, s9;
	s6 =	sadd.s32 @!p0 $0x88, s6;
	s7 =	simm.s32 @p2 $0x1082  }
0x22: {  	[simem:s7], [sflag:s8] =	dma.local @!p0 [hbm:s6], $0xF7A  }
0x23: {  	s9 =	sor.u32 $0xD0000000, s2;
	s6 =	simm.s32 $0x108;
	_ =	swait.ge @!p0 [sflag:s8], $0x0  }
0x24: {  	s3 =	sadd.s32 $0x88, s3;
	s6 =	simm.s32 @!p1 $0x1082;
	[sflag:s4] =	ssyncset.s32 $0xFFFFF086  }
0x25: {  	[simem:s6], [sflag:s4] =	dma.local [hbm:s3], $0xF7A  }
0x26: {  	[smem:$0x3F96] =	sst s1;
	(tag) =	ssettag s2;
	_ =	strace s9  }
0x27: {  	s1 =	sld [smem:$0x3FA6]  }
0x28: {  	s2 =	sld [smem:$0x3FA7]  }
0x29: {  	s4 =	sld [smem:$0x3FA9]  }
0x2a: {  	p0 =	seq.s32 s5, $0x0;
	s5 =	sld [smem:$0x3FAA]  }
0x2b: {  	s6 =	sld [smem:$0x3FAB]  }
0x2c: {  	s7 =	sld [smem:$0x3FAC]  }
0x2d: {  	s3 =	simm.s32 $0x108;
	s8 =	sld [smem:$0x3FAD]  }
0x2e: {  	s3 =	simm.s32 @!p0 $0x1082;
	s9 =	sld [smem:$0x3FAE]  }
0x2f: {  	lr =	sadd.s32 s0, s3;
	s0 =	sld [smem:$0x3FA5]  }
0x30: {  	s3 =	sld [smem:$0x3FA8]  }
0x31: {  	[smem:$0x3FB1] =	sst s10  }
0x32: {  	s10 =	sld [smem:$0x3FAF];
	_ =	sdelay $0x3  }
0x33: {  	p0 =	seq.s32 s10, $0x1;
	s10 =	sld [smem:$0x3FB1];
	_ =	sdelay $0x3  }
0x34: {  	[smem:$0x3FB1] =	sst s10  }
0x35: {  	s10 =	sld [smem:$0x3FB0];
	_ =	sdelay $0x3  }
0x36: {  	p1 =	seq.s32 s10, $0x1;
	s10 =	sld [smem:$0x3FB1];
	_ =	sdelay $0x3  }
0x37: {  	[smem:$0x3FB1] =	sst s10  }
0x38: {  	s10 =	sld [smem:$0x3FB2]  }
0x39: {  	_ = 	snop;
	(pc) =	sbr.ind lr, $3  }
0x3a: {  	_ = 	snop  }
0x3b: {  	_ = 	snop  }
0x3c: {  	p2 =	seq.s32 s10, $0x1;
	s10 =	sld [smem:$0x3FB1]  }
0x3d: {  	_ =	shalt  }
0x3e: {  	_ =	shalt  }
0x3f: {  	_ =	shalt  }
0x40: {  	_ =	shalt  }
0x41: {  	_ =	shalt  }
0x42: {  	_ =	shalt  }
0x43: {  	_ =	shalt  }
0x44: {  	_ =	shalt  }
0x45: {  	_ =	shalt  }
0x46: {  	_ =	shalt  }
0x47: {  	_ =	shalt  }
0x48: {  	_ =	shalt  }
0x49: {  	_ =	shalt  }
0x4a: {  	_ =	shalt  }
0x4b: {  	_ =	shalt  }
0x4c: {  	_ =	shalt  }
0x4d: {  	_ =	shalt  }
0x4e: {  	_ =	shalt  }
0x4f: {  	_ =	shalt  }
0x50: {  	_ =	shalt  }
0x51: {  	_ =	shalt  }
0x52: {  	_ =	shalt  }
0x53: {  	_ =	shalt  }
0x54: {  	_ =	shalt  }
0x55: {  	_ =	shalt  }
0x56: {  	_ =	shalt  }
0x57: {  	_ =	shalt  }
0x58: {  	_ =	shalt  }
0x59: {  	_ =	shalt  }
0x5a: {  	_ =	shalt  }
0x5b: {  	_ =	shalt  }
0x5c: {  	_ =	shalt  }
0x5d: {  	_ =	shalt  }
0x5e: {  	_ =	shalt  }
0x5f: {  	_ =	shalt  }
0x60: {  	_ =	shalt  }
0x61: {  	_ =	shalt  }
0x62: {  	_ =	shalt  }
0x63: {  	_ =	shalt  }
0x64: {  	_ =	shalt  }
0x65: {  	_ =	shalt  }
0x66: {  	_ =	shalt  }
0x67: {  	_ =	shalt  }
0x68: {  	_ =	shalt  }
0x69: {  	_ =	shalt  }
0x6a: {  	_ =	shalt  }
0x6b: {  	_ =	shalt  }
0x6c: {  	_ =	shalt  }
0x6d: {  	_ =	shalt  }
0x6e: {  	_ =	shalt  }
0x6f: {  	_ =	shalt  }
0x70: {  	_ =	shalt  }
0x71: {  	_ =	shalt  }
0x72: {  	_ =	shalt  }
0x73: {  	_ =	shalt  }
0x74: {  	_ =	shalt  }
0x75: {  	_ =	shalt  }
0x76: {  	_ =	shalt  }
0x77: {  	_ =	shalt  }
0x78: {  	_ =	shalt  }
0x79: {  	_ =	shalt  }
0x7a: {  	_ =	shalt  }
0x7b: {  	_ =	shalt  }
0x7c: {  	_ =	shalt  }
0x7d: {  	_ =	shalt  }
0x7e: {  	_ =	shalt  }
0x7f: {  	_ =	shalt  }
0x80: {  	_ =	shalt  }
0x81: {  	_ =	shalt  }
0x82: {  	_ =	shalt  }
0x83: {  	_ =	shalt  }
0x84: {  	_ =	shalt  }
0x85: {  	_ =	shalt  }
0x86: {  	_ =	shalt  }
0x87: {  	_ =	shalt  }
.Lfunc_end0:
.L_simem_size_0:
called_computation_lowered:
.L_overlay_start_0:
0x88: {  	s2 =	sld [smem:$0x3FD9]  }
0x89: {  	s3 =	sld [smem:$0x3FFE];
	_ =	sdelay $0x1  }
0x8a: {  	s1 =	srdreg.scid  }
0x8b: {  	s0 =	sand.u32 $0x1, s1  }
0x8c: {  	s17 =	sshll.u32 s0, $0xA;
	s2 =	sadd.s32 s3, s2  }
0x8d: {  	s2 =	sadd.s32 s2, s17  }
0x8e: {  	[smem:$0x3FBD] =	sst s2  }
0x8f: {  	_ = 	snop  }
0x90: {  	s2 =	sld [smem:$0x3FD0];
	(tm) =	ssettm $0x1  }
0x91: {  	s18 =	sld [smem:$0x3FFB];
	_ =	sdelay $0x3  }
0x92: {  	_ =	strace s18  }
0x93: {  	s3 =	sld [smem:$0x3FFC];
	_ =	sdelay $0x3  }
0x94: {  	_ =	strace s3  }
0x95: {  	s3 =	sld [smem:$0x3FFD];
	_ =	sdelay $0x3  }
0x96: {  	_ =	strace s3  }
0x97: {  	_ =	strace $0x8FFFFFFF  }
0x98: {  	s19 =	sld [smem:$0x3FDB];
	_ =	sdelay $0x1  }
0x99: {  	s4 =	simm.s32 $_scs_section_size  }
0x9a: {  	s5 =	simm.s32 $_size__tile_overlayer_lowered;
	s6 =	simm.s32 $_tile_overlayer_lowered  }
0x9b: {  	s22 =	simm.s32 $0x1BFF;
	s21 =	sshll.u32 s6, $0x1;
	s3 =	sadd.s32 s4, s19  }
0x9c: {  	s7 =	simm.s32 $0x0;
	s20 =	sshll.u32 s5, $0x1;
	s5 =	sadd.s32 s21, s3  }
0x9d: {  	[timem:s7], [sflag:s22] =	dma.local [hbm:s5], s20  }
0x9e: {  	_ =	swait.ge [sflag:s22], s20  }
0x9f: {  	s4 =	ssub.s32 $0x0, s20;
	[sflag:s22] =	ssyncset.done $0x0  }
0xa0: {  	[sflag:s22] =	ssyncadd.s32 s4;
	_ =	sdelay $0x1  }
0xa1: {  	s23 =	simm.s32 $0x1B8B  }
0xa2: {  	_ =	swait.ge [sflag:s23], $0x1  }
0xa3: {  	[sflag:s23] =	ssyncset.done $0x0  }
0xa4: {  	s25 =	simm.s32 $0x1B8E;
	s24 =	sld [smem:$0x3FFE];
	[sflag:s23] =	ssyncadd.s32 $0xFFFFFFFF  }
0xa5: {  	s26 =	simm.s32 $execute0_lowered;
	[smem:$0x3FD2] =	sst s25  }
0xa6: {  	s5 =	sshll.u32 s26, $0x1;
	_ =	strace $0x80000046;
	[dreg:$0x1] =	wrdreg $0xFFFFFFFF  }
0xa7: {  	s28 =	simm.s32 $_size_execute0_lowered;
	s3 =	sadd.s32 s3, s5;
	[dreg:$0x0] =	wrdreg $0x0  }
0xa8: {  	s5 =	sshll.u32 s28, $0x1;
	[dreg:$0x2] =	wrdreg s3  }
0xa9: {  	[dreg:$0x3] =	wrdreg s5  }
0xaa: {  	[dreg:$0x4] =	wrdreg $0xC0  }
0xab: {  	_ =	task [dreg:s7], $0x5FFFF  }
0xac: {  	[dreg:$0x1] =	wrdreg $0xFFFFFFFF  }
0xad: {  	[dreg:$0x0] =	wrdreg $0x60  }
0xae: {  	[dreg:$0x2] =	wrdreg s24  }
0xaf: {  	[dreg:$0x3] =	wrdreg s2  }
0xb0: {  	[dreg:$0x4] =	wrdreg $0x9  }
0xb1: {  	_ =	task.clear_ibuf [dreg:s7], $0x5FFFF;
	_ =	strace $0x90000046  }
0xb2: {  	s29 =	simm.s32 $0x9;
	_ =	strace $0x80000048  }
0xb3: {  	_ =	swait.ge [sflag:s29], $0x1  }
0xb4: {  	[sflag:s29] =	ssyncadd.s32 $0xFFFFFFFF  }
0xb5: {  	_ =	strace $0x90000048  }
0xb6: {  	_ =	sfence  }
0xb7: {  	s30 =	sld [smem:$0x0];
	_ =	sdelay $0x2  }
0xb8: {  	s31 =	sshll.u32 s1, $0xD;
	s1 =	sshrl.u32 s1, $0x2  }
0xb9: {  	s3 =	sand.u32 $0x4000, s31;
	s1 =	sadd.s32 s1, s30  }
0xba: {  	s0 =	sor.u32 s3, s0;
	s1 =	sshll.u32 s1, $0x11  }
0xbb: {  	s0 =	sor.u32 s1, s0  }
0xbc: {  	s0 =	sadd.s32 $0x8F2B, s0  }
0xbd: {  	[sflag:s0] =	ssyncadd.remote.s32 $0x1  }
0xbe: {  	_ =	sfence.sel $0xFFFF  }
0xbf: {  	[dreg:$0x0] =	wrdreg $0xFFFFFFFF;
	(pc) =	sbr.abs _section_cstart, $3  }
0xc0: {  	[dreg:$0x1] =	wrdreg $0xFFFFFFFF  }
0xc1: {  	_ =	task.clear_ibuf [dreg:s7], $0x2FFFF;
	_ =	strace $0x9FFFFFFF  }
0xc2: {  	(tm) =	ssettm $0x7FFFFFFF  }
0xc3: {  	_ =	shalt  }
tec
execute0_lowered:
.L_overlay_start_1:
0x0: {  	(tag) =	ssettag $0x1  }
0x1: {  	s0 =	rddreg [dreg:$0x0]  }
0x2: {  	s2 =	rddreg [dreg:$0x1]  }
0x3: {  	s1 =	srdreg.scid;
	s4 =	stileid.u32;
	s3 =	simm.s32 $0x0  }
0x4: {  	s11 =	simm.s32 $0x80;
	s12 =	simm.s32 $0x5;
	s13 =	simm.s32 $0x1000  }
0x5: {  	s14 =	simm.s32 $0x48;
	s15 =	simm.s32 $0x5000;
	s16 =	simm.s32 $0x75E8  }
0x6: {  	s17 =	simm.s32 $0x7788;
	s18 =	simm.s32 $0x7668;
	s19 =	simm.s32 $0xB788  }
0x7: {  	s20 =	simm.s32 $0x76B8;
	s21 =	simm.s32 $0xDF88;
	s22 =	simm.s32 $0x7738  }
0x8: {  	v0 =	vlaneseq.u32;
	s23 =	simm.s32 $0x11F88;
	s1 =	sand.u32 $0x1, s1;
	s4 =	sshll.u32 s4, $0x1  }
0x9: {  	s28 =	simm.s32 $0x14858;
	[smem:$0x7FF] =	sst s3;
	v1 =	vor.u32 $0x10, v0;
	s5 =	sor.u32 s1, s4  }
0xa: {  	s30 =	simm.s32 $0x4;
	v58 =	vor.u32 $0x20, v0;
	_ =	strace $0x80000047;
	[tilespmem:$0x1FF90] =	vst v1;
	s4 =	sshll.u32 s5, $0xB  }
0xb: {  	s31 =	simm.s32 $0x0;
	v59 =	vor.u32 $0x30, v0;
	s1 =	ssub.s32 $0x2, s1;
	[tilespmem:$0x1FFA0] =	vst v58;
	s6 =	sadd.s32 s4, s0  }
0xc: {  	v60 =	vor.u32 $0x40, v0;
	[tilespmem:$0x1FFB0] =	vst v59;
	s24 =	sshrl.u32 s1, $0x1;
	s8 =	smul.u32 $0x6400, s5;
	s25 =	sadd.s32 $0x40B000, s6  }
0xd: {  	v61 =	vor.u32 $0x50, v0;
	[tilespmem:$0x1FFC0] =	vst v60;
	s4 =	sadd.s32 $0x23000, s0;
	s26 =	sadd.s32 $0x1E00, s6;
	[dreg:$0x3] =	wrdreg s25  }
0xe: {  	v62 =	vor.u32 $0x60, v0;
	[tilespmem:$0x1FFD0] =	vst v61;
	s0 =	ssub.s32 s1, s24;
	s29 =	sadd.s32 $0x11E00, s6;
	[dreg:$0x4] =	wrdreg s26  }
0xf: {  	v63 =	vor.u32 $0x70, v0;
	[tilespmem:$0x1FFE0] =	vst v62;
	s24 =	simm.s32 $0x1;
	s0 =	smax.u32 s0, $0x1;
	[dreg:$0x5] =	wrdreg s29  }
0x10: {  	v27 =	vmul.u32 $0x80, v0;
	[tilespmem:$0x1FFF0] =	vst v63;
	[dreg:$0x6] =	wrdreg s0;
	s25 =	simm.s32 $0x14788;
	s26 =	simm.s32 $0x2  }
.LBB2_1:
0x11: {  	s0 =	rddreg [dreg:$0x3];
	s1 =	simm.s32 $0x20  }
0x12: {  	[tilespmem:s3], [sflag:$0x5] =	stream.strided.gather [hbm4b:s0+s1], $0x1000, s11, s1, $0x38;
	[tilespmem:$0x14928] =	vst v63  }
0x13: {  	_ =	swait.ge [sflag:s12], $0x1000  }
0x14: {  	[sflag:s12] =	ssyncset.done $0x0  }
0x15: {  	s10 =	rddreg [dreg:$0x4];
	[sflag:s12] =	ssyncadd.s32 $0xFFFFF000  }
0x16: {  	[tilespmem:s13], [sflag:$0x5] =	stream.linear.gather [hbm4b:s10+s3], $0x4000, $0x38;
	[tilespmem:$0x14928] =	vst v63  }
0x17: {  	_ =	swait.ge [sflag:s12], $0x4000  }
0x18: {  	[sflag:s12] =	ssyncset.done $0x0  }
0x19: {  	v1 =	vlaneseq.u32;
	s29 =	rddreg [dreg:$0x5];
	[sflag:s12] =	ssyncadd.s32 $0xFFFFC000  }
0x1a: {  	[tilespmem:s15], [sflag:$0x5] =	stream.strided.gather [hbm4b:s29+s14], $0x2400, s11, s14, $0x38;
	[tilespmem:$0x14928] =	vst v63  }
0x1b: {  	_ =	swait.ge [sflag:s12], $0x2400  }
0x1c: {  	[sflag:s12] =	ssyncset.done $0x0  }
0x1d: {  	v2 =	vld [tilespmem:$0x1FF90];
	[sflag:s12] =	ssyncadd.s32 $0xFFFFDC00  }
0x1e: {  	v0 =	vld.idx.msk [tilespmem:v1+s13+$0x0], $0xffff;
	_ =	sdelay $0x4  }
0x1f: {  	[tilespmem:$0x7448] =	vst v0;
	v0 =	vand.u32 $0xFFFFF, v0  }
0x20: {  	v3 =	vld [tilespmem:$0x1FFA0];
	[tilespmem:$0x75E8] =	vst v0  }
0x21: {  	v0 =	vld.idx.msk [tilespmem:v2+s13+$0x0], $0xffff;
	_ =	sdelay $0x4  }
0x22: {  	[tilespmem:$0x7458] =	vst v0;
	v0 =	vand.u32 $0xFFFFF, v0  }
0x23: {  	v4 =	vld [tilespmem:$0x1FFB0];
	[tilespmem:$0x75F8] =	vst v0  }
0x24: {  	v0 =	vld.idx.msk [tilespmem:v3+s13+$0x0], $0xffff;
	_ =	sdelay $0x4  }
0x25: {  	[tilespmem:$0x7468] =	vst v0;
	v0 =	vand.u32 $0xFFFFF, v0  }
0x26: {  	v5 =	vld [tilespmem:$0x1FFC0];
	[tilespmem:$0x7608] =	vst v0  }
0x27: {  	v0 =	vld.idx.msk [tilespmem:v4+s13+$0x0], $0xffff;
	_ =	sdelay $0x4  }
0x28: {  	[tilespmem:$0x7478] =	vst v0;
	v0 =	vand.u32 $0xFFFFF, v0  }
0x29: {  	v61 =	vld [tilespmem:$0x1FFD0];
	[tilespmem:$0x7618] =	vst v0  }
0x2a: {  	v0 =	vld.idx.msk [tilespmem:v5+s13+$0x0], $0xffff;
	_ =	sdelay $0x4  }
0x2b: {  	[tilespmem:$0x7488] =	vst v0;
	v0 =	vand.u32 $0xFFFFF, v0  }
0x2c: {  	v62 =	vld [tilespmem:$0x1FFE0];
	[tilespmem:$0x7628] =	vst v0  }
0x2d: {  	v0 =	vld.idx.msk [tilespmem:v61+s13+$0x0], $0xffff;
	_ =	sdelay $0x4  }
0x2e: {  	[tilespmem:$0x7498] =	vst v0;
	v0 =	vand.u32 $0xFFFFF, v0  }
0x2f: {  	v63 =	vld [tilespmem:$0x1FFF0];
	[tilespmem:$0x7638] =	vst v0  }
0x30: {  	v0 =	vld.idx.msk [tilespmem:v62+s13+$0x0], $0xffff;
	_ =	sdelay $0x4  }
0x31: {  	[tilespmem:$0x74A8] =	vst v0;
	v0 =	vand.u32 $0xFFFFF, v0  }
0x32: {  	[tilespmem:$0x7648] =	vst v0  }
0x33: {  	v0 =	vld.idx.msk [tilespmem:v63+s13+$0x0], $0xffff;
	_ =	sdelay $0x4  }
0x34: {  	[tilespmem:$0x74B8] =	vst v0;
	v0 =	vand.u32 $0xFFFFF, v0  }
0x35: {  	[tilespmem:$0x7658] =	vst v0  }
0x36: {  	v0 =	vld.idx.msk [tilespmem:v1+s15+$0x0], $0xffff;
	_ =	sdelay $0x4  }
0x37: {  	[tilespmem:$0x74C8] =	vst v0;
	v0 =	vand.u32 $0xFFFFF, v0  }
0x38: {  	[tilespmem:$0x7668] =	vst v0  }
0x39: {  	v0 =	vld.idx.msk [tilespmem:v2+s15+$0x0], $0xffff;
	_ =	sdelay $0x4  }
0x3a: {  	[tilespmem:$0x74D8] =	vst v0;
	v0 =	vand.u32 $0xFFFFF, v0  }
0x3b: {  	[tilespmem:$0x7678] =	vst v0  }
0x3c: {  	v0 =	vld.idx.msk [tilespmem:v3+s15+$0x0], $0xffff;
	_ =	sdelay $0x4  }
0x3d: {  	[tilespmem:$0x74E8] =	vst v0;
	v0 =	vand.u32 $0xFFFFF, v0  }
0x3e: {  	[tilespmem:$0x7688] =	vst v0  }
0x3f: {  	v0 =	vld.idx.msk [tilespmem:v4+s15+$0x0], $0xffff;
	_ =	sdelay $0x4  }
0x40: {  	[tilespmem:$0x74F8] =	vst v0;
	v0 =	vand.u32 $0xFFFFF, v0  }
0x41: {  	[tilespmem:$0x7698] =	vst v0  }
0x42: {  	v0 =	vld.idx.msk [tilespmem:v5+s15+$0x0], $0xffff;
	_ =	sdelay $0x4  }
0x43: {  	[tilespmem:$0x7508] =	vst v0;
	v0 =	vand.u32 $0xFFFFF, v0  }
0x44: {  	[tilespmem:$0x76A8] =	vst v0  }
0x45: {  	[tilespmem:s17], [sflag:$0x1] =	stream.indirect.gather [hbm4b:s4+s11], $0x80, s16, s11, $0xb8;
	[tilespmem:$0x14928] =	vst v63  }
0x46: {  	s0 =	simm.s32 $0x0  }
0x47: {  	[tilespmem:s19], [sflag:$0x1] =	stream.indirect.gather [hbm4b:s4+s14], $0x80, s18, s14, $0xb8;
	[tilespmem:$0x14928] =	vst v63  }
.LBB2_2:
0x48: {  	s1 =	sshllo.u32 s0, $0x1  }
0x49: {  	v0 =	vmov s1  }
0x4a: {  	v4 =	vlaneseq.u32;
	v1 =	vshll.u32 v0, $0x7  }
0x4b: {  	v2 =	vor.u32 v4, v1;
	_ =	sdelay $0x1  }
0x4c: {  	v5 =	vld [tilespmem:$0x1FF90];
	_ =	sdelay $0x2  }
0x4d: {  	v2 =	vld.idx.msk [tilespmem:v2+s13+$0x0], $0xffff;
	_ =	sdelay $0x1  }
0x4e: {  	v3 =	vor.u32 v5, v1;
	_ =	sdelay $0x1  }
0x4f: {  	v6 =	vld [tilespmem:$0x1FFA0]  }
0x50: {  	[tilespmem:$0x7518] =	vst v2;
	v2 =	vand.u32 $0xFFFFF, v2  }
0x51: {  	[tilespmem:$0x76B8] =	vst v2  }
0x52: {  	v2 =	vld.idx.msk [tilespmem:v3+s13+$0x0], $0xffff;
	_ =	sdelay $0x1  }
0x53: {  	v3 =	vor.u32 v6, v1;
	_ =	sdelay $0x1  }
0x54: {  	v7 =	vld [tilespmem:$0x1FFB0]  }
0x55: {  	[tilespmem:$0x7528] =	vst v2;
	v2 =	vand.u32 $0xFFFFF, v2  }
0x56: {  	[tilespmem:$0x76C8] =	vst v2  }
0x57: {  	v2 =	vld.idx.msk [tilespmem:v3+s13+$0x0], $0xffff;
	_ =	sdelay $0x1  }
0x58: {  	v3 =	vor.u32 v7, v1;
	_ =	sdelay $0x1  }
0x59: {  	v8 =	vld [tilespmem:$0x1FFC0]  }
0x5a: {  	[tilespmem:$0x7538] =	vst v2;
	v2 =	vand.u32 $0xFFFFF, v2  }
0x5b: {  	[tilespmem:$0x76D8] =	vst v2  }
0x5c: {  	v2 =	vld.idx.msk [tilespmem:v3+s13+$0x0], $0xffff;
	_ =	sdelay $0x1  }
0x5d: {  	v3 =	vor.u32 v8, v1;
	_ =	sdelay $0x2  }
0x5e: {  	[tilespmem:$0x7548] =	vst v2;
	v2 =	vand.u32 $0xFFFFF, v2  }
0x5f: {  	[tilespmem:$0x76E8] =	vst v2  }
0x60: {  	v2 =	vld.idx.msk [tilespmem:v3+s13+$0x0], $0xffff  }
0x61: {  	v3 =	vld [tilespmem:$0x1FFD0];
	_ =	sdelay $0x4  }
0x62: {  	v3 =	vor.u32 v3, v1;
	_ =	sdelay $0x2  }
0x63: {  	[tilespmem:$0x7558] =	vst v2;
	v2 =	vand.u32 $0xFFFFF, v2  }
0x64: {  	[tilespmem:$0x76F8] =	vst v2  }
0x65: {  	v2 =	vld.idx.msk [tilespmem:v3+s13+$0x0], $0xffff  }
0x66: {  	v3 =	vld [tilespmem:$0x1FFE0];
	_ =	sdelay $0x4  }
0x67: {  	v3 =	vor.u32 v3, v1;
	_ =	sdelay $0x2  }
0x68: {  	[tilespmem:$0x7568] =	vst v2;
	v2 =	vand.u32 $0xFFFFF, v2  }
0x69: {  	[tilespmem:$0x7708] =	vst v2  }
0x6a: {  	v2 =	vld.idx.msk [tilespmem:v3+s13+$0x0], $0xffff  }
0x6b: {  	v3 =	vld [tilespmem:$0x1FFF0];
	_ =	sdelay $0x4  }
0x6c: {  	v1 =	vor.u32 v3, v1;
	_ =	sdelay $0x2  }
0x6d: {  	[tilespmem:$0x7578] =	vst v2;
	v2 =	vand.u32 $0xFFFFF, v2  }
0x6e: {  	[tilespmem:$0x7718] =	vst v2  }
0x6f: {  	v0 =	vmul.u32 $0x48, v0;
	v1 =	vld.idx.msk [tilespmem:v1+s13+$0x0], $0xffff;
	_ =	sdelay $0x1  }
0x70: {  	v2 =	vadd.s32 v4, v0;
	_ =	sdelay $0x2  }
0x71: {  	[tilespmem:$0x7588] =	vst v1;
	v1 =	vand.u32 $0xFFFFF, v1  }
0x72: {  	[tilespmem:$0x7728] =	vst v1  }
0x73: {  	v1 =	vld.idx.msk [tilespmem:v2+s15+$0x0], $0xffff;
	_ =	sdelay $0x1  }
0x74: {  	v2 =	vadd.s32 v5, v0;
	_ =	sdelay $0x2  }
0x75: {  	[tilespmem:$0x7598] =	vst v1;
	v1 =	vand.u32 $0xFFFFF, v1  }
0x76: {  	[tilespmem:$0x7738] =	vst v1  }
0x77: {  	v1 =	vld.idx.msk [tilespmem:v2+s15+$0x0], $0xffff;
	_ =	sdelay $0x1  }
0x78: {  	v2 =	vadd.s32 v6, v0;
	_ =	sdelay $0x2  }
0x79: {  	[tilespmem:$0x75A8] =	vst v1;
	v1 =	vand.u32 $0xFFFFF, v1  }
0x7a: {  	[tilespmem:$0x7748] =	vst v1  }
0x7b: {  	v1 =	vld.idx.msk [tilespmem:v2+s15+$0x0], $0xffff;
	_ =	sdelay $0x1  }
0x7c: {  	v2 =	vadd.s32 v7, v0;
	_ =	sdelay $0x2  }
0x7d: {  	[tilespmem:$0x75B8] =	vst v1;
	v1 =	vand.u32 $0xFFFFF, v1  }
0x7e: {  	[tilespmem:$0x7758] =	vst v1  }
0x7f: {  	v1 =	vld.idx.msk [tilespmem:v2+s15+$0x0], $0xffff;
	_ =	sdelay $0x1  }
0x80: {  	v0 =	vadd.s32 v8, v0;
	_ =	sdelay $0x2  }
0x81: {  	[tilespmem:$0x75C8] =	vst v1;
	v1 =	vand.u32 $0xFFFFF, v1  }
0x82: {  	[tilespmem:$0x7768] =	vst v1  }
0x83: {  	v0 =	vld.idx.msk [tilespmem:v0+s15+$0x0], $0xffff;
	_ =	sdelay $0x4  }
0x84: {  	[tilespmem:$0x75D8] =	vst v0;
	v0 =	vand.u32 $0xFFFFF, v0  }
0x85: {  	[tilespmem:$0x7778] =	vst v0  }
0x86: {  	[tilespmem:s21], [sflag:$0x2] =	stream.indirect.gather [hbm4b:s4+s11], $0x80, s20, s11, $0xb8;
	[tilespmem:$0x14928] =	vst v63  }
0x87: {  	_ = 	snop  }
0x88: {  	[tilespmem:s23], [sflag:$0x2] =	stream.indirect.gather [hbm4b:s4+s14], $0x80, s22, s14, $0xb8;
	[tilespmem:$0x14928] =	vst v63  }
0x89: {  	_ =	swait.ge [sflag:s24], $0x4000  }
0x8a: {  	[sflag:s24] =	ssyncset.done $0x0  }
0x8b: {  	[sflag:s24] =	ssyncadd.s32 $0xFFFFC000  }
0x8c: {  	_ =	swait.ge [sflag:s24], $0x2400  }
0x8d: {  	p0 =	seq.s32 s0, $0x0;
	[sflag:s24] =	ssyncset.done $0x0  }
0x8e: {  	s5 =	simm.s32 @!p0 $0x3;
	[sflag:s24] =	ssyncadd.s32 $0xFFFFDC00  }
0x8f: {  	_ =	swait.ge @!p0 [sflag:s5], $0xC8  }
0x90: {  	[sflag:s5] =	ssyncset.done @!p0 $0x0  }
0x91: {  	s10 =	sshll.u32 s0, $0x1;
	s6 =	simm.s32 $0x7448;
	[sflag:s5] =	ssyncadd.s32 @!p0 $0xFFFFFF38  }
0x92: {  	s29 =	sshll.u32 s10, $0x5;
	v1 =	vld [tilespmem:s6+$0x0]  }
0x93: {  	v0 =	vor.u32 s29, v4;
	_ =	sdelay $0x1  }
0x94: {  	s7 =	simm.s32 $0x0  }
0x95: {  	v62 =	vimm.s32 $0x0;
	v3 =	vor.u32 s29, v5;
	v2 =	vmov s7  }
0x96: {  	v16 =	vimm.s32 $0x2;
	v2 =	vshll.u32 v2, $0x7;
	v1 =	vshrl.u32 v1, $0xF  }
0x97: {  	v29 =	vimm.s32 $0x3;
	v2 =	vor.u32 v27, v2;
	v0 =	vld.idx.msk [tilespmem:v0+s7+$0x0], $0xffff;
	v1 =	vand.u32 $0x60, v1  }
0x98: {  	v26 =	vimm.s32 $0x4;
	v63 =	vimm.s32 $0x5;
	v1 =	vor.u32 v2, v1  }
0x99: {  	v32 =	vimm.s32 $0x6;
	v57 =	vimm.s32 $0x7;
	v2 =	vor.u32 $0xA, v1  }
0x9a: {  	v33 =	vimm.s32 $0x8;
	v34 =	vimm.s32 $0x9;
	v5 =	vld.idx.msk [tilespmem:v3+s7+$0x0], $0xffff;
	v6 =	vor.u32 $0x3, v1  }
0x9b: {  	v14 =	vimm.s32 $0xA;
	v3 =	vimm.s32 $0x1;
	v4 =	vor.u32 $0x9, v1  }
0x9c: {  	v38 =	vperm.xlane v0, v3;
	v10 =	vperm.xlane v0, v57;
	v3 =	vor.u32 $0x2, v1  }
0x9d: {  	v24 =	vimm.s32 $0xC;
	v25 =	vimm.s32 $0xF;
	v7 =	vor.u32 $0xF, v1;
	v8 =	vld.idx.msk [tilespmem:v1+s17+$0x0], $0xffff  }
0x9e: {  	v37 =	vperm.xlane v0, v62;
	v46 =	vperm.xlane v0, v16;
	v9 =	vor.u32 $0x17, v1;
	v2 =	vld.idx.msk [tilespmem:v2+s17+$0x0], $0xffff;
	[tilespmem:$0x1FF80] =	vst v10  }
0x9f: {  	v52 =	vperm.xlane v0, v14;
	v14 =	vperm.xlane v5, v14;
	v11 =	vor.u32 $0x13, v1;
	v6 =	vld.idx.msk [tilespmem:v6+s17+$0x0], $0xffff  }
0xa0: {  	v40 =	vperm.xlane v0, v29;
	v42 =	vperm.xlane v0, v26;
	v12 =	vor.u32 $0xD, v1;
	v4 =	vld.idx.msk [tilespmem:v4+s17+$0x0], $0xffff  }
0xa1: {  	v43 =	vperm.xlane v0, v63;
	v13 =	vor.u32 $0x7, v1;
	v17 =	vor.u32 $0x12, v1;
	v3 =	vld.idx.msk [tilespmem:v3+s17+$0x0], $0xffff;
	[tilespmem:$0x1FE80] =	vst v14  }
0xa2: {  	v41 =	vperm.xlane v0, v32;
	v48 =	vperm.xlane v0, v33;
	v14 =	vor.u32 $0x1, v1;
	v7 =	vld.idx.msk [tilespmem:v7+s17+$0x0], $0xffff;
	[tilespmem:$0x1FE00] =	vst v17  }
0xa3: {  	v39 =	vperm.xlane v0, v34;
	v50 =	vperm.xlane v5, v16;
	v17 =	vor.u32 $0x8, v1;
	v9 =	vld.idx.msk [tilespmem:v9+s17+$0x0], $0xffff  }
0xa4: {  	v20 =	vor.u32 $0x4, v1;
	v11 =	vld.idx.msk [tilespmem:v11+s17+$0x0], $0xffff;
	v16 =	vmul.f32 v2, v52;
	v2 =	vmul.f32 v6, v40  }
0xa5: {  	v35 =	vperm.xlane v0, v24;
	v45 =	vperm.xlane v5, v24;
	v15 =	vor.u32 $0x5, v1;
	v12 =	vld.idx.msk [tilespmem:v12+s17+$0x0], $0xffff  }
0xa6: {  	v54 =	vimm.s32 $0xB;
	v28 =	vperm.xlane v0, v25;
	v29 =	vperm.xlane v5, v29;
	v13 =	vld.idx.msk [tilespmem:v13+s17+$0x0], $0xffff;
	[tilespmem:$0x1FE50] =	vst v2  }
0xa7: {  	v23 =	vor.u32 $0xC, v1;
	v24 =	vor.u32 $0x14, v1;
	v6 =	vimm.s32 $0xE;
	v14 =	vld.idx.msk [tilespmem:v14+s17+$0x0], $0xffff  }
0xa8: {  	v49 =	vperm.xlane v0, v6;
	v6 =	vmul.f32 v7, v28;
	v2 =	vimm.s32 $0xD;
	v17 =	vld.idx.msk [tilespmem:v17+s17+$0x0], $0xffff  }
0xa9: {  	v44 =	vperm.xlane v0, v54;
	v47 =	vor.u32 $0x10, v1;
	v30 =	vperm.xlane v0, v2;
	v0 =	vld.idx.msk [tilespmem:v20+s17+$0x0], $0xffff  }
0xaa: {  	v21 =	vor.u32 $0x11, v1;
	v15 =	vld.idx.msk [tilespmem:v15+s17+$0x0], $0xffff;
	[tilespmem:$0x1FE90] =	vst v6;
	v6 =	vmul.f32 v11, v29  }
0xab: {  	v51 =	vor.u32 $0x15, v1  }
0xac: {  	v53 =	vor.u32 $0x19, v1;
	v23 =	vld.idx.msk [tilespmem:v23+s17+$0x0], $0xffff;
	[tilespmem:$0x1FEB0] =	vst v6  }
0xad: {  	v36 =	vperm.xlane v5, v25;
	v55 =	vor.u32 $0x18, v1;
	v24 =	vld.idx.msk [tilespmem:v24+s17+$0x0], $0xffff  }
0xae: {  	v25 =	vperm.xlane v5, v32;
	v32 =	vperm.xlane v5, v57;
	v58 =	vor.u32 $0x1D, v1;
	v57 =	vld.idx.msk [tilespmem:v47+s17+$0x0], $0xffff  }
0xaf: {  	v56 =	vor.u32 $0x1C, v1;
	v21 =	vld.idx.msk [tilespmem:v21+s17+$0x0], $0xffff  }
0xb0: {  	v20 =	vor.u32 $0x1B, v1;
	v51 =	vld.idx.msk [tilespmem:v51+s17+$0x0], $0xffff  }
0xb1: {  	v11 =	vperm.xlane v5, v34;
	v34 =	vperm.xlane v5, v62;
	v62 =	vld.idx.msk [tilespmem:v53+s17+$0x0], $0xffff  }
0xb2: {  	v31 =	vperm.xlane v5, v26;
	v26 =	vperm.xlane v5, v63;
	v18 =	vor.u32 $0x6, v1;
	v63 =	vld.idx.msk [tilespmem:v55+s17+$0x0], $0xffff  }
0xb3: {  	v61 =	vor.u32 $0x1F, v1;
	v58 =	vld.idx.msk [tilespmem:v58+s17+$0x0], $0xffff;
	v14 =	vmul.f32 v14, v38  }
0xb4: {  	v33 =	vperm.xlane v5, v33;
	v19 =	vor.u32 $0xE, v1;
	v22 =	vor.u32 $0xB, v1;
	v56 =	vld.idx.msk [tilespmem:v56+s17+$0x0], $0xffff  }
0xb5: {  	s9 =	simm.s32 $0x7458;
	v8 =	vmul.f32 v8, v37;
	v20 =	vld.idx.msk [tilespmem:v20+s17+$0x0], $0xffff;
	v15 =	vmul.f32 v15, v43;
	v14 =	vadd.f32 $0.0e+00, v14  }
0xb6: {  	v59 =	vor.u32 $0x1A, v1;
	v3 =	vmul.f32 v3, v46;
	v7 =	vmul.f32 v57, v34;
	v57 =	vld [tilespmem:s9+$0x0]  }
0xb7: {  	v60 =	vor.u32 $0x16, v1;
	v2 =	vperm.xlane v5, v2;
	v14 =	vadd.f32 v15, v14;
	v15 =	vld.idx.msk [tilespmem:v18+s17+$0x0], $0xffff;
	[tilespmem:$0x1FDC0] =	vst v11  }
0xb8: {  	v4 =	vmul.f32 v4, v39;
	v8 =	vadd.f32 $0.0e+00, v8;
	v1 =	vor.u32 $0x1E, v1;
	v61 =	vld.idx.msk [tilespmem:v61+s17+$0x0], $0xffff  }
0xb9: {  	v6 =	vimm.s32 $0x1;
	v0 =	vmul.f32 v0, v42;
	v58 =	vmul.f32 v58, v2;
	[tilespmem:$0x1FDD0] =	vst v2;
	v2 =	vld [tilespmem:$0x1FE00]  }
0xba: {  	v13 =	vmul.f32 v13, v10;
	v47 =	vperm.xlane v5, v6  }
0xbb: {  	s29 =	simm.s32 $0x10;
	v12 =	vmul.f32 v12, v30;
	v17 =	vmul.f32 v17, v48;
	v0 =	vadd.f32 v0, v8  }
0xbc: {  	v55 =	vperm.xlane v5, v54;
	v54 =	vmov s29;
	v21 =	vmul.f32 v21, v47  }
0xbd: {  	v10 =	vld [tilespmem:$0x1FE80];
	v18 =	vmul.f32 v51, v26;
	v6 =	vadd.f32 v17, v0;
	v4 =	vadd.f32 v4, v14  }
0xbe: {  	v17 =	vmul.f32 v62, v11;
	v62 =	vshll.u32 v54, $0x7;
	v1 =	vld.idx.msk [tilespmem:v1+s17+$0x0], $0xffff;
	v57 =	vshrl.u32 v57, $0xF  }
0xbf: {  	v51 =	vor.u32 v27, v62;
	v4 =	vadd.f32 v12, v4;
	v12 =	vld.idx.msk [tilespmem:v19+s17+$0x0], $0xffff;
	[tilespmem:$0x1FDE0] =	vst v41;
	v19 =	vand.u32 $0x60, v57  }
0xc0: {  	v3 =	vadd.f32 $0.0e+00, v3;
	v8 =	vld [tilespmem:$0x1FE50];
	[tilespmem:$0x1FDF0] =	vst v45;
	v15 =	vmul.f32 v15, v41;
	v0 =	vor.u32 v51, v19  }
0xc1: {  	v4 =	vadd.f32 v21, v4;
	v21 =	vor.u32 $0xA, v0;
	v54 =	vld.idx.msk [tilespmem:v2+s17+$0x0], $0xffff;
	v2 =	vimm.s32 $0xE  }
0xc2: {  	v3 =	vadd.f32 v15, v3;
	v15 =	vor.u32 $0x9, v0;
	v2 =	vperm.xlane v5, v2;
	v5 =	vld.idx.msk [tilespmem:v22+s17+$0x0], $0xffff;
	[tilespmem:$0x1FE10] =	vst v36  }
0xc3: {  	v4 =	vadd.f32 v18, v4;
	v18 =	vor.u32 $0x3, v0;
	v60 =	vld.idx.msk [tilespmem:v60+s17+$0x0], $0xffff;
	[tilespmem:$0x1FE20] =	vst v49  }
0xc4: {  	v3 =	vadd.f32 v16, v3;
	v16 =	vor.u32 $0x2, v0;
	v59 =	vld.idx.msk [tilespmem:v59+s17+$0x0], $0xffff;
	[tilespmem:$0x1FE30] =	vst v2  }
0xc5: {  	v12 =	vmul.f32 v12, v49;
	v22 =	vmul.f32 v61, v36;
	v49 =	vor.u32 $0x4, v0;
	v61 =	vld.idx.msk [tilespmem:v0+s17+$0x0], $0xffff  }
0xc6: {  	v41 =	vmul.f32 v56, v45;
	v2 =	vmul.f32 v1, v2;
	v1 =	vor.u32 $0x17, v0;
	v45 =	vld.idx.msk [tilespmem:v21+s17+$0x0], $0xffff;
	[tilespmem:$0x1FE40] =	vst v50  }
0xc7: {  	v36 =	vld.idx.msk [tilespmem:v15+s17+$0x0], $0xffff  }
0xc8: {  	v19 =	vld.idx.msk [tilespmem:v18+s17+$0x0], $0xffff;
	[tilespmem:$0x1FE60] =	vst v25  }
0xc9: {  	v21 =	vld.idx.msk [tilespmem:v16+s17+$0x0], $0xffff;
	[tilespmem:$0x1FE70] =	vst v44  }
0xca: {  	v3 =	vadd.f32 v12, v3;
	v12 =	vmul.f32 v54, v50;
	v54 =	vld.idx.msk [tilespmem:v49+s17+$0x0], $0xffff  }
0xcb: {  	v15 =	vadd.f32 $0.0e+00, v8;
	v49 =	vld.idx.msk [tilespmem:v1+s17+$0x0], $0xffff  }
0xcc: {  	v53 =	vmul.f32 v24, v31;
	v24 =	vmul.f32 v20, v55;
	v4 =	vadd.f32 v17, v4;
	v1 =	vld [tilespmem:$0x1FE90]  }
0xcd: {  	v17 =	vor.u32 $0xF, v0;
	v5 =	vmul.f32 v5, v44;
	v13 =	vadd.f32 v13, v15  }
0xce: {  	v20 =	vmul.f32 v63, v33;
	v63 =	vor.u32 $0x1, v0;
	v3 =	vadd.f32 v12, v3  }
0xcf: {  	v12 =	vor.u32 $0x13, v0;
	v51 =	vmul.f32 v60, v25;
	v5 =	vadd.f32 v5, v13  }
0xd0: {  	v23 =	vmul.f32 v23, v35;
	v15 =	vor.u32 $0x5, v0;
	v60 =	vor.u32 $0xD, v0  }
0xd1: {  	v59 =	vmul.f32 v59, v10;
	v3 =	vadd.f32 v51, v3;
	v5 =	vadd.f32 v1, v5;
	v1 =	vld [tilespmem:$0x1FEB0]  }
0xd2: {  	v17 =	vld.idx.msk [tilespmem:v17+s17+$0x0], $0xffff;
	v13 =	vor.u32 $0x7, v0  }
0xd3: {  	v6 =	vadd.f32 v23, v6;
	v23 =	vor.u32 $0x8, v0;
	v63 =	vld.idx.msk [tilespmem:v63+s17+$0x0], $0xffff;
	v3 =	vadd.f32 v59, v3  }
0xd4: {  	v50 =	vor.u32 $0xC, v0;
	v16 =	vld.idx.msk [tilespmem:v12+s17+$0x0], $0xffff;
	[tilespmem:$0x1FEA0] =	vst v37  }
0xd5: {  	v8 =	vadd.f32 v2, v3;
	v3 =	vor.u32 $0x10, v0;
	v60 =	vld.idx.msk [tilespmem:v60+s17+$0x0], $0xffff  }
0xd6: {  	v61 =	vmul.f32 v61, v37;
	v15 =	vld.idx.msk [tilespmem:v15+s17+$0x0], $0xffff;
	[tilespmem:$0x1FEC0] =	vst v42;
	v5 =	vadd.f32 v1, v5;
	v1 =	vor.u32 $0x14, v0  }
0xd7: {  	v9 =	vmul.f32 v9, v32;
	v6 =	vadd.f32 v7, v6;
	v51 =	vor.u32 $0x11, v0;
	v37 =	vld.idx.msk [tilespmem:v13+s17+$0x0], $0xffff  }
0xd8: {  	v61 =	vadd.f32 $0.0e+00, v61;
	v7 =	vmul.f32 v54, v42;
	v2 =	vor.u32 $0x1B, v0;
	v23 =	vld.idx.msk [tilespmem:v23+s17+$0x0], $0xffff  }
0xd9: {  	v5 =	vadd.f32 v9, v5;
	v9 =	vld.idx.msk [tilespmem:v50+s17+$0x0], $0xffff;
	[tilespmem:$0x1FED0] =	vst v38  }
0xda: {  	v6 =	vadd.f32 v53, v6;
	v14 =	vadd.f32 v7, v61;
	v7 =	vor.u32 $0x15, v0;
	v11 =	vld.idx.msk [tilespmem:v3+s17+$0x0], $0xffff  }
0xdb: {  	v12 =	vld.idx.msk [tilespmem:v1+s17+$0x0], $0xffff;
	[tilespmem:$0x1FEE0] =	vst v43  }
0xdc: {  	v6 =	vadd.f32 v20, v6;
	v20 =	vor.u32 $0x19, v0;
	v44 =	vadd.f32 v58, v4;
	v4 =	vld.idx.msk [tilespmem:v51+s17+$0x0], $0xffff;
	[tilespmem:$0x1FEF0] =	vst v52  }
0xdd: {  	v5 =	vadd.f32 v24, v5;
	v24 =	vld.idx.msk [tilespmem:v2+s17+$0x0], $0xffff;
	[tilespmem:$0x1FF00] =	vst v40  }
0xde: {  	v54 =	vor.u32 $0x18, v0;
	[tilespmem:$0x1FF10] =	vst v28  }
0xdf: {  	v57 =	vor.u32 $0x12, v0;
	v13 =	vmul.f32 v63, v38;
	v18 =	vld.idx.msk [tilespmem:v7+s17+$0x0], $0xffff;
	[tilespmem:$0x1FF20] =	vst v30  }
0xe0: {  	v62 =	vor.u32 $0xE, v0;
	v6 =	vadd.f32 v41, v6;
	v1 =	vor.u32 $0x1D, v0;
	[tilespmem:$0x1FF30] =	vst v29  }
0xe1: {  	v56 =	vmovc v55;
	v41 =	vor.u32 $0x1E, v0;
	v59 =	vmul.f32 v17, v28;
	v13 =	vadd.f32 $0.0e+00, v13;
	v17 =	vld.idx.msk [tilespmem:v20+s17+$0x0], $0xffff;
	[tilespmem:$0x1FF40] =	vst v46  }
0xe2: {  	v53 =	vmovc v47;
	v15 =	vmul.f32 v15, v43;
	v5 =	vadd.f32 v22, v5;
	v22 =	vor.u32 $0x1C, v0;
	[tilespmem:$0x1FF50] =	vst v48  }
0xe3: {  	v25 =	vor.u32 $0x6, v0;
	v58 =	vmul.f32 v19, v40;
	v21 =	vmul.f32 v21, v46;
	v46 =	vld.idx.msk [tilespmem:v54+s17+$0x0], $0xffff;
	[tilespmem:$0x1FF60] =	vst v32  }
0xe4: {  	v61 =	vmovc v10;
	v19 =	vmul.f32 v60, v30;
	v38 =	vadd.f32 v15, v13;
	v3 =	vor.u32 $0x1F, v0;
	[tilespmem:$0x1FF70] =	vst v39  }
0xe5: {  	v13 =	vmul.f32 v45, v52;
	v9 =	vmul.f32 v9, v35;
	v15 =	vadd.f32 v5, v8;
	v2 =	vld.idx.msk [tilespmem:v1+s17+$0x0], $0xffff  }
0xe6: {  	v50 =	vmovc v10;
	v7 =	vmul.f32 v16, v29;
	v5 =	vmul.f32 v23, v48;
	v16 =	vadd.f32 v44, v6;
	v1 =	vld [tilespmem:$0x1FF80]  }
0xe7: {  	v51 =	vmovc v34;
	v8 =	vor.u32 $0xB, v0;
	v6 =	vmul.f32 v36, v39;
	v63 =	vmul.f32 v11, v34;
	v22 =	vld.idx.msk [tilespmem:v22+s17+$0x0], $0xffff  }
0xe8: {  	v52 =	vmovc v26;
	v11 =	vor.u32 $0x1A, v0;
	v20 =	vmul.f32 v49, v32;
	v23 =	vmul.f32 v4, v47;
	v4 =	vld.idx.msk [tilespmem:v25+s17+$0x0], $0xffff  }
0xe9: {  	v49 =	vmovc v31;
	v14 =	vadd.f32 v5, v14;
	v5 =	vmul.f32 v12, v31;
	v12 =	vor.u32 $0x16, v0;
	v0 =	vld.idx.msk [tilespmem:v3+s17+$0x0], $0xffff  }
0xea: {  	s5 =	simm.s32 $0x14788;
	v54 =	vmovc v35;
	v3 =	vld.idx.msk [tilespmem:v41+s17+$0x0], $0xffff;
	v60 =	vmul.f32 v24, v55;
	v55 =	vmov v33;
	v24 =	vmul.f32 v18, v26  }
0xeb: {  	s7 =	simm.s32 $0x20;
	s6 =	simm.s32 $0x14788;
	s9 =	simm.s32 $0x7468;
	v48 =	vmovc v1;
	v18 =	vmul.f32 v37, v1;
	v1 =	vadd.f32 v6, v38;
	v6 =	vmul.f32 v46, v33  }
.LBB2_3:
0xec: {  	v25 =	vld [tilespmem:$0x1FDC0];
	_ =	sdelay $0x2  }
0xed: {  	v10 =	vld [tilespmem:s9+$0x0]  }
0xee: {  	v16 =	vadd.f32 v15, v16;
	v1 =	vadd.f32 v19, v1;
	v19 =	vld.idx.msk [tilespmem:v62+s17+$0x0], $0xffff  }
0xef: {  	v25 =	vmul.f32 v17, v25;
	v17 =	vld [tilespmem:$0x1FDD0]  }
0xf0: {  	[tilespmem:s6+$0x0] =	vst v16;
	v16 =	vld [tilespmem:$0x1FE10];
	_ =	sdelay $0x3  }
0xf1: {  	s29 =	smov.u32 s7;
	v2 =	vmul.f32 v2, v17;
	v17 =	vmov v20;
	v20 =	vadd.f32 $0.0e+00, v21;
	v21 =	vld [tilespmem:$0x1FDE0]  }
0xf2: {  	v16 =	vmul.f32 v0, v16;
	v0 =	vmov s29  }
0xf3: {  	v10 =	vshrl.u32 v10, $0xF;
	v0 =	vshll.u32 v0, $0x7  }
0xf4: {  	v10 =	vand.u32 $0x60, v10;
	v0 =	vor.u32 v27, v0  }
0xf5: {  	v0 =	vor.u32 v0, v10;
	v10 =	vld [tilespmem:$0x1FE20]  }
0xf6: {  	v4 =	vmul.f32 v4, v21;
	_ =	sdelay $0x1  }
0xf7: {  	v4 =	vadd.f32 v4, v20;
	_ =	sdelay $0x1  }
0xf8: {  	v10 =	vmul.f32 v19, v10;
	v4 =	vadd.f32 v13, v4  }
0xf9: {  	v28 =	vld.idx.msk [tilespmem:v57+s17+$0x0], $0xffff  }
0xfa: {  	v4 =	vadd.f32 v10, v4;
	v10 =	vld [tilespmem:$0x1FE40];
	_ =	sdelay $0x4  }
0xfb: {  	v10 =	vmul.f32 v28, v10  }
0xfc: {  	v37 =	vld.idx.msk [tilespmem:v12+s17+$0x0], $0xffff  }
0xfd: {  	v4 =	vadd.f32 v10, v4;
	v10 =	vld [tilespmem:$0x1FE60];
	_ =	sdelay $0x1  }
0xfe: {  	v1 =	vadd.f32 v23, v1  }
0xff: {  	v23 =	vor.u32 $0x12, v0  }
0x100: {  	v1 =	vadd.f32 v24, v1;
	v24 =	vld.idx.msk [tilespmem:v8+s17+$0x0], $0xffff;
	v57 =	vmov v23;
	v23 =	vor.u32 $0x3, v0  }
0x101: {  	v10 =	vmul.f32 v37, v10;
	v37 =	vld [tilespmem:$0x1FE70];
	_ =	sdelay $0x2  }
0x102: {  	v15 =	vld [tilespmem:$0x1FDF0]  }
0x103: {  	v29 =	vor.u32 $0x7, v0;
	v23 =	vld.idx.msk [tilespmem:v23+s17+$0x0], $0xffff  }
0x104: {  	v19 =	vor.u32 $0x1, v0;
	v24 =	vmul.f32 v24, v37;
	v37 =	vld [tilespmem:$0x1FF00];
	_ =	sdelay $0x1  }
0x105: {  	v20 =	vld [tilespmem:$0x1FE30]  }
0x106: {  	v31 =	vld.idx.msk [tilespmem:v0+s17+$0x0], $0xffff  }
0x107: {  	v15 =	vmul.f32 v22, v15;
	v22 =	vor.u32 $0xA, v0;
	v4 =	vadd.f32 v10, v4;
	v10 =	vld.idx.msk [tilespmem:v29+s17+$0x0], $0xffff  }
0x108: {  	v13 =	vor.u32 $0x2, v0;
	v29 =	vadd.f32 $0.0e+00, v58;
	v58 =	vmul.f32 v23, v37;
	v23 =	vld.idx.msk [tilespmem:v19+s17+$0x0], $0xffff  }
0x109: {  	v19 =	vld [tilespmem:$0x1FEA0]  }
0x10a: {  	v3 =	vmul.f32 v3, v20;
	v20 =	vor.u32 $0xF, v0  }
0x10b: {  	v30 =	vld.idx.msk [tilespmem:v11+s17+$0x0], $0xffff;
	v1 =	vadd.f32 v25, v1  }
0x10c: {  	v22 =	vld.idx.msk [tilespmem:v22+s17+$0x0], $0xffff  }
0x10d: {  	v1 =	vadd.f32 v2, v1;
	v2 =	vld.idx.msk [tilespmem:v13+s17+$0x0], $0xffff  }
0x10e: {  	v34 =	vor.u32 $0x17, v0;
	v13 =	vld [tilespmem:$0x1FEF0];
	v19 =	vmul.f32 v31, v19  }
0x10f: {  	v33 =	vor.u32 $0x13, v0;
	v20 =	vld.idx.msk [tilespmem:v20+s17+$0x0], $0xffff  }
0x110: {  	v9 =	vadd.f32 v9, v14;
	v14 =	vadd.f32 $0.0e+00, v19;
	v19 =	vld [tilespmem:$0x1FF10]  }
0x111: {  	v47 =	vmov v27;
	v27 =	vor.u32 $0xD, v0;
	_ =	sdelay $0x1  }
0x112: {  	v30 =	vmul.f32 v30, v61;
	v34 =	vld.idx.msk [tilespmem:v34+s17+$0x0], $0xffff  }
0x113: {  	v21 =	vor.u32 $0x5, v0;
	v13 =	vmul.f32 v22, v13;
	v22 =	vld.idx.msk [tilespmem:v33+s17+$0x0], $0xffff  }
0x114: {  	v4 =	vadd.f32 v30, v4;
	v33 =	vmul.f32 v20, v19;
	v20 =	vld [tilespmem:$0x1FF40]  }
0x115: {  	v27 =	vld.idx.msk [tilespmem:v27+s17+$0x0], $0xffff  }
0x116: {  	v26 =	vor.u32 $0x9, v0;
	v3 =	vadd.f32 v3, v4;
	v4 =	vld [tilespmem:$0x1FF30]  }
0x117: {  	v38 =	vor.u32 $0x4, v0;
	v19 =	vld [tilespmem:$0x1FF20]  }
0x118: {  	v9 =	vadd.f32 v63, v9;
	v18 =	vadd.f32 v18, v29;
	v31 =	vld.idx.msk [tilespmem:v21+s17+$0x0], $0xffff  }
0x119: {  	v21 =	vmul.f32 v2, v20;
	v2 =	vld [tilespmem:$0x1FF60]  }
0x11a: {  	v5 =	vadd.f32 v5, v9;
	v9 =	vld [tilespmem:$0x1FF50];
	v39 =	vor.u32 $0x8, v0;
	v18 =	vadd.f32 v24, v18  }
0x11b: {  	v41 =	vor.u32 $0xC, v0;
	v43 =	vor.u32 $0x14, v0;
	v26 =	vld.idx.msk [tilespmem:v26+s17+$0x0], $0xffff  }
0x11c: {  	v29 =	vld.idx.msk [tilespmem:v38+s17+$0x0], $0xffff;
	v19 =	vmul.f32 v27, v19;
	v27 =	vmul.f32 v22, v4;
	v4 =	vadd.f32 v59, v18  }
0x11d: {  	v42 =	vor.u32 $0x10, v0;
	v18 =	vld [tilespmem:$0x1FED0]  }
0x11e: {  	v32 =	vor.u32 $0x11, v0;
	v20 =	vmul.f32 v34, v2;
	v2 =	vadd.f32 v7, v4;
	v4 =	vld [tilespmem:$0x1FEC0]  }
0x11f: {  	v25 =	vor.u32 $0x6, v0;
	v62 =	vor.u32 $0xE, v0;
	v8 =	vor.u32 $0xB, v0;
	v30 =	vld.idx.msk [tilespmem:v39+s17+$0x0], $0xffff  }
0x120: {  	v35 =	vor.u32 $0x15, v0;
	v36 =	vor.u32 $0x1B, v0;
	v40 =	vor.u32 $0x18, v0;
	v24 =	vld.idx.msk [tilespmem:v41+s17+$0x0], $0xffff  }
0x121: {  	v44 =	vor.u32 $0x1C, v0;
	v45 =	vor.u32 $0x1D, v0;
	v11 =	vor.u32 $0x1A, v0;
	v41 =	vld.idx.msk [tilespmem:v43+s17+$0x0], $0xffff  }
0x122: {  	v12 =	vor.u32 $0x16, v0;
	v46 =	vor.u32 $0x1F, v0;
	v28 =	vor.u32 $0x1E, v0;
	v22 =	vld.idx.msk [tilespmem:v42+s17+$0x0], $0xffff  }
0x123: {  	v0 =	vor.u32 $0x19, v0;
	v18 =	vmul.f32 v23, v18;
	v23 =	vld.idx.msk [tilespmem:v32+s17+$0x0], $0xffff;
	v4 =	vmul.f32 v29, v4  }
0x124: {  	v29 =	vmul.f32 v30, v9;
	v9 =	vld [tilespmem:$0x1FF70]  }
0x125: {  	v14 =	vadd.f32 v4, v14;
	v4 =	vld [tilespmem:$0x1FEE0]  }
0x126: {  	v7 =	vadd.f32 $0.0e+00, v18;
	v18 =	vld.idx.msk [tilespmem:v36+s17+$0x0], $0xffff;
	v2 =	vadd.f32 v17, v2  }
0x127: {  	v6 =	vadd.f32 v6, v5;
	v43 =	vld.idx.msk [tilespmem:v40+s17+$0x0], $0xffff  }
0x128: {  	v5 =	vmul.f32 v41, v49;
	v17 =	vld.idx.msk [tilespmem:v0+s17+$0x0], $0xffff;
	v0 =	vadd.f32 v60, v2  }
0x129: {  	p1 =	sne.s32 s7, $0xC0;
	v6 =	vadd.f32 v15, v6;
	v42 =	vld.idx.msk [tilespmem:v35+s17+$0x0], $0xffff;
	v63 =	vmul.f32 v22, v51;
	v26 =	vmul.f32 v26, v9  }
.Ltmp0:
0x12a: {  	v22 =	vld.idx.msk [tilespmem:v44+s17+$0x0], $0xffff;
	v16 =	vadd.f32 v16, v0;
	v9 =	vmul.f32 v24, v54;
	v24 =	vmul.f32 v31, v4;
	(pc) =	sbr.rel @p1 .LBB2_3-.Ltmp0, $4  }
0x12b: {  	v61 =	vmovc v50;
	v59 =	vmov v33;
	v2 =	vld.idx.msk [tilespmem:v45+s17+$0x0], $0xffff;
	v23 =	vmul.f32 v23, v53;
	v60 =	vmul.f32 v18, v56  }
0x12c: {  	v18 =	vmul.f32 v10, v48;
	v15 =	vadd.f32 v16, v3;
	v4 =	vld.idx.msk [tilespmem:v25+s17+$0x0], $0xffff;
	v25 =	vadd.f32 v24, v7  }
0x12d: {  	s5 =	sadd.s32 $0x10, s5;
	v0 =	vld.idx.msk [tilespmem:v46+s17+$0x0], $0xffff;
	v16 =	vadd.f32 v1, v6;
	v6 =	vmul.f32 v43, v55;
	v14 =	vadd.f32 v29, v14  }
0x12e: {  	s7 =	sadd.s32 $0x10, s7;
	s9 =	sadd.s32 $0x10, s9;
	s6 =	smov.u32 s5;
	v3 =	vld.idx.msk [tilespmem:v28+s17+$0x0], $0xffff;
	v24 =	vmul.f32 v42, v52;
	v7 =	vmovc v27;
	v27 =	vmov v47;
	v1 =	vadd.f32 v26, v25  }
0x12f: {  	_ =	sdelay $0x3  }
0x130: {  	v8 =	vld.idx.msk [tilespmem:v8+s17+$0x0], $0xffff  }
0x131: {  	v10 =	vld.idx.msk [tilespmem:v62+s17+$0x0], $0xffff  }
0x132: {  	v25 =	vld [tilespmem:$0x1FDE0]  }
0x133: {  	v50 =	vld [tilespmem:$0x1FE70]  }
0x134: {  	v12 =	vld.idx.msk [tilespmem:v12+s17+$0x0], $0xffff  }
0x135: {  	v51 =	vld [tilespmem:$0x1FE20]  }
0x136: {  	v26 =	vadd.f32 $0.0e+00, v58;
	v11 =	vld.idx.msk [tilespmem:v11+s17+$0x0], $0xffff  }
0x137: {  	v21 =	vadd.f32 $0.0e+00, v21;
	v52 =	vld [tilespmem:$0x1FE40];
	v4 =	vmul.f32 v4, v25  }
0x138: {  	v18 =	vadd.f32 v18, v26;
	v25 =	vld.idx.msk [tilespmem:v57+s17+$0x0], $0xffff;
	v8 =	vmul.f32 v8, v50  }
0x139: {  	v54 =	vld [tilespmem:$0x1FE60];
	v4 =	vadd.f32 v4, v21  }
0x13a: {  	v9 =	vadd.f32 v9, v14;
	v55 =	vld [tilespmem:$0x1FDD0];
	v8 =	vadd.f32 v8, v18  }
0x13b: {  	v53 =	vld [tilespmem:$0x1FDC0];
	v1 =	vadd.f32 v19, v1;
	v10 =	vmul.f32 v10, v51;
	v4 =	vadd.f32 v13, v4  }
0x13c: {  	v58 =	vld [tilespmem:$0x1FE30];
	v9 =	vadd.f32 v63, v9;
	v8 =	vadd.f32 v59, v8  }
0x13d: {  	v1 =	vadd.f32 v23, v1;
	v59 =	vld [tilespmem:$0x1FE10];
	v4 =	vadd.f32 v10, v4;
	v10 =	vmul.f32 v25, v52  }
0x13e: {  	v5 =	vadd.f32 v5, v9;
	v57 =	vld [tilespmem:$0x1FDF0];
	v7 =	vadd.f32 v7, v8  }
0x13f: {  	v2 =	vmul.f32 v2, v55;
	v4 =	vadd.f32 v10, v4;
	v10 =	vmul.f32 v12, v54  }
0x140: {  	v1 =	vadd.f32 v24, v1;
	v13 =	vmul.f32 v17, v53;
	v7 =	vadd.f32 v20, v7  }
0x141: {  	v56 =	vmul.f32 v11, v61;
	v3 =	vmul.f32 v3, v58;
	v4 =	vadd.f32 v10, v4  }
0x142: {  	v1 =	vadd.f32 v13, v1;
	v0 =	vmul.f32 v0, v59;
	v7 =	vadd.f32 v60, v7  }
0x143: {  	v5 =	vadd.f32 v6, v5;
	v10 =	vmul.f32 v22, v57;
	v4 =	vadd.f32 v56, v4  }
0x144: {  	v1 =	vadd.f32 v2, v1;
	v0 =	vadd.f32 v0, v7  }
0x145: {  	v62 =	vadd.f32 v10, v5;
	v61 =	vadd.f32 v3, v4;
	_ =	sdelay $0x1  }
0x146: {  	s7 =	smul.u32 $0x190, s0;
	p1 =	seq.s32 s0, $0x3F;
	v1 =	vadd.f32 v1, v62;
	v0 =	vadd.f32 v0, v61  }
.Ltmp1:
0x147: {  	v63 =	vadd.f32 v15, v16;
	(pc) =	sbr.rel @p1 .LBB2_6-.Ltmp1, $4  }
0x148: {  	s7 =	sadd.s32 s8, s7;
	v0 =	vadd.f32 v0, v1  }
0x149: {  	s5 =	sadd.s32 $0x10, s5;
	s9 =	sshrl.u32 s7, $0x3;
	[tilespmem:s6+$0x0] =	vst v63  }
0x14a: {  	s29 =	sadd.s32 s2, s9;
	[tilespmem:s5+$0x0] =	vst v0  }
0x14b: {  	[hbm4b:s29+s3] =	stream.linear.scatter [tilespmem:s25], [sflag:$0x3], $0xC8, $0x38;
	[tilespmem:$0x14928] =	vst v63  }
0x14c: {  	s5 =	sadd.s32 $0x2, s10  }
0x14d: {  	v0 =	vmov s5  }
0x14e: {  	v4 =	vlaneseq.u32;
	v1 =	vshll.u32 v0, $0x7  }
0x14f: {  	v2 =	vor.u32 v4, v1;
	_ =	sdelay $0x1  }
0x150: {  	v5 =	vld [tilespmem:$0x1FF90];
	_ =	sdelay $0x2  }
0x151: {  	v2 =	vld.idx.msk [tilespmem:v2+s13+$0x0], $0xffff;
	_ =	sdelay $0x1  }
0x152: {  	v3 =	vor.u32 v5, v1;
	_ =	sdelay $0x1  }
0x153: {  	v6 =	vld [tilespmem:$0x1FFA0]  }
0x154: {  	[tilespmem:$0x7448] =	vst v2;
	v2 =	vand.u32 $0xFFFFF, v2  }
0x155: {  	[tilespmem:$0x75E8] =	vst v2  }
0x156: {  	v2 =	vld.idx.msk [tilespmem:v3+s13+$0x0], $0xffff;
	_ =	sdelay $0x1  }
0x157: {  	v54 =	vor.u32 v6, v1;
	_ =	sdelay $0x1  }
0x158: {  	v7 =	vld [tilespmem:$0x1FFB0]  }
0x159: {  	[tilespmem:$0x7458] =	vst v2;
	v2 =	vand.u32 $0xFFFFF, v2  }
0x15a: {  	[tilespmem:$0x75F8] =	vst v2  }
0x15b: {  	v2 =	vld.idx.msk [tilespmem:v54+s13+$0x0], $0xffff;
	_ =	sdelay $0x1  }
0x15c: {  	v55 =	vor.u32 v7, v1;
	_ =	sdelay $0x1  }
0x15d: {  	v8 =	vld [tilespmem:$0x1FFC0]  }
0x15e: {  	[tilespmem:$0x7468] =	vst v2;
	v2 =	vand.u32 $0xFFFFF, v2  }
0x15f: {  	[tilespmem:$0x7608] =	vst v2  }
0x160: {  	v2 =	vld.idx.msk [tilespmem:v55+s13+$0x0], $0xffff;
	_ =	sdelay $0x1  }
0x161: {  	v56 =	vor.u32 v8, v1;
	_ =	sdelay $0x1  }
0x162: {  	v57 =	vld [tilespmem:$0x1FFD0]  }
0x163: {  	[tilespmem:$0x7478] =	vst v2;
	v2 =	vand.u32 $0xFFFFF, v2  }
0x164: {  	[tilespmem:$0x7618] =	vst v2  }
0x165: {  	v2 =	vld.idx.msk [tilespmem:v56+s13+$0x0], $0xffff;
	_ =	sdelay $0x1  }
0x166: {  	v3 =	vor.u32 v57, v1;
	_ =	sdelay $0x1  }
0x167: {  	v58 =	vld [tilespmem:$0x1FFE0]  }
0x168: {  	[tilespmem:$0x7488] =	vst v2;
	v2 =	vand.u32 $0xFFFFF, v2  }
0x169: {  	[tilespmem:$0x7628] =	vst v2  }
0x16a: {  	v2 =	vld.idx.msk [tilespmem:v3+s13+$0x0], $0xffff;
	_ =	sdelay $0x1  }
0x16b: {  	v3 =	vor.u32 v58, v1;
	_ =	sdelay $0x1  }
0x16c: {  	v59 =	vld [tilespmem:$0x1FFF0]  }
0x16d: {  	[tilespmem:$0x7498] =	vst v2;
	v2 =	vand.u32 $0xFFFFF, v2  }
0x16e: {  	[tilespmem:$0x7638] =	vst v2  }
0x16f: {  	v2 =	vld.idx.msk [tilespmem:v3+s13+$0x0], $0xffff;
	_ =	sdelay $0x1  }
0x170: {  	v1 =	vor.u32 v59, v1;
	_ =	sdelay $0x2  }
0x171: {  	[tilespmem:$0x74A8] =	vst v2;
	v2 =	vand.u32 $0xFFFFF, v2  }
0x172: {  	[tilespmem:$0x7648] =	vst v2  }
0x173: {  	v0 =	vmul.u32 $0x48, v0;
	v1 =	vld.idx.msk [tilespmem:v1+s13+$0x0], $0xffff;
	_ =	sdelay $0x1  }
0x174: {  	v60 =	vor.u32 v4, v0;
	_ =	sdelay $0x2  }
0x175: {  	[tilespmem:$0x74B8] =	vst v1;
	v1 =	vand.u32 $0xFFFFF, v1  }
0x176: {  	[tilespmem:$0x7658] =	vst v1  }
0x177: {  	v1 =	vld.idx.msk [tilespmem:v60+s15+$0x0], $0xffff;
	_ =	sdelay $0x1  }
0x178: {  	v61 =	vadd.s32 v5, v0;
	_ =	sdelay $0x2  }
0x179: {  	[tilespmem:$0x74C8] =	vst v1;
	v1 =	vand.u32 $0xFFFFF, v1  }
0x17a: {  	[tilespmem:$0x7668] =	vst v1  }
0x17b: {  	v1 =	vld.idx.msk [tilespmem:v61+s15+$0x0], $0xffff;
	_ =	sdelay $0x1  }
0x17c: {  	v62 =	vadd.s32 v6, v0;
	_ =	sdelay $0x2  }
0x17d: {  	[tilespmem:$0x74D8] =	vst v1;
	v1 =	vand.u32 $0xFFFFF, v1  }
0x17e: {  	[tilespmem:$0x7678] =	vst v1  }
0x17f: {  	v1 =	vld.idx.msk [tilespmem:v62+s15+$0x0], $0xffff;
	_ =	sdelay $0x1  }
0x180: {  	v63 =	vadd.s32 v7, v0;
	_ =	sdelay $0x2  }
0x181: {  	[tilespmem:$0x74E8] =	vst v1;
	v1 =	vand.u32 $0xFFFFF, v1  }
0x182: {  	[tilespmem:$0x7688] =	vst v1  }
0x183: {  	v1 =	vld.idx.msk [tilespmem:v63+s15+$0x0], $0xffff;
	_ =	sdelay $0x1  }
0x184: {  	v0 =	vadd.s32 v8, v0;
	_ =	sdelay $0x2  }
0x185: {  	[tilespmem:$0x74F8] =	vst v1;
	v1 =	vand.u32 $0xFFFFF, v1  }
0x186: {  	[tilespmem:$0x7698] =	vst v1  }
0x187: {  	v0 =	vld.idx.msk [tilespmem:v0+s15+$0x0], $0xffff;
	_ =	sdelay $0x4  }
0x188: {  	[tilespmem:$0x7508] =	vst v0;
	v0 =	vand.u32 $0xFFFFF, v0  }
0x189: {  	[tilespmem:$0x76A8] =	vst v0  }
0x18a: {  	[tilespmem:s17], [sflag:$0x1] =	stream.indirect.gather [hbm4b:s4+s11], $0x80, s16, s11, $0xb8;
	[tilespmem:$0x14928] =	vst v63  }
0x18b: {  	_ = 	snop  }
0x18c: {  	[tilespmem:s19], [sflag:$0x1] =	stream.indirect.gather [hbm4b:s4+s14], $0x80, s18, s14, $0xb8;
	[tilespmem:$0x14928] =	vst v63  }
.LBB2_6:
0x18d: {  	_ =	swait.ge [sflag:s26], $0x4000  }
0x18e: {  	[sflag:s26] =	ssyncset.done $0x0  }
0x18f: {  	[sflag:s26] =	ssyncadd.s32 $0xFFFFC000  }
0x190: {  	_ =	swait.ge [sflag:s26], $0x2400  }
0x191: {  	[sflag:s26] =	ssyncset.done $0x0  }
0x192: {  	s5 =	simm.s32 @!p0 $0x4;
	[sflag:s26] =	ssyncadd.s32 $0xFFFFDC00  }
0x193: {  	_ =	swait.ge @!p0 [sflag:s5], $0xC8  }
0x194: {  	v1 =	vld [tilespmem:$0x1FF90];
	_ =	sdelay $0x3  }
0x195: {  	s6 =	sshll.u32 s1, $0x5;
	[sflag:s5] =	ssyncset.done @!p0 $0x0  }
0x196: {  	s9 =	simm.s32 $0x7518;
	[sflag:s5] =	ssyncadd.s32 @!p0 $0xFFFFFF38;
	v1 =	vor.u32 s6, v1  }
0x197: {  	v0 =	vlaneseq.u32;
	v2 =	vld [tilespmem:s9+$0x0]  }
0x198: {  	v0 =	vor.u32 s6, v0;
	_ =	sdelay $0x1  }
0x199: {  	s10 =	simm.s32 $0x0;
	v13 =	vimm.s32 $0x0;
	v18 =	vimm.s32 $0x8  }
0x19a: {  	v21 =	vimm.s32 $0x9;
	v20 =	vimm.s32 $0x4;
	v5 =	vld.idx.msk [tilespmem:v1+s10+$0x0], $0xffff;
	v1 =	vmov s10  }
0x19b: {  	v52 =	vimm.s32 $0xC;
	v2 =	vshrl.u32 v2, $0xF;
	v1 =	vshll.u32 v1, $0x7  }
0x19c: {  	v56 =	vimm.s32 $0xD;
	v0 =	vld.idx.msk [tilespmem:v0+s10+$0x0], $0xffff;
	v2 =	vand.u32 $0x60, v2;
	v1 =	vor.u32 v27, v1  }
0x19d: {  	v57 =	vimm.s32 $0xE;
	v25 =	vimm.s32 $0xF;
	v1 =	vor.u32 v1, v2  }
0x19e: {  	v49 =	vimm.s32 $0x5;
	v50 =	vimm.s32 $0x6;
	v4 =	vor.u32 $0xC, v1  }
0x19f: {  	v45 =	vimm.s32 $0x1;
	v48 =	vimm.s32 $0x7;
	v7 =	vor.u32 $0x4, v1  }
0x1a0: {  	v46 =	vimm.s32 $0x2;
	v47 =	vimm.s32 $0x3;
	v9 =	vor.u32 $0x1, v1  }
0x1a1: {  	v22 =	vperm.xlane v0, v13;
	v34 =	vperm.xlane v0, v52;
	v11 =	vor.u32 $0x5, v1  }
0x1a2: {  	v33 =	vperm.xlane v0, v56;
	v54 =	vperm.xlane v0, v57;
	v14 =	vor.u32 $0x2, v1;
	v12 =	vld.idx.msk [tilespmem:v1+s21+$0x0], $0xffff  }
0x1a3: {  	v36 =	vperm.xlane v0, v18;
	v55 =	vperm.xlane v0, v25;
	v16 =	vor.u32 $0x3, v1;
	v4 =	vld.idx.msk [tilespmem:v4+s21+$0x0], $0xffff  }
0x1a4: {  	v53 =	vperm.xlane v0, v21;
	v30 =	vperm.xlane v0, v20;
	v17 =	vor.u32 $0x6, v1;
	v7 =	vld.idx.msk [tilespmem:v7+s21+$0x0], $0xffff  }
0x1a5: {  	v29 =	vperm.xlane v0, v49;
	v28 =	vperm.xlane v0, v50;
	v62 =	vor.u32 $0x7, v1;
	v9 =	vld.idx.msk [tilespmem:v9+s21+$0x0], $0xffff  }
0x1a6: {  	v24 =	vperm.xlane v0, v45;
	v26 =	vperm.xlane v0, v48;
	v19 =	vor.u32 $0x8, v1;
	v11 =	vld.idx.msk [tilespmem:v11+s21+$0x0], $0xffff  }
0x1a7: {  	v58 =	vmovc v27;
	v37 =	vperm.xlane v0, v47;
	v27 =	vperm.xlane v0, v46;
	v63 =	vor.u32 $0x9, v1;
	v14 =	vld.idx.msk [tilespmem:v14+s21+$0x0], $0xffff  }
0x1a8: {  	v3 =	vor.u32 $0x1D, v1;
	v6 =	vor.u32 $0x18, v1;
	v8 =	vor.u32 $0x19, v1;
	v16 =	vld.idx.msk [tilespmem:v16+s21+$0x0], $0xffff  }
0x1a9: {  	v51 =	vor.u32 $0xA, v1;
	v31 =	vperm.xlane v5, v18;
	v59 =	vperm.xlane v5, v21;
	v17 =	vld.idx.msk [tilespmem:v17+s21+$0x0], $0xffff  }
0x1aa: {  	v15 =	vor.u32 $0x11, v1;
	v60 =	vperm.xlane v5, v20;
	v35 =	vperm.xlane v5, v13;
	v18 =	vld.idx.msk [tilespmem:v62+s21+$0x0], $0xffff;
	[tilespmem:$0x1FD90] =	vst v24  }
0x1ab: {  	v61 =	vor.u32 $0xB, v1;
	v48 =	vperm.xlane v5, v48;
	v56 =	vperm.xlane v5, v56;
	v19 =	vld.idx.msk [tilespmem:v19+s21+$0x0], $0xffff  }
0x1ac: {  	v23 =	vor.u32 $0xD, v1;
	v20 =	vld.idx.msk [tilespmem:v63+s21+$0x0], $0xffff;
	v12 =	vmul.f32 v12, v22;
	v9 =	vmul.f32 v9, v24  }
0x1ad: {  	v13 =	vor.u32 $0x10, v1;
	[tilespmem:$0x1FDA0] =	vst v27;
	v7 =	vmul.f32 v7, v30;
	v11 =	vmul.f32 v11, v29  }
0x1ae: {  	v21 =	vld.idx.msk [tilespmem:v51+s21+$0x0], $0xffff;
	v51 =	vimm.s32 $0xA;
	v14 =	vmul.f32 v14, v27;
	v16 =	vmul.f32 v16, v37  }
0x1af: {  	v24 =	vor.u32 $0xE, v1;
	v17 =	vmul.f32 v17, v28;
	v27 =	vperm.xlane v0, v51  }
0x1b0: {  	v32 =	vmovc v22;
	v18 =	vmul.f32 v18, v26;
	v4 =	vmul.f32 v4, v34;
	v12 =	vadd.f32 $0.0e+00, v12  }
0x1b1: {  	v22 =	vld.idx.msk [tilespmem:v61+s21+$0x0], $0xffff;
	[tilespmem:$0x1FDB0] =	vst v28;
	v19 =	vmul.f32 v19, v36;
	v20 =	vmul.f32 v20, v53;
	v9 =	vadd.f32 $0.0e+00, v9  }
0x1b2: {  	v13 =	vld.idx.msk [tilespmem:v13+s21+$0x0], $0xffff;
	v16 =	vadd.f32 $0.0e+00, v16;
	v7 =	vadd.f32 v7, v12;
	v12 =	vor.u32 $0xF, v1  }
0x1b3: {  	v40 =	vmovc v29;
	v14 =	vadd.f32 $0.0e+00, v14;
	v9 =	vadd.f32 v11, v9;
	v11 =	vld.idx.msk [tilespmem:v23+s21+$0x0], $0xffff;
	v23 =	vimm.s32 $0xB  }
0x1b4: {  	v29 =	vmovc v26;
	v15 =	vld.idx.msk [tilespmem:v15+s21+$0x0], $0xffff;
	v26 =	vperm.xlane v0, v23;
	v0 =	vadd.f32 v18, v16;
	v16 =	vor.u32 $0x13, v1  }
0x1b5: {  	v39 =	vmovc v53;
	v10 =	vor.u32 $0x14, v1;
	v6 =	vld.idx.msk [tilespmem:v6+s21+$0x0], $0xffff;
	v53 =	vperm.xlane v5, v45;
	v45 =	vperm.xlane v5, v46  }
0x1b6: {  	v44 =	vmovc v37;
	v8 =	vld.idx.msk [tilespmem:v8+s21+$0x0], $0xffff;
	v46 =	vperm.xlane v5, v47;
	v14 =	vadd.f32 v17, v14;
	v17 =	vor.u32 $0x12, v1  }
0x1b7: {  	v63 =	vor.u32 $0x15, v1;
	v37 =	vmovc v34;
	v47 =	vperm.xlane v5, v50;
	v50 =	vperm.xlane v5, v57;
	v12 =	vld.idx.msk [tilespmem:v12+s21+$0x0], $0xffff  }
0x1b8: {  	v34 =	vmovc v33;
	v62 =	vld.idx.msk [tilespmem:v24+s21+$0x0], $0xffff;
	v7 =	vadd.f32 v19, v7;
	v11 =	vmul.f32 v11, v33;
	v33 =	vor.u32 $0x16, v1  }
0x1b9: {  	v61 =	vor.u32 $0x17, v1;
	v21 =	vmul.f32 v21, v27;
	v13 =	vmul.f32 v13, v35;
	v16 =	vld.idx.msk [tilespmem:v16+s21+$0x0], $0xffff  }
0x1ba: {  	v9 =	vadd.f32 v20, v9;
	v22 =	vmul.f32 v22, v26;
	v4 =	vadd.f32 v4, v7;
	v7 =	vld.idx.msk [tilespmem:v10+s21+$0x0], $0xffff  }
0x1bb: {  	v2 =	vor.u32 $0x1C, v1;
	v15 =	vmul.f32 v15, v53;
	v14 =	vadd.f32 v21, v14;
	v43 =	vmovc v26;
	v17 =	vld.idx.msk [tilespmem:v17+s21+$0x0], $0xffff  }
0x1bc: {  	v0 =	vadd.f32 v22, v0;
	v9 =	vadd.f32 v11, v9;
	v11 =	vld.idx.msk [tilespmem:v63+s21+$0x0], $0xffff;
	v10 =	vmul.f32 v12, v55  }
0x1bd: {  	v26 =	vmovc v54;
	v4 =	vadd.f32 v13, v4;
	v18 =	vmul.f32 v62, v54;
	v12 =	vor.u32 $0x1A, v1;
	v62 =	vld.idx.msk [tilespmem:v33+s21+$0x0], $0xffff  }
0x1be: {  	v54 =	vperm.xlane v5, v49;
	v0 =	vadd.f32 v10, v0;
	v10 =	vld.idx.msk [tilespmem:v61+s21+$0x0], $0xffff;
	v13 =	vmul.f32 v16, v46  }
0x1bf: {  	v3 =	vld.idx.msk [tilespmem:v3+s21+$0x0], $0xffff;
	v14 =	vadd.f32 v18, v14;
	v9 =	vadd.f32 v15, v9;
	v15 =	vor.u32 $0x1B, v1  }
0x1c0: {  	v17 =	vmul.f32 v17, v45;
	v0 =	vadd.f32 v13, v0;
	v13 =	vor.u32 $0x1E, v1  }
0x1c1: {  	v2 =	vld.idx.msk [tilespmem:v2+s21+$0x0], $0xffff;
	v6 =	vmul.f32 v6, v31;
	v7 =	vmul.f32 v7, v60;
	v1 =	vor.u32 $0x1F, v1  }
0x1c2: {  	s5 =	simm.s32 $0x7528;
	v14 =	vadd.f32 v17, v14;
	v11 =	vmul.f32 v11, v54;
	v12 =	vld.idx.msk [tilespmem:v12+s21+$0x0], $0xffff;
	v63 =	vmul.f32 v62, v47  }
0x1c3: {  	v8 =	vmul.f32 v8, v59;
	v4 =	vadd.f32 v7, v4;
	v7 =	vmul.f32 v10, v48;
	v10 =	vld [tilespmem:s5+$0x0]  }
0x1c4: {  	v3 =	vmul.f32 v3, v56;
	v9 =	vadd.f32 v11, v9;
	v11 =	vadd.f32 v63, v14;
	v14 =	vld.idx.msk [tilespmem:v15+s21+$0x0], $0xffff  }
0x1c5: {  	s29 =	simm.s32 $0x10;
	v49 =	vperm.xlane v5, v51;
	v51 =	vperm.xlane v5, v25;
	v0 =	vadd.f32 v7, v0;
	v7 =	vld.idx.msk [tilespmem:v13+s21+$0x0], $0xffff  }
0x1c6: {  	v4 =	vadd.f32 v6, v4;
	v6 =	vadd.f32 v8, v9;
	v8 =	vmov s29;
	v1 =	vld.idx.msk [tilespmem:v1+s21+$0x0], $0xffff  }
0x1c7: {  	v28 =	vmovc v55;
	v55 =	vperm.xlane v5, v52;
	v52 =	vperm.xlane v5, v23;
	v8 =	vshll.u32 v8, $0x7  }
0x1c8: {  	v5 =	vor.u32 v58, v8;
	v12 =	vmul.f32 v12, v49;
	v8 =	vshrl.u32 v10, $0xF  }
0x1c9: {  	v2 =	vmul.f32 v2, v55;
	v10 =	vmul.f32 v14, v52;
	v8 =	vand.u32 $0x60, v8  }
0x1ca: {  	v9 =	vadd.f32 v12, v11;
	v7 =	vmul.f32 v7, v50;
	v5 =	vor.u32 v5, v8  }
0x1cb: {  	v1 =	vmul.f32 v1, v51;
	v0 =	vadd.f32 v10, v0;
	v10 =	vor.u32 $0x1C, v5  }
0x1cc: {  	v2 =	vadd.f32 v2, v4;
	v3 =	vadd.f32 v3, v6;
	v4 =	vor.u32 $0x1D, v5  }
0x1cd: {  	v11 =	vor.u32 $0x18, v5;
	v6 =	vadd.f32 v7, v9;
	v0 =	vadd.f32 v1, v0  }
0x1ce: {  	v13 =	vor.u32 $0x19, v5  }
0x1cf: {  	v1 =	vadd.f32 v3, v2;
	v0 =	vadd.f32 v0, v6;
	v8 =	vld.idx.msk [tilespmem:v5+s21+$0x0], $0xffff  }
0x1d0: {  	v9 =	vld.idx.msk [tilespmem:v10+s21+$0x0], $0xffff  }
0x1d1: {  	v41 =	vmovc v30;
	v38 =	vmov v36;
	v36 =	vmov v35;
	v7 =	vld.idx.msk [tilespmem:v4+s21+$0x0], $0xffff;
	v0 =	vadd.f32 v0, v1  }
0x1d2: {  	s10 =	simm.s32 $0x14858;
	v42 =	vmovc v27;
	v27 =	vmovc v58;
	v35 =	vmov v60;
	v3 =	vor.u32 $0x14, v5;
	v2 =	vor.u32 $0x11, v5;
	v12 =	vld.idx.msk [tilespmem:v11+s21+$0x0], $0xffff  }
0x1d3: {  	s6 =	simm.s32 $0x20;
	v33 =	vmovc v31;
	v31 =	vmovc v59;
	v4 =	vor.u32 $0x10, v5;
	v11 =	vld.idx.msk [tilespmem:v13+s21+$0x0], $0xffff;
	v1 =	vor.u32 $0x15, v5;
	[tilespmem:s10+$0x0] =	vst v0;
	v0 =	vor.u32 $0xC, v5  }
.LBB2_7:
0x1d4: {  	_ =	sdelay $0x2  }
0x1d5: {  	v3 =	vld.idx.msk [tilespmem:v3+s21+$0x0], $0xffff  }
0x1d6: {  	v1 =	vld.idx.msk [tilespmem:v1+s21+$0x0], $0xffff  }
0x1d7: {  	v6 =	vor.u32 $0xD, v5;
	v4 =	vld.idx.msk [tilespmem:v4+s21+$0x0], $0xffff  }
0x1d8: {  	v10 =	vor.u32 $0x8, v5;
	v2 =	vld.idx.msk [tilespmem:v2+s21+$0x0], $0xffff  }
0x1d9: {  	v13 =	vor.u32 $0x9, v5;
	v0 =	vld.idx.msk [tilespmem:v0+s21+$0x0], $0xffff  }
0x1da: {  	v14 =	vor.u32 $0x4, v5;
	v25 =	vld [tilespmem:$0x1FD90]  }
0x1db: {  	v15 =	vor.u32 $0x5, v5;
	v30 =	vld [tilespmem:$0x1FDA0]  }
0x1dc: {  	v18 =	vor.u32 $0x2, v5;
	v17 =	vld.idx.msk [tilespmem:v6+s21+$0x0], $0xffff  }
0x1dd: {  	v16 =	vor.u32 $0x1, v5;
	v10 =	vld.idx.msk [tilespmem:v10+s21+$0x0], $0xffff  }
0x1de: {  	v19 =	vor.u32 $0x3, v5;
	v20 =	vor.u32 $0x6, v5;
	v21 =	vor.u32 $0x1E, v5;
	v13 =	vld.idx.msk [tilespmem:v13+s21+$0x0], $0xffff  }
0x1df: {  	v22 =	vor.u32 $0x7, v5;
	v23 =	vor.u32 $0x1A, v5;
	v24 =	vor.u32 $0x1F, v5;
	v14 =	vld.idx.msk [tilespmem:v14+s21+$0x0], $0xffff  }
0x1e0: {  	v57 =	vor.u32 $0xA, v5;
	v58 =	vor.u32 $0xB, v5;
	v59 =	vor.u32 $0xE, v5;
	v15 =	vld.idx.msk [tilespmem:v15+s21+$0x0], $0xffff  }
0x1e1: {  	v60 =	vor.u32 $0xF, v5;
	v8 =	vmul.f32 v8, v32;
	v9 =	vmul.f32 v9, v55;
	v18 =	vld.idx.msk [tilespmem:v18+s21+$0x0], $0xffff  }
0x1e2: {  	v61 =	vor.u32 $0x12, v5;
	v12 =	vmul.f32 v12, v33;
	v7 =	vmul.f32 v7, v56;
	v16 =	vld.idx.msk [tilespmem:v16+s21+$0x0], $0xffff  }
0x1e3: {  	v62 =	vor.u32 $0x13, v5;
	v11 =	vmul.f32 v11, v31;
	v19 =	vld.idx.msk [tilespmem:v19+s21+$0x0], $0xffff;
	v3 =	vmul.f32 v3, v35  }
0x1e4: {  	v63 =	vor.u32 $0x16, v5;
	v20 =	vld.idx.msk [tilespmem:v20+s21+$0x0], $0xffff;
	v4 =	vmul.f32 v4, v36;
	v1 =	vmul.f32 v1, v54  }
0x1e5: {  	v6 =	vmov s6;
	v22 =	vld.idx.msk [tilespmem:v22+s21+$0x0], $0xffff;
	v0 =	vmul.f32 v0, v37;
	v2 =	vmul.f32 v2, v53  }
0x1e6: {  	v8 =	vadd.f32 $0.0e+00, v8;
	v10 =	vmul.f32 v10, v38;
	v18 =	vmul.f32 v18, v30;
	v30 =	vld [tilespmem:$0x1FDB0]  }
0x1e7: {  	v57 =	vld.idx.msk [tilespmem:v57+s21+$0x0], $0xffff;
	v6 =	vshll.u32 v6, $0x7;
	v17 =	vmul.f32 v17, v34;
	v14 =	vmul.f32 v14, v41  }
0x1e8: {  	v58 =	vld.idx.msk [tilespmem:v58+s21+$0x0], $0xffff;
	v6 =	vor.u32 v27, v6;
	v13 =	vmul.f32 v13, v39;
	v16 =	vmul.f32 v16, v25  }
0x1e9: {  	v60 =	vld.idx.msk [tilespmem:v60+s21+$0x0], $0xffff;
	v15 =	vmul.f32 v15, v40;
	v25 =	vor.u32 $0x17, v5;
	v19 =	vmul.f32 v19, v44  }
0x1ea: {  	v59 =	vld.idx.msk [tilespmem:v59+s21+$0x0], $0xffff;
	v5 =	vor.u32 $0x1B, v5;
	v22 =	vmul.f32 v22, v29;
	v16 =	vadd.f32 $0.0e+00, v16  }
0x1eb: {  	v62 =	vld.idx.msk [tilespmem:v62+s21+$0x0], $0xffff;
	v18 =	vadd.f32 $0.0e+00, v18;
	v19 =	vadd.f32 $0.0e+00, v19;
	v20 =	vmul.f32 v20, v30  }
0x1ec: {  	v61 =	vld.idx.msk [tilespmem:v61+s21+$0x0], $0xffff;
	v8 =	vadd.f32 v14, v8;
	v14 =	vadd.f32 v15, v16;
	v15 =	vmul.f32 v57, v42  }
0x1ed: {  	v16 =	vld.idx.msk [tilespmem:v63+s21+$0x0], $0xffff;
	v19 =	vadd.f32 v22, v19;
	v57 =	vmul.f32 v58, v43;
	v18 =	vadd.f32 v20, v18  }
0x1ee: {  	v60 =	vmul.f32 v60, v28;
	v8 =	vadd.f32 v10, v8;
	v58 =	vld.idx.msk [tilespmem:v25+s21+$0x0], $0xffff;
	v10 =	vadd.f32 v13, v14  }
0x1ef: {  	v5 =	vld.idx.msk [tilespmem:v5+s21+$0x0], $0xffff;
	v13 =	vmul.f32 v59, v26;
	v59 =	vadd.f32 v57, v19;
	v15 =	vadd.f32 v15, v18  }
0x1f0: {  	v62 =	vmul.f32 v62, v46;
	v14 =	vld.idx.msk [tilespmem:v23+s21+$0x0], $0xffff;
	v0 =	vadd.f32 v0, v8;
	v8 =	vadd.f32 v17, v10  }
0x1f1: {  	v10 =	vmul.f32 v61, v45;
	v61 =	vld.idx.msk [tilespmem:v21+s21+$0x0], $0xffff;
	v13 =	vadd.f32 v13, v15;
	v15 =	vadd.f32 v60, v59  }
0x1f2: {  	s5 =	sadd.s32 $0x10, s5;
	v63 =	vld.idx.msk [tilespmem:v24+s21+$0x0], $0xffff;
	v0 =	vadd.f32 v4, v0;
	v4 =	vmul.f32 v16, v47;
	v2 =	vadd.f32 v2, v8  }
0x1f3: {  	v8 =	vld [tilespmem:s5+$0x0];
	v10 =	vadd.f32 v10, v13;
	v13 =	vadd.f32 v62, v15;
	v15 =	vmul.f32 v58, v48  }
0x1f4: {  	v0 =	vadd.f32 v3, v0;
	v5 =	vmul.f32 v5, v52;
	v1 =	vadd.f32 v1, v2  }
0x1f5: {  	v2 =	vmul.f32 v14, v49;
	v3 =	vadd.f32 v4, v10;
	v4 =	vadd.f32 v15, v13  }
0x1f6: {  	v0 =	vadd.f32 v12, v0;
	v1 =	vadd.f32 v11, v1;
	v10 =	vmul.f32 v61, v50  }
0x1f7: {  	v2 =	vadd.f32 v2, v3;
	v3 =	vadd.f32 v5, v4;
	v4 =	vmul.f32 v63, v51  }
0x1f8: {  	v0 =	vadd.f32 v9, v0;
	v1 =	vadd.f32 v7, v1;
	v5 =	vshrl.u32 v8, $0xF  }
0x1f9: {  	v5 =	vand.u32 $0x60, v5;
	v2 =	vadd.f32 v10, v2;
	v3 =	vadd.f32 v4, v3  }
0x1fa: {  	v5 =	vor.u32 v6, v5  }
0x1fb: {  	v0 =	vadd.f32 v1, v0;
	v4 =	vor.u32 $0x1C, v5;
	v1 =	vadd.f32 v3, v2  }
0x1fc: {  	v2 =	vor.u32 $0x1D, v5  }
0x1fd: {  	v6 =	vor.u32 $0x18, v5;
	v0 =	vadd.f32 v1, v0  }
0x1fe: {  	p0 =	sne.s32 s6, $0xC0;
	s10 =	sadd.s32 $0x10, s10;
	v10 =	vor.u32 $0x19, v5  }
.Ltmp2:
0x1ff: {  	v8 =	vld.idx.msk [tilespmem:v5+s21+$0x0], $0xffff;
	[tilespmem:s10+$0x0] =	vst v0;
	(pc) =	sbr.rel @p0 .LBB2_7-.Ltmp2, $4  }
0x200: {  	v9 =	vld.idx.msk [tilespmem:v4+s21+$0x0], $0xffff  }
0x201: {  	v7 =	vld.idx.msk [tilespmem:v2+s21+$0x0], $0xffff  }
0x202: {  	v3 =	vor.u32 $0x14, v5;
	v1 =	vor.u32 $0x15, v5;
	v12 =	vld.idx.msk [tilespmem:v6+s21+$0x0], $0xffff  }
0x203: {  	s6 =	sadd.s32 $0x10, s6;
	v0 =	vor.u32 $0xC, v5;
	v4 =	vor.u32 $0x10, v5;
	v2 =	vor.u32 $0x11, v5;
	v11 =	vld.idx.msk [tilespmem:v10+s21+$0x0], $0xffff  }
0x204: {  	_ =	sdelay $0x3  }
0x205: {  	v3 =	vld.idx.msk [tilespmem:v3+s21+$0x0], $0xffff  }
0x206: {  	v1 =	vld.idx.msk [tilespmem:v1+s21+$0x0], $0xffff  }
0x207: {  	v6 =	vor.u32 $0xD, v5;
	v4 =	vld.idx.msk [tilespmem:v4+s21+$0x0], $0xffff  }
0x208: {  	v10 =	vor.u32 $0x8, v5;
	v2 =	vld.idx.msk [tilespmem:v2+s21+$0x0], $0xffff  }
0x209: {  	v13 =	vor.u32 $0x9, v5;
	v0 =	vld.idx.msk [tilespmem:v0+s21+$0x0], $0xffff  }
0x20a: {  	v14 =	vor.u32 $0x4, v5;
	v30 =	vld [tilespmem:$0x1FDA0]  }
0x20b: {  	v15 =	vor.u32 $0x5, v5;
	v59 =	vld [tilespmem:$0x1FDB0]  }
0x20c: {  	v16 =	vor.u32 $0x1, v5;
	v6 =	vld.idx.msk [tilespmem:v6+s21+$0x0], $0xffff  }
0x20d: {  	v17 =	vor.u32 $0x2, v5;
	v10 =	vld.idx.msk [tilespmem:v10+s21+$0x0], $0xffff  }
0x20e: {  	v13 =	vld.idx.msk [tilespmem:v13+s21+$0x0], $0xffff  }
0x20f: {  	v18 =	vor.u32 $0x3, v5;
	v19 =	vor.u32 $0x6, v5;
	v20 =	vor.u32 $0x1E, v5;
	v14 =	vld.idx.msk [tilespmem:v14+s21+$0x0], $0xffff  }
0x210: {  	v21 =	vor.u32 $0x7, v5;
	v22 =	vor.u32 $0x1A, v5;
	v23 =	vor.u32 $0x1F, v5;
	v15 =	vld.idx.msk [tilespmem:v15+s21+$0x0], $0xffff  }
0x211: {  	v8 =	vmul.f32 v8, v32;
	v24 =	vor.u32 $0xA, v5;
	v25 =	vor.u32 $0xB, v5;
	v16 =	vld.idx.msk [tilespmem:v16+s21+$0x0], $0xffff  }
0x212: {  	v60 =	vor.u32 $0xE, v5;
	v9 =	vmul.f32 v9, v55;
	v7 =	vmul.f32 v7, v56;
	v17 =	vld.idx.msk [tilespmem:v17+s21+$0x0], $0xffff  }
0x213: {  	v61 =	vor.u32 $0xF, v5;
	v12 =	vmul.f32 v12, v33;
	v2 =	vmul.f32 v2, v53;
	v53 =	vld [tilespmem:$0x1FD90]  }
0x214: {  	v62 =	vor.u32 $0x12, v5;
	v11 =	vmul.f32 v11, v31;
	v3 =	vmul.f32 v3, v35;
	v18 =	vld.idx.msk [tilespmem:v18+s21+$0x0], $0xffff  }
0x215: {  	v63 =	vor.u32 $0x13, v5;
	v4 =	vmul.f32 v4, v36;
	v1 =	vmul.f32 v1, v54;
	v19 =	vld.idx.msk [tilespmem:v19+s21+$0x0], $0xffff  }
0x216: {  	v57 =	vor.u32 $0x1B, v5;
	v0 =	vmul.f32 v0, v37;
	v21 =	vld.idx.msk [tilespmem:v21+s21+$0x0], $0xffff;
	v10 =	vmul.f32 v10, v38  }
0x217: {  	v8 =	vadd.f32 $0.0e+00, v8;
	v24 =	vld.idx.msk [tilespmem:v24+s21+$0x0], $0xffff;
	v6 =	vmul.f32 v6, v34;
	v14 =	vmul.f32 v14, v41  }
0x218: {  	v25 =	vld.idx.msk [tilespmem:v25+s21+$0x0], $0xffff;
	v54 =	vor.u32 $0x17, v5;
	v13 =	vmul.f32 v13, v39;
	v16 =	vmul.f32 v16, v53  }
0x219: {  	v56 =	vld.idx.msk [tilespmem:v60+s21+$0x0], $0xffff;
	v41 =	vor.u32 $0x16, v5;
	v17 =	vmul.f32 v17, v30;
	v18 =	vmul.f32 v18, v44  }
0x21a: {  	v58 =	vld.idx.msk [tilespmem:v61+s21+$0x0], $0xffff;
	v15 =	vmul.f32 v15, v40;
	v19 =	vmul.f32 v19, v59;
	v16 =	vadd.f32 $0.0e+00, v16  }
0x21b: {  	v60 =	vld.idx.msk [tilespmem:v62+s21+$0x0], $0xffff;
	v21 =	vmul.f32 v21, v29;
	v17 =	vadd.f32 $0.0e+00, v17;
	v18 =	vadd.f32 $0.0e+00, v18  }
0x21c: {  	v61 =	vld.idx.msk [tilespmem:v63+s21+$0x0], $0xffff;
	v63 =	vmul.f32 v24, v42;
	v8 =	vadd.f32 v14, v8;
	v62 =	vadd.f32 v15, v16  }
0x21d: {  	v32 =	vmul.f32 v25, v43;
	v33 =	vld.idx.msk [tilespmem:v54+s21+$0x0], $0xffff;
	v17 =	vadd.f32 v19, v17;
	v18 =	vadd.f32 v21, v18  }
0x21e: {  	v38 =	vmul.f32 v56, v26;
	v8 =	vadd.f32 v10, v8;
	v30 =	vld.idx.msk [tilespmem:v41+s21+$0x0], $0xffff;
	v34 =	vadd.f32 v13, v62  }
0x21f: {  	v39 =	vld.idx.msk [tilespmem:v22+s21+$0x0], $0xffff;
	v41 =	vmul.f32 v58, v28;
	v15 =	vadd.f32 v63, v17;
	v40 =	vadd.f32 v32, v18  }
0x220: {  	v5 =	vld.idx.msk [tilespmem:v57+s21+$0x0], $0xffff;
	v42 =	vmul.f32 v60, v45;
	v0 =	vadd.f32 v0, v8;
	v6 =	vadd.f32 v6, v34  }
0x221: {  	v43 =	vld.idx.msk [tilespmem:v20+s21+$0x0], $0xffff;
	v45 =	vmul.f32 v61, v46;
	v13 =	vadd.f32 v38, v15;
	v44 =	vadd.f32 v41, v40  }
0x222: {  	v46 =	vld.idx.msk [tilespmem:v23+s21+$0x0], $0xffff;
	v56 =	vmul.f32 v33, v48;
	v0 =	vadd.f32 v4, v0;
	v2 =	vadd.f32 v2, v6  }
0x223: {  	v53 =	vmul.f32 v30, v47;
	v54 =	vadd.f32 v42, v13;
	v55 =	vadd.f32 v45, v44  }
0x224: {  	v57 =	vmul.f32 v39, v49;
	v0 =	vadd.f32 v3, v0;
	v1 =	vadd.f32 v1, v2  }
0x225: {  	v5 =	vmul.f32 v5, v52;
	v58 =	vadd.f32 v53, v54;
	v59 =	vadd.f32 v56, v55  }
0x226: {  	v60 =	vmul.f32 v43, v50;
	v0 =	vadd.f32 v12, v0;
	v1 =	vadd.f32 v11, v1  }
0x227: {  	v62 =	vmul.f32 v46, v51;
	v2 =	vadd.f32 v57, v58;
	v61 =	vadd.f32 v5, v59  }
0x228: {  	v0 =	vadd.f32 v9, v0;
	v1 =	vadd.f32 v7, v1  }
0x229: {  	v2 =	vadd.f32 v60, v2;
	v3 =	vadd.f32 v62, v61  }
0x22a: {  	s0 =	sadd.s32 $0x1, s0  }
0x22b: {  	s1 =	smul.u32 $0xC8, s1;
	p0 =	sne.s32 s0, $0x40;
	v0 =	vadd.f32 v1, v0;
	v63 =	vadd.f32 v3, v2  }
.Ltmp3:
0x22c: {  	_ = 	snop;
	(pc) =	sbr.rel @p0 .LBB2_2-.Ltmp3, $4  }
0x22d: {  	s1 =	sadd.s32 s8, s1;
	v0 =	vadd.f32 v63, v0  }
0x22e: {  	s5 =	sadd.s32 $0x10, s10;
	s1 =	sshrl.u32 s1, $0x3  }
0x22f: {  	s1 =	sadd.s32 s2, s1;
	[tilespmem:s5+$0x0] =	vst v0  }
0x230: {  	[hbm4b:s1+s3] =	stream.linear.scatter [tilespmem:s28], [sflag:$0x4], $0xC8, $0x38;
	[tilespmem:$0x14928] =	vst v63  }
0x231: {  	s0 =	simm.s32 $0x3  }
0x232: {  	_ =	swait.ge [sflag:s0], $0xC8  }
0x233: {  	[sflag:s0] =	ssyncset.done $0x0  }
0x234: {  	[sflag:s0] =	ssyncadd.s32 $0xFFFFFF38  }
0x235: {  	_ =	swait.ge [sflag:s30], $0xC8  }
0x236: {  	s31 =	sadd.s32 $0x1, s31;
	s29 =	rddreg [dreg:$0x6]  }
0x237: {  	p0 =	sne.s32 s31, s29  }
.Ltmp4:
0x238: {  	_ = 	snop;
	(pc) =	sbr.rel @p0 .LBB2_1-.Ltmp4, $3  }
0x239: {  	_ =	sdelay $0x1  }
0x23a: {  	[sflag:s30] =	ssyncset.done $0x0  }
0x23b: {  	[sflag:s30] =	ssyncadd.s32 $0xFFFFFF38  }
0x23c: {  	_ =	sfence.sel $0x180000  }
0x23d: {  	[bflag:$0x0] =	sbarrier.arrive $0xFFFF  }
0x23e: {  	_ =	strace $0x90000047  }
0x23f: {  	s0 =	stileid.u32;
	[bflag:$0x2] =	sbarrier.arrive $0xFFFF  }
0x240: {  	p0 =	sne.s32 s0, $0x0;
	s0 =	rddreg [dreg:$0x2]  }
0x241: {  	s0 =	sadd.s32 @!p0 $0x100000, s0  }
0x242: {  	[sflag:s0] =	ssyncadd.tile.s32 @!p0 $0x1;
	_ =	shalt  }
.Lfunc_end2:
_tile_overlayer_lowered:
.L_overlay_start_2:
0x243: {  	(tag) =	ssettag $0x2  }
0x244: {  	s0 =	rddreg [dreg:$0x0];
	s2 =	stileid.u32  }
0x245: {  	s1 =	rddreg [dreg:$0x1];
	p0 =	sne.s32 s2, $0x0  }
0x246: {  	s3 =	rddreg [dreg:$0x2];
	[bflag:$0x3] =	sbarrier.arrive $0xFFFF;
	s2 =	simm.s32 @!p0 $0x1C05  }
0x247: {  	[timem:s3], [sflag:s2] =	dma.local @!p0 [hbm:s0], s1  }
0x248: {  	s0 =	simm.s32 @!p0 $0x5  }
0x249: {  	_ =	swait.ge @!p0 [sflag:s0], s1  }
0x24a: {  	s1 =	ssub.s32 @!p0 $0x0, s1;
	[sflag:s0] =	ssyncset.done @!p0 $0x0  }
0x24b: {  	[sflag:s0] =	ssyncadd.s32 @!p0 s1  }
0x24c: {  	[bflag:$0x3] =	sbarrier.arrive $0xFFFF  }
0x24d: {  	_ =	shalt  }

</sc_bundles>
